<compile_context>
chip_gen: v7x
topology: tpu7x:2x2x1
jax: 0.10.2.dev20260603
libtpu: 0.0.44.dev20260713+nightly
codegen_flags: <defaults>
</compile_context>

<pallas_src>
import functools

import jax
import jax.numpy as jnp
from jax import lax
from jax.experimental import pallas as pl
from jax.experimental.pallas import tpu as pltpu
from jax.experimental.pallas import tpu_sc as plsc

N = 10000
D = 128
N_PAD = 10240
BLK = 1024

NC = 2
NS = 16
CH = 128
DH = D // NC
ROWS_PER_TILE = N_PAD // NS


def _leaky(x):
    return jnp.where(x > 0, x, 0.1 * x)


def _dot3(a, b):
    return jnp.dot(a.astype(jnp.bfloat16), b.astype(jnp.bfloat16),
                   preferred_element_type=jnp.float32)


def _mlp_kernel(x_ref, w1_ref, b1_ref, w2_ref, b2_ref, s_ref, o0_ref, o1_ref):
    h = _leaky(_dot3(x_ref[...], w1_ref[...]) + b1_ref[...])
    o = _dot3(h, w2_ref[...]) + b2_ref[...]
    o = o * s_ref[0, 0]
    o0_ref[...] = o[:, :DH]
    o1_ref[...] = o[:, DH:]


def _mlp(x, w1, b1, w2, b2, scale):
    rows, din = x.shape
    dh = w1.shape[1]
    grid = rows // BLK
    return pl.pallas_call(
        _mlp_kernel,
        grid=(grid,),
        in_specs=[
            pl.BlockSpec((BLK, din), lambda i: (i, 0)),
            pl.BlockSpec((din, dh), lambda i: (0, 0)),
            pl.BlockSpec((1, dh), lambda i: (0, 0)),
            pl.BlockSpec((dh, D), lambda i: (0, 0)),
            pl.BlockSpec((1, D), lambda i: (0, 0)),
            pl.BlockSpec((1, 1), lambda i: (0, 0)),
        ],
        out_specs=[pl.BlockSpec((BLK, DH), lambda i: (i, 0))] * 2,
        out_shape=[jax.ShapeDtypeStruct((rows, DH), jnp.float32)] * 2,
    )(x, w1, b1.reshape(1, -1), w2, b2.reshape(1, -1), scale.reshape(1, 1))


EBLK = 8000


def _edge_mlp_kernel(x_ref, w1_ref, b1_ref, w20_ref, w21_ref, b20_ref,
                     b21_ref, o0_ref, o1_ref):
    h = _leaky(_dot3(x_ref[...], w1_ref[...]) + b1_ref[...])
    o0_ref[...] = _dot3(h, w20_ref[...]) + b20_ref[...]
    o1_ref[...] = _dot3(h, w21_ref[...]) + b21_ref[...]


def _edge_mlp(ea, w1, b1, w2, b2, scale):
    rows, din = ea.shape
    dh = w1.shape[1]
    zz = jnp.zeros_like(w1)
    w1p = jnp.block([[w1, zz], [zz, w1]])
    b1p = jnp.concatenate([b1, b1]).reshape(1, -1)
    z2 = jnp.zeros((dh, DH), jnp.float32)
    w20 = jnp.block([[w2[:, :DH] * scale[0], z2], [z2, w2[:, :DH] * scale[0]]])
    w21 = jnp.block([[w2[:, DH:] * scale[0], z2], [z2, w2[:, DH:] * scale[0]]])
    b20 = jnp.concatenate([b2[:DH], b2[:DH]]).reshape(1, -1) * scale[0]
    b21 = jnp.concatenate([b2[DH:], b2[DH:]]).reshape(1, -1) * scale[0]
    grid = rows // EBLK
    return pl.pallas_call(
        _edge_mlp_kernel,
        grid=(grid,),
        in_specs=[
            pl.BlockSpec((EBLK, din), lambda i: (i, 0)),
            pl.BlockSpec((din, 2 * dh), lambda i: (0, 0)),
            pl.BlockSpec((1, 2 * dh), lambda i: (0, 0)),
            pl.BlockSpec((2 * dh, D), lambda i: (0, 0)),
            pl.BlockSpec((2 * dh, D), lambda i: (0, 0)),
            pl.BlockSpec((1, D), lambda i: (0, 0)),
            pl.BlockSpec((1, D), lambda i: (0, 0)),
        ],
        out_specs=[pl.BlockSpec((EBLK, D), lambda i: (i, 0))] * 2,
        out_shape=[jax.ShapeDtypeStruct((rows, D), jnp.float32)] * 2,
    )(ea, w1p, b1p, w20, w21, b20, b21)


def _ln_kernel(x_ref, a0_ref, a1_ref, rw_ref, g_ref, b_ref, o_ref):
    agg = jnp.concatenate([a0_ref[...], a1_ref[...]], axis=1)
    out = x_ref[...] + agg * rw_ref[0, 0]
    mean = jnp.mean(out, axis=1, keepdims=True)
    cen = out - mean
    var = jnp.mean(cen * cen, axis=1, keepdims=True)
    o_ref[...] = cen * jax.lax.rsqrt(var + 1e-5) * g_ref[...] + b_ref[...]


def _ln_residual(x, a0, a1, rw, gamma, beta):
    rows = x.shape[0]
    return pl.pallas_call(
        _ln_kernel,
        grid=(rows // BLK,),
        in_specs=[
            pl.BlockSpec((BLK, D), lambda i: (i, 0)),
            pl.BlockSpec((BLK, DH), lambda i: (i, 0)),
            pl.BlockSpec((BLK, DH), lambda i: (i, 0)),
            pl.BlockSpec((1, 1), lambda i: (0, 0)),
            pl.BlockSpec((1, D), lambda i: (0, 0)),
            pl.BlockSpec((1, D), lambda i: (0, 0)),
        ],
        out_specs=pl.BlockSpec((BLK, D), lambda i: (i, 0)),
        out_shape=jax.ShapeDtypeStruct((rows, D), jnp.float32),
    )(x, a0, a1, rw.reshape(1, 1), gamma.reshape(1, -1), beta.reshape(1, -1))


HCH = CH // 2


def _sc_agg(xt0, xt1, te0, te1, sd):
    nchunk = sd.shape[0]
    pairs = ((nchunk + NS - 1) // NS + 1) // 2
    mesh = plsc.VectorSubcoreMesh(core_axis_name="c", subcore_axis_name="s")

    @functools.partial(
        pl.kernel,
        out_type=[jax.ShapeDtypeStruct((N_PAD, DH), jnp.float32)] * 2,
        mesh=mesh,
        scratch_types=[
            pltpu.VMEM((2, 2, CH), jnp.int32),
            pltpu.VMEM((2, CH, DH), jnp.float32),
            pltpu.VMEM((2, HCH, D), jnp.float32),
            pltpu.VMEM((CH, DH), jnp.float32),
            pltpu.VMEM_SHARED((N_PAD, DH), jnp.float32),
            pltpu.SemaphoreType.DMA,
            pltpu.SemaphoreType.DMA,
            pltpu.SemaphoreType.DMA,
            pltpu.SemaphoreType.DMA,
            pltpu.SemaphoreType.DMA,
            pltpu.SemaphoreType.DMA,
        ],
        compiler_params=pltpu.CompilerParams(use_tc_tiling_on_sc=False),
    )
    def k(xt0_hbm, xt1_hbm, te0_hbm, te1_hbm, sd_hbm,
          out0_hbm, out1_hbm, sdb, rows, tev, zbuf, table,
          si0, si1, sg0, sg1, st0, st1):
        c = lax.axis_index("c")
        s = lax.axis_index("s")
        sem_i = [si0, si1]
        sem_g = [sg0, sg1]
        sem_t = [st0, st1]

        @pl.loop(0, CH)
        def _(r):
            @pl.loop(0, DH // 16)
            def _(j):
                zbuf[r, pl.ds(j * 16, 16)] = jnp.zeros((16,), jnp.float32)

        @pl.loop(0, ROWS_PER_TILE // CH)
        def _(kk):
            pltpu.sync_copy(zbuf, table.at[pl.ds(s * ROWS_PER_TILE + kk * CH, CH)])

        plsc.subcore_barrier()

        def run(xt_hbm, te_hbm):
            def load_idx(b, g):
                pltpu.async_copy(sd_hbm.at[g], sdb.at[b], sem_i[b])

            def wait_idx(b):
                pltpu.make_async_copy(sd_hbm.at[0], sdb.at[b], sem_i[b]).wait()

            def load_data(b, g):
                pltpu.async_copy(xt_hbm.at[sdb.at[b, 0]], rows.at[b], sem_g[b])
                pltpu.async_copy(te_hbm.at[pl.ds(g * HCH, HCH)], tev.at[b],
                                 sem_t[b])

            def wait_data(b):
                pltpu.make_async_copy(xt_hbm.at[pl.ds(0, CH)], rows.at[b],
                                      sem_g[b]).wait()
                pltpu.make_async_copy(te_hbm.at[pl.ds(0, HCH)], tev.at[b],
                                      sem_t[b]).wait()

            def compute(b):
                @pl.loop(0, HCH)
                def _(r):
                    for p in range(2):
                        for j in range(DH // 16):
                            rows[b, 2 * r + p, pl.ds(j * 16, 16)] = (
                                rows[b, 2 * r + p, pl.ds(j * 16, 16)]
                                * tev[b, r, pl.ds(p * DH + j * 16, 16)])

                pltpu.sync_copy(rows.at[b], table.at[sdb.at[b, 1]], add=True)

            load_idx(0, s)

            @pl.when(NS + s < nchunk)
            def _():
                load_idx(1, NS + s)

            wait_idx(0)
            load_data(0, s)

            @pl.loop(0, pairs)
            def _(ip):
                for b in range(2):
                    g = (2 * ip + b) * NS + s
                    g1 = g + NS
                    g2 = g1 + NS

                    @pl.when(g < nchunk)
                    def _():
                        @pl.when(g1 < nchunk)
                        def _():
                            wait_idx(1 - b)
                            load_data(1 - b, g1)

                        wait_data(b)
                        compute(b)

                        @pl.when(g2 < nchunk)
                        def _():
                            load_idx(b, g2)

        @pl.when(c == 0)
        def _():
            run(xt0_hbm, te0_hbm)

        @pl.when(c == 1)
        def _():
            run(xt1_hbm, te1_hbm)

        plsc.subcore_barrier()

        def writeout(out_hbm):
            @pl.loop(0, ROWS_PER_TILE // CH)
            def _(kk):
                r0 = s * ROWS_PER_TILE + kk * CH
                pltpu.sync_copy(table.at[pl.ds(r0, CH)], out_hbm.at[pl.ds(r0, CH)])

        @pl.when(c == 0)
        def _():
            writeout(out0_hbm)

        @pl.when(c == 1)
        def _():
            writeout(out1_hbm)

    return k(xt0, xt1, te0, te1, sd)


def kernel(x, edge_index, edge_attr, nt_W1, nt_b1, nt_W2, nt_b2,
           et_W1, et_b1, et_W2, et_b2, residual_weight, dot_product_scale,
           ln_gamma, ln_beta):
    e = edge_index.shape[1]
    sd = edge_index.astype(jnp.int32).reshape(2, e // CH, CH).transpose(1, 0, 2)
    x_p = jnp.pad(x, ((0, N_PAD - N), (0, 0)))

    one = jnp.ones((1,), jnp.float32)
    xt0, xt1 = _mlp(x_p, nt_W1, nt_b1, nt_W2, nt_b2, one)
    ea_pair = edge_attr.reshape(e // 2, 2 * edge_attr.shape[1])
    te0, te1 = _edge_mlp(ea_pair, et_W1, et_b1, et_W2, et_b2,
                         dot_product_scale)

    agg0, agg1 = _sc_agg(xt0, xt1, te0, te1, sd)

    out = _ln_residual(x_p, agg0, agg1, residual_weight, ln_gamma, ln_beta)
    return out[:N]

# --- scband reference (transcript-rebuilt; emitter-appended) ---
"""Pipeline reference for scband-efficient-graph-conv-48696339202115 (READ-ONLY COPY).

The authoritative reference and input builder live on the scoring server;
editing this copy changes nothing except your own understanding.
"""

import jax, jax.numpy as jnp
import numpy as np

N = 10000
E = 320000
D = 128
DE = 16

def _leaky(x):
    return jnp.where(x > 0, x, 0.1 * x)

def setup_inputs(seed: int = 0) -> dict:
    key = jax.random.key(seed)
    ks = jax.random.split(key, 16)
    x = jax.random.normal(ks[0], (N, D), dtype=jnp.float32)
    edge_index = jax.random.randint(ks[1], (2, E), 0, N, dtype=jnp.int64)
    edge_attr = jax.random.normal(ks[2], (E, DE), dtype=jnp.float32)
    s = 0.05
    nt_W1 = jax.random.normal(ks[3], (D, 2 * D), dtype=jnp.float32) * s
    nt_b1 = jnp.zeros((2 * D,), dtype=jnp.float32)
    nt_W2 = jax.random.normal(ks[4], (2 * D, D), dtype=jnp.float32) * s
    nt_b2 = jnp.zeros((D,), dtype=jnp.float32)
    et_W1 = jax.random.normal(ks[5], (DE, D), dtype=jnp.float32) * s
    et_b1 = jnp.zeros((D,), dtype=jnp.float32)
    et_W2 = jax.random.normal(ks[6], (D, D), dtype=jnp.float32) * s
    et_b2 = jnp.zeros((D,), dtype=jnp.float32)
    residual_weight = jnp.ones((1,), dtype=jnp.float32)
    dot_product_scale = jnp.ones((1,), dtype=jnp.float32)
    ln_gamma = jnp.ones((D,), dtype=jnp.float32)
    ln_beta = jnp.zeros((D,), dtype=jnp.float32)
    return {
        'x': x, 'edge_index': edge_index, 'edge_attr': edge_attr,
        'nt_W1': nt_W1, 'nt_b1': nt_b1, 'nt_W2': nt_W2, 'nt_b2': nt_b2,
        'et_W1': et_W1, 'et_b1': et_b1, 'et_W2': et_W2, 'et_b2': et_b2,
        'residual_weight': residual_weight, 'dot_product_scale': dot_product_scale,
        'ln_gamma': ln_gamma, 'ln_beta': ln_beta,
    }

def reference(x, edge_index, edge_attr, nt_W1, nt_b1, nt_W2, nt_b2,
              et_W1, et_b1, et_W2, et_b2, residual_weight, dot_product_scale,
              ln_gamma, ln_beta):
    # node_transform: Linear -> LeakyReLU(0.1) -> (dropout is identity in eval) -> Linear
    x_t = _leaky(x @ nt_W1 + nt_b1) @ nt_W2 + nt_b2
    # edge_feature_transform
    te = _leaky(edge_attr @ et_W1 + et_b1) @ et_W2 + et_b2
    src = edge_index[0]
    dst = edge_index[1]
    # per-edge elementwise interaction (gather), then scatter-add to dst
    msg = x_t[src] * te * dot_product_scale
    aggregated = jax.ops.segment_sum(msg, dst, num_segments=x.shape[0])
    out = x + aggregated * residual_weight
    # LayerNorm (eps=1e-5)
    mean = jnp.mean(out, axis=-1, keepdims=True)
    var = jnp.var(out, axis=-1, keepdims=True)
    out = (out - mean) / jnp.sqrt(var + 1e-5) * ln_gamma + ln_beta
    return out

if __name__ == "__main__":
    import jax
    _d = setup_inputs()
    print(jax.jit(kernel)(*tuple(_d.values())))

</pallas_src>

<mosaic_0001>
#map = affine_map<(d0, d1) -> (0, 0)>
#map1 = affine_map<(d0, d1) -> (0, 0, 0)>
module attributes {stable_mosaic.version = 14 : i64} {
  func.func @k(%arg0: i32, %arg1: i32, %arg2: memref<10240x64xf32, #tpu.memory_space<hbm>>, %arg3: memref<10240x64xf32, #tpu.memory_space<hbm>>, %arg4: memref<160000x128xf32, #tpu.memory_space<hbm>>, %arg5: memref<160000x128xf32, #tpu.memory_space<hbm>>, %arg6: memref<2500x2x128xi32, #tpu.memory_space<hbm>>, %arg7: memref<10240x64xf32, #tpu.memory_space<hbm>>, %arg8: memref<10240x64xf32, #tpu.memory_space<hbm>>, %arg9: memref<2x2x128xi32, #tpu.memory_space<vmem>>, %arg10: memref<2x128x64xf32, #tpu.memory_space<vmem>>, %arg11: memref<2x64x128xf32, #tpu.memory_space<vmem>>, %arg12: memref<128x64xf32, #tpu.memory_space<vmem>>, %arg13: memref<10240x64xf32, #tpu.memory_space<vmem_shared>>, %arg14: memref<!tpu.dma_semaphore, #tpu.memory_space<semaphore_mem>>, %arg15: memref<!tpu.dma_semaphore, #tpu.memory_space<semaphore_mem>>, %arg16: memref<!tpu.dma_semaphore, #tpu.memory_space<semaphore_mem>>, %arg17: memref<!tpu.dma_semaphore, #tpu.memory_space<semaphore_mem>>, %arg18: memref<!tpu.dma_semaphore, #tpu.memory_space<semaphore_mem>>, %arg19: memref<!tpu.dma_semaphore, #tpu.memory_space<semaphore_mem>>) attributes {dimension_semantics = [#tpu.dimension_semantics<core_parallel>, #tpu.dimension_semantics<subcore_parallel>], iteration_bounds = array<i64: 2, 16>, scalar_prefetch = 0 : i64, scratch_operands = 11 : i64, tpu.core_type = #tpu.core_type<sc_vector_subcore>, window_params = [{transform_indices = #map}, {transform_indices = #map}, {transform_indices = #map}, {transform_indices = #map}, {transform_indices = #map1}, {transform_indices = #map}, {transform_indices = #map}]} {
    %scan3A = arith.constant 0 : i32
    %scan3A_0 = arith.constant 128 : i32
    %scan3A_1 = arith.addi %scan3A, %scan3A_0 : i32
    %scan3A_2 = arith.constant 1 : i32
    scf.for %scan3A_27 = %scan3A to %scan3A_1 step %scan3A_2  : i32 {
      %mul3A = arith.constant 1 : i32
      %mul3A_28 = arith.muli %scan3A_27, %mul3A : i32
      %add3A = arith.constant 0 : i32
      %add3A_29 = arith.addi %add3A, %mul3A_28 : i32
      %scan3A_30 = arith.constant 0 : i32
      %scan3A_31 = arith.constant 4 : i32
      %scan3A_32 = arith.addi %scan3A_30, %scan3A_31 : i32
      %scan3A_33 = arith.constant 1 : i32
      scf.for %scan3A_35 = %scan3A_30 to %scan3A_32 step %scan3A_33  : i32 {
        %mul3A_36 = arith.constant 1 : i32
        %mul3A_37 = arith.muli %scan3A_35, %mul3A_36 : i32
        %add3A_38 = arith.constant 0 : i32
        %add3A_39 = arith.addi %add3A_38, %mul3A_37 : i32
        %broadcast_in_dim3A = arith.constant 0.000000e+00 : f32
        %broadcast_in_dim3A_40 = vector.broadcast %broadcast_in_dim3A : f32 to vector<16xf32>
        %mul3A_41 = arith.constant 16 : i32
        %mul3A_42 = arith.muli %add3A_39, %mul3A_41 : i32
        %swap3A = arith.index_cast %add3A_29 : i32 to index
        %swap3A_43 = arith.index_cast %mul3A_42 : i32 to index
        %swap3A_44 = tpu.vector_load %arg12[%swap3A, %swap3A_43] {strides = array<i32>} : memref<128x64xf32, #tpu.memory_space<vmem>>, vector<1x16xf32>,
        %swap3A_45 = vector.shape_cast %swap3A_44 : vector<1x16xf32> to vector<16xf32>
        %swap3A_46 = vector.shape_cast %broadcast_in_dim3A_40 : vector<16xf32> to vector<1x16xf32>
        tpu.vector_store %arg12[%swap3A, %swap3A_43], %swap3A_46 {strides = array<i32>} : memref<128x64xf32, #tpu.memory_space<vmem>>, vector<1x16xf32>,
      }
      %scan3A_34 = arith.constant 4 : i32
    }
    %scan3A_3 = arith.constant 128 : i32
    %scan3A_4 = arith.constant 0 : i32
    %scan3A_5 = arith.constant 5 : i32
    %scan3A_6 = arith.addi %scan3A_4, %scan3A_5 : i32
    %scan3A_7 = arith.constant 1 : i32
    scf.for %scan3A_27 = %scan3A_4 to %scan3A_6 step %scan3A_7  : i32 {
      %mul3A = arith.constant 1 : i32
      %mul3A_28 = arith.muli %scan3A_27, %mul3A : i32
      %add3A = arith.constant 0 : i32
      %add3A_29 = arith.addi %add3A, %mul3A_28 : i32
      %mul3A_30 = arith.constant 640 : i32
      %mul3A_31 = arith.muli %arg1, %mul3A_30 : i32
      %mul3A_32 = arith.constant 128 : i32
      %mul3A_33 = arith.muli %add3A_29, %mul3A_32 : i32
      %add3A_34 = arith.addi %mul3A_31, %mul3A_33 : i32
      "tpu.region"() ({
        %run_scoped3A = tpu.sem_alloc : memref<!tpu.dma_semaphore, #tpu.memory_space<semaphore_mem>>
        %dma_start3A = arith.constant 0 : i32
        %dma_start3A_35 = tpu.memref_slice %arg13[%add3A_34, %dma_start3A] : memref<10240x64xf32, #tpu.memory_space<vmem_shared>> -> memref<128x64xf32, #tpu.memory_space<vmem_shared>>
        %dma_start3A_36 = arith.constant 0 : i32
        %dma_start3A_37 = tpu.memref_slice %arg13[%add3A_34, %dma_start3A_36] : memref<10240x64xf32, #tpu.memory_space<vmem_shared>> -> memref<128x64xf32, #tpu.memory_space<vmem_shared>>
        tpu.enqueue_dma source(%arg12 : memref<128x64xf32, #tpu.memory_space<vmem>>) target(%dma_start3A_37 : memref<128x64xf32, #tpu.memory_space<vmem_shared>>) target_semaphore(%run_scoped3A : memref<!tpu.dma_semaphore, #tpu.memory_space<semaphore_mem>>)
        %dma_wait3A = arith.constant 0 : i32
        %dma_wait3A_38 = tpu.memref_slice %arg13[%add3A_34, %dma_wait3A] : memref<10240x64xf32, #tpu.memory_space<vmem_shared>> -> memref<128x64xf32, #tpu.memory_space<vmem_shared>>
        %dma_wait3A_39 = arith.constant 0 : i32
        %dma_wait3A_40 = tpu.memref_slice %arg13[%add3A_34, %dma_wait3A_39] : memref<10240x64xf32, #tpu.memory_space<vmem_shared>> -> memref<128x64xf32, #tpu.memory_space<vmem_shared>>
        tpu.wait_dma2 semaphore(%run_scoped3A : memref<!tpu.dma_semaphore, #tpu.memory_space<semaphore_mem>>) src(%arg12 : memref<128x64xf32, #tpu.memory_space<vmem>>) dst(%dma_wait3A_40 : memref<128x64xf32, #tpu.memory_space<vmem_shared>>)
        tpu.yield
      }) : () -> ()
    }
    %scan3A_8 = arith.constant 5 : i32
    %barrier3A = arith.constant 0 : index
    tpu.barrier barrier_id(%barrier3A)
    %eq3A = arith.constant 0 : i32
    %eq3A_9 = arith.cmpi eq, %arg0, %eq3A : i32
    %convert_element_type3A = arith.extui %eq3A_9 : i1 to i32
    %cond3A = arith.constant 0 : i32
    %cond3A_10 = arith.cmpi ne, %convert_element_type3A, %cond3A : i32
    scf.if %cond3A_10 {
      %dma_start3A = arith.constant 0 : i32
      %dma_start3A_27 = arith.constant 0 : i32
      %dma_start3A_28 = arith.constant 0 : i32
      %dma_start3A_29 = tpu.memref_slice %arg9[%dma_start3A, %dma_start3A_27, %dma_start3A_28] : memref<2x2x128xi32, #tpu.memory_space<vmem>> -> memref<1x2x128xi32, #tpu.memory_space<vmem>>
      %dma_start3A_30 = tpu.memref_squeeze %dma_start3A_29 : memref<1x2x128xi32, #tpu.memory_space<vmem>> -> memref<2x128xi32, #tpu.memory_space<vmem>>
      %dma_start3A_31 = arith.constant 0 : i32
      %dma_start3A_32 = arith.constant 0 : i32
      %dma_start3A_33 = tpu.memref_slice %arg6[%arg1, %dma_start3A_31, %dma_start3A_32] : memref<2500x2x128xi32, #tpu.memory_space<hbm>> -> memref<1x2x128xi32, #tpu.memory_space<hbm>>
      %dma_start3A_34 = tpu.memref_squeeze %dma_start3A_33 : memref<1x2x128xi32, #tpu.memory_space<hbm>> -> memref<2x128xi32, #tpu.memory_space<hbm>>
      %dma_start3A_35 = arith.constant 0 : i32
      %dma_start3A_36 = arith.constant 0 : i32
      %dma_start3A_37 = tpu.memref_slice %arg9[%dma_start3A, %dma_start3A_35, %dma_start3A_36] : memref<2x2x128xi32, #tpu.memory_space<vmem>> -> memref<1x2x128xi32, #tpu.memory_space<vmem>>
      %dma_start3A_38 = tpu.memref_squeeze %dma_start3A_37 : memref<1x2x128xi32, #tpu.memory_space<vmem>> -> memref<2x128xi32, #tpu.memory_space<vmem>>
      %dma_start3A_39 = arith.constant 0 : i32
      %dma_start3A_40 = arith.constant 0 : i32
      %dma_start3A_41 = tpu.memref_slice %arg6[%arg1, %dma_start3A_39, %dma_start3A_40] : memref<2500x2x128xi32, #tpu.memory_space<hbm>> -> memref<1x2x128xi32, #tpu.memory_space<hbm>>
      %dma_start3A_42 = tpu.memref_squeeze %dma_start3A_41 : memref<1x2x128xi32, #tpu.memory_space<hbm>> -> memref<2x128xi32, #tpu.memory_space<hbm>>
      tpu.enqueue_dma source(%dma_start3A_42 : memref<2x128xi32, #tpu.memory_space<hbm>>) target(%dma_start3A_38 : memref<2x128xi32, #tpu.memory_space<vmem>>) target_semaphore(%arg14 : memref<!tpu.dma_semaphore, #tpu.memory_space<semaphore_mem>>)
      %add3A = arith.constant 16 : i32
      %add3A_43 = arith.addi %add3A, %arg1 : i32
      %lt3A = arith.constant 2500 : i32
      %lt3A_44 = arith.cmpi slt, %add3A_43, %lt3A : i32
      %convert_element_type3A_45 = arith.extui %lt3A_44 : i1 to i32
      %cond3A_46 = arith.constant 0 : i32
      %cond3A_47 = arith.cmpi ne, %convert_element_type3A_45, %cond3A_46 : i32
      scf.if %cond3A_47 {
        %add3A_97 = arith.constant 16 : i32
        %add3A_98 = arith.addi %add3A_97, %arg1 : i32
        %dma_start3A_99 = arith.constant 1 : i32
        %dma_start3A_100 = arith.constant 0 : i32
        %dma_start3A_101 = arith.constant 0 : i32
        %dma_start3A_102 = tpu.memref_slice %arg9[%dma_start3A_99, %dma_start3A_100, %dma_start3A_101] : memref<2x2x128xi32, #tpu.memory_space<vmem>> -> memref<1x2x128xi32, #tpu.memory_space<vmem>>
        %dma_start3A_103 = tpu.memref_squeeze %dma_start3A_102 : memref<1x2x128xi32, #tpu.memory_space<vmem>> -> memref<2x128xi32, #tpu.memory_space<vmem>>
        %dma_start3A_104 = arith.constant 0 : i32
        %dma_start3A_105 = arith.constant 0 : i32
        %dma_start3A_106 = tpu.memref_slice %arg6[%add3A_98, %dma_start3A_104, %dma_start3A_105] : memref<2500x2x128xi32, #tpu.memory_space<hbm>> -> memref<1x2x128xi32, #tpu.memory_space<hbm>>
        %dma_start3A_107 = tpu.memref_squeeze %dma_start3A_106 : memref<1x2x128xi32, #tpu.memory_space<hbm>> -> memref<2x128xi32, #tpu.memory_space<hbm>>
        %dma_start3A_108 = arith.constant 0 : i32
        %dma_start3A_109 = arith.constant 0 : i32
        %dma_start3A_110 = tpu.memref_slice %arg9[%dma_start3A_99, %dma_start3A_108, %dma_start3A_109] : memref<2x2x128xi32, #tpu.memory_space<vmem>> -> memref<1x2x128xi32, #tpu.memory_space<vmem>>
        %dma_start3A_111 = tpu.memref_squeeze %dma_start3A_110 : memref<1x2x128xi32, #tpu.memory_space<vmem>> -> memref<2x128xi32, #tpu.memory_space<vmem>>
        %dma_start3A_112 = arith.constant 0 : i32
        %dma_start3A_113 = arith.constant 0 : i32
        %dma_start3A_114 = tpu.memref_slice %arg6[%add3A_98, %dma_start3A_112, %dma_start3A_113] : memref<2500x2x128xi32, #tpu.memory_space<hbm>> -> memref<1x2x128xi32, #tpu.memory_space<hbm>>
        %dma_start3A_115 = tpu.memref_squeeze %dma_start3A_114 : memref<1x2x128xi32, #tpu.memory_space<hbm>> -> memref<2x128xi32, #tpu.memory_space<hbm>>
        tpu.enqueue_dma source(%dma_start3A_115 : memref<2x128xi32, #tpu.memory_space<hbm>>) target(%dma_start3A_111 : memref<2x128xi32, #tpu.memory_space<vmem>>) target_semaphore(%arg15 : memref<!tpu.dma_semaphore, #tpu.memory_space<semaphore_mem>>)
      } else {
      }
      %dma_wait3A = arith.constant 0 : i32
      %dma_wait3A_48 = arith.constant 0 : i32
      %dma_wait3A_49 = arith.constant 0 : i32
      %dma_wait3A_50 = arith.constant 0 : i32
      %dma_wait3A_51 = tpu.memref_slice %arg9[%dma_wait3A_48, %dma_wait3A_49, %dma_wait3A_50] : memref<2x2x128xi32, #tpu.memory_space<vmem>> -> memref<1x2x128xi32, #tpu.memory_space<vmem>>
      %dma_wait3A_52 = tpu.memref_squeeze %dma_wait3A_51 : memref<1x2x128xi32, #tpu.memory_space<vmem>> -> memref<2x128xi32, #tpu.memory_space<vmem>>
      %dma_wait3A_53 = arith.constant 0 : i32
      %dma_wait3A_54 = arith.constant 0 : i32
      %dma_wait3A_55 = tpu.memref_slice %arg6[%dma_wait3A, %dma_wait3A_53, %dma_wait3A_54] : memref<2500x2x128xi32, #tpu.memory_space<hbm>> -> memref<1x2x128xi32, #tpu.memory_space<hbm>>
      %dma_wait3A_56 = tpu.memref_squeeze %dma_wait3A_55 : memref<1x2x128xi32, #tpu.memory_space<hbm>> -> memref<2x128xi32, #tpu.memory_space<hbm>>
      %dma_wait3A_57 = arith.constant 0 : i32
      %dma_wait3A_58 = arith.constant 0 : i32
      %dma_wait3A_59 = tpu.memref_slice %arg9[%dma_wait3A_48, %dma_wait3A_57, %dma_wait3A_58] : memref<2x2x128xi32, #tpu.memory_space<vmem>> -> memref<1x2x128xi32, #tpu.memory_space<vmem>>
      %dma_wait3A_60 = tpu.memref_squeeze %dma_wait3A_59 : memref<1x2x128xi32, #tpu.memory_space<vmem>> -> memref<2x128xi32, #tpu.memory_space<vmem>>
      %dma_wait3A_61 = arith.constant 0 : i32
      %dma_wait3A_62 = arith.constant 0 : i32
      %dma_wait3A_63 = tpu.memref_slice %arg6[%dma_wait3A, %dma_wait3A_61, %dma_wait3A_62] : memref<2500x2x128xi32, #tpu.memory_space<hbm>> -> memref<1x2x128xi32, #tpu.memory_space<hbm>>
      %dma_wait3A_64 = tpu.memref_squeeze %dma_wait3A_63 : memref<1x2x128xi32, #tpu.memory_space<hbm>> -> memref<2x128xi32, #tpu.memory_space<hbm>>
      tpu.wait_dma2 semaphore(%arg14 : memref<!tpu.dma_semaphore, #tpu.memory_space<semaphore_mem>>) src(%dma_wait3A_64 : memref<2x128xi32, #tpu.memory_space<hbm>>) dst(%dma_wait3A_60 : memref<2x128xi32, #tpu.memory_space<vmem>>)
      %dma_start3A_65 = arith.constant 0 : i32
      %dma_start3A_66 = arith.constant 0 : i32
      %dma_start3A_67 = arith.constant 0 : i32
      %dma_start3A_68 = arith.constant 0 : i32
      %dma_start3A_69 = arith.constant 0 : i32
      %dma_start3A_70 = tpu.memref_slice %arg10[%dma_start3A_67, %dma_start3A_68, %dma_start3A_69] : memref<2x128x64xf32, #tpu.memory_space<vmem>> -> memref<1x128x64xf32, #tpu.memory_space<vmem>>
      %dma_start3A_71 = tpu.memref_squeeze %dma_start3A_70 : memref<1x128x64xf32, #tpu.memory_space<vmem>> -> memref<128x64xf32, #tpu.memory_space<vmem>>
      %dma_start3A_72 = arith.constant 0 : i32
      %dma_start3A_73 = tpu.memref_slice %arg9[%dma_start3A_65, %dma_start3A_66, %dma_start3A_72] : memref<2x2x128xi32, #tpu.memory_space<vmem>> -> memref<1x1x128xi32, #tpu.memory_space<vmem>>
      %dma_start3A_74 = tpu.memref_squeeze %dma_start3A_73 : memref<1x1x128xi32, #tpu.memory_space<vmem>> -> memref<128xi32, #tpu.memory_space<vmem>>
      %dma_start3A_75 = arith.constant 0 : i32
      %dma_start3A_76 = arith.constant 0 : i32
      %dma_start3A_77 = tpu.memref_slice %arg2[%dma_start3A_75, %dma_start3A_76] : memref<10240x64xf32, #tpu.memory_space<hbm>> -> memref<10240x64xf32, #tpu.memory_space<hbm>>
      tpu.enqueue_indirect_dma source(%dma_start3A_77 : memref<10240x64xf32, #tpu.memory_space<hbm>>) target(%dma_start3A_71 : memref<128x64xf32, #tpu.memory_space<vmem>>) offsets(%dma_start3A_74 : memref<128xi32, #tpu.memory_space<vmem>>) semaphore(%arg16 : memref<!tpu.dma_semaphore, #tpu.memory_space<semaphore_mem>>)
      %mul3A = arith.constant 64 : i32
      %mul3A_78 = arith.muli %arg1, %mul3A : i32
      %dma_start3A_79 = arith.constant 0 : i32
      %dma_start3A_80 = arith.constant 0 : i32
      %dma_start3A_81 = arith.constant 0 : i32
      %dma_start3A_82 = tpu.memref_slice %arg11[%dma_start3A_79, %dma_start3A_80, %dma_start3A_81] : memref<2x64x128xf32, #tpu.memory_space<vmem>> -> memref<1x64x128xf32, #tpu.memory_space<vmem>>
      %dma_start3A_83 = tpu.memref_squeeze %dma_start3A_82 : memref<1x64x128xf32, #tpu.memory_space<vmem>> -> memref<64x128xf32, #tpu.memory_space<vmem>>
      %dma_start3A_84 = arith.constant 0 : i32
      %dma_start3A_85 = tpu.memref_slice %arg4[%mul3A_78, %dma_start3A_84] : memref<160000x128xf32, #tpu.memory_space<hbm>> -> memref<64x128xf32, #tpu.memory_space<hbm>>
      %dma_start3A_86 = arith.constant 0 : i32
      %dma_start3A_87 = arith.constant 0 : i32
      %dma_start3A_88 = tpu.memref_slice %arg11[%dma_start3A_79, %dma_start3A_86, %dma_start3A_87] : memref<2x64x128xf32, #tpu.memory_space<vmem>> -> memref<1x64x128xf32, #tpu.memory_space<vmem>>
      %dma_start3A_89 = tpu.memref_squeeze %dma_start3A_88 : memref<1x64x128xf32, #tpu.memory_space<vmem>> -> memref<64x128xf32, #tpu.memory_space<vmem>>
      %dma_start3A_90 = arith.constant 0 : i32
      %dma_start3A_91 = tpu.memref_slice %arg4[%mul3A_78, %dma_start3A_90] : memref<160000x128xf32, #tpu.memory_space<hbm>> -> memref<64x128xf32, #tpu.memory_space<hbm>>
      tpu.enqueue_dma source(%dma_start3A_91 : memref<64x128xf32, #tpu.memory_space<hbm>>) target(%dma_start3A_89 : memref<64x128xf32, #tpu.memory_space<vmem>>) target_semaphore(%arg18 : memref<!tpu.dma_semaphore, #tpu.memory_space<semaphore_mem>>)
      %scan3A_92 = arith.constant 0 : i32
      %scan3A_93 = arith.constant 79 : i32
      %scan3A_94 = arith.addi %scan3A_92, %scan3A_93 : i32
      %scan3A_95 = arith.constant 1 : i32
      scf.for %scan3A_97 = %scan3A_92 to %scan3A_94 step %scan3A_95  : i32 {
        %mul3A_98 = arith.constant 1 : i32
        %mul3A_99 = arith.muli %scan3A_97, %mul3A_98 : i32
        %add3A_100 = arith.constant 0 : i32
        %add3A_101 = arith.addi %add3A_100, %mul3A_99 : i32
        %mul3A_102 = arith.constant 2 : i32
        %mul3A_103 = arith.muli %mul3A_102, %add3A_101 : i32
        %add3A_104 = arith.constant 0 : i32
        %add3A_105 = arith.addi %mul3A_103, %add3A_104 : i32
        %mul3A_106 = arith.constant 16 : i32
        %mul3A_107 = arith.muli %add3A_105, %mul3A_106 : i32
        %add3A_108 = arith.addi %mul3A_107, %arg1 : i32
        %add3A_109 = arith.constant 16 : i32
        %add3A_110 = arith.addi %add3A_108, %add3A_109 : i32
        %add3A_111 = arith.constant 16 : i32
        %add3A_112 = arith.addi %add3A_110, %add3A_111 : i32
        %lt3A_113 = arith.constant 2500 : i32
        %lt3A_114 = arith.cmpi slt, %add3A_108, %lt3A_113 : i32
        %convert_element_type3A_115 = arith.extui %lt3A_114 : i1 to i32
        %cond3A_116 = arith.constant 0 : i32
        %cond3A_117 = arith.cmpi ne, %convert_element_type3A_115, %cond3A_116 : i32
        scf.if %cond3A_117 {
          %lt3A_134 = arith.constant 2500 : i32
          %lt3A_135 = arith.cmpi slt, %add3A_110, %lt3A_134 : i32
          %convert_element_type3A_136 = arith.extui %lt3A_135 : i1 to i32
          %cond3A_137 = arith.constant 0 : i32
          %cond3A_138 = arith.cmpi ne, %convert_element_type3A_136, %cond3A_137 : i32
          scf.if %cond3A_138 {
            %dma_wait3A_181 = arith.constant 0 : i32
            %dma_wait3A_182 = arith.constant 1 : i32
            %dma_wait3A_183 = arith.constant 0 : i32
            %dma_wait3A_184 = arith.constant 0 : i32
            %dma_wait3A_185 = tpu.memref_slice %arg9[%dma_wait3A_182, %dma_wait3A_183, %dma_wait3A_184] : memref<2x2x128xi32, #tpu.memory_space<vmem>> -> memref<1x2x128xi32, #tpu.memory_space<vmem>>
            %dma_wait3A_186 = tpu.memref_squeeze %dma_wait3A_185 : memref<1x2x128xi32, #tpu.memory_space<vmem>> -> memref<2x128xi32, #tpu.memory_space<vmem>>
            %dma_wait3A_187 = arith.constant 0 : i32
            %dma_wait3A_188 = arith.constant 0 : i32
            %dma_wait3A_189 = tpu.memref_slice %arg6[%dma_wait3A_181, %dma_wait3A_187, %dma_wait3A_188] : memref<2500x2x128xi32, #tpu.memory_space<hbm>> -> memref<1x2x128xi32, #tpu.memory_space<hbm>>
            %dma_wait3A_190 = tpu.memref_squeeze %dma_wait3A_189 : memref<1x2x128xi32, #tpu.memory_space<hbm>> -> memref<2x128xi32, #tpu.memory_space<hbm>>
            %dma_wait3A_191 = arith.constant 0 : i32
            %dma_wait3A_192 = arith.constant 0 : i32
            %dma_wait3A_193 = tpu.memref_slice %arg9[%dma_wait3A_182, %dma_wait3A_191, %dma_wait3A_192] : memref<2x2x128xi32, #tpu.memory_space<vmem>> -> memref<1x2x128xi32, #tpu.memory_space<vmem>>
            %dma_wait3A_194 = tpu.memref_squeeze %dma_wait3A_193 : memref<1x2x128xi32, #tpu.memory_space<vmem>> -> memref<2x128xi32, #tpu.memory_space<vmem>>
            %dma_wait3A_195 = arith.constant 0 : i32
            %dma_wait3A_196 = arith.constant 0 : i32
            %dma_wait3A_197 = tpu.memref_slice %arg6[%dma_wait3A_181, %dma_wait3A_195, %dma_wait3A_196] : memref<2500x2x128xi32, #tpu.memory_space<hbm>> -> memref<1x2x128xi32, #tpu.memory_space<hbm>>
            %dma_wait3A_198 = tpu.memref_squeeze %dma_wait3A_197 : memref<1x2x128xi32, #tpu.memory_space<hbm>> -> memref<2x128xi32, #tpu.memory_space<hbm>>
            tpu.wait_dma2 semaphore(%arg15 : memref<!tpu.dma_semaphore, #tpu.memory_space<semaphore_mem>>) src(%dma_wait3A_198 : memref<2x128xi32, #tpu.memory_space<hbm>>) dst(%dma_wait3A_194 : memref<2x128xi32, #tpu.memory_space<vmem>>)
            %dma_start3A_199 = arith.constant 1 : i32
            %dma_start3A_200 = arith.constant 0 : i32
            %dma_start3A_201 = arith.constant 1 : i32
            %dma_start3A_202 = arith.constant 0 : i32
            %dma_start3A_203 = arith.constant 0 : i32
            %dma_start3A_204 = tpu.memref_slice %arg10[%dma_start3A_201, %dma_start3A_202, %dma_start3A_203] : memref<2x128x64xf32, #tpu.memory_space<vmem>> -> memref<1x128x64xf32, #tpu.memory_space<vmem>>
            %dma_start3A_205 = tpu.memref_squeeze %dma_start3A_204 : memref<1x128x64xf32, #tpu.memory_space<vmem>> -> memref<128x64xf32, #tpu.memory_space<vmem>>
            %dma_start3A_206 = arith.constant 0 : i32
            %dma_start3A_207 = tpu.memref_slice %arg9[%dma_start3A_199, %dma_start3A_200, %dma_start3A_206] : memref<2x2x128xi32, #tpu.memory_space<vmem>> -> memref<1x1x128xi32, #tpu.memory_space<vmem>>
            %dma_start3A_208 = tpu.memref_squeeze %dma_start3A_207 : memref<1x1x128xi32, #tpu.memory_space<vmem>> -> memref<128xi32, #tpu.memory_space<vmem>>
            %dma_start3A_209 = arith.constant 0 : i32
            %dma_start3A_210 = arith.constant 0 : i32
            %dma_start3A_211 = tpu.memref_slice %arg2[%dma_start3A_209, %dma_start3A_210] : memref<10240x64xf32, #tpu.memory_space<hbm>> -> memref<10240x64xf32, #tpu.memory_space<hbm>>
            tpu.enqueue_indirect_dma source(%dma_start3A_211 : memref<10240x64xf32, #tpu.memory_space<hbm>>) target(%dma_start3A_205 : memref<128x64xf32, #tpu.memory_space<vmem>>) offsets(%dma_start3A_208 : memref<128xi32, #tpu.memory_space<vmem>>) semaphore(%arg17 : memref<!tpu.dma_semaphore, #tpu.memory_space<semaphore_mem>>)
            %mul3A_212 = arith.constant 64 : i32
            %mul3A_213 = arith.muli %add3A_110, %mul3A_212 : i32
            %dma_start3A_214 = arith.constant 1 : i32
            %dma_start3A_215 = arith.constant 0 : i32
            %dma_start3A_216 = arith.constant 0 : i32
            %dma_start3A_217 = tpu.memref_slice %arg11[%dma_start3A_214, %dma_start3A_215, %dma_start3A_216] : memref<2x64x128xf32, #tpu.memory_space<vmem>> -> memref<1x64x128xf32, #tpu.memory_space<vmem>>
            %dma_start3A_218 = tpu.memref_squeeze %dma_start3A_217 : memref<1x64x128xf32, #tpu.memory_space<vmem>> -> memref<64x128xf32, #tpu.memory_space<vmem>>
            %dma_start3A_219 = arith.constant 0 : i32
            %dma_start3A_220 = tpu.memref_slice %arg4[%mul3A_213, %dma_start3A_219] : memref<160000x128xf32, #tpu.memory_space<hbm>> -> memref<64x128xf32, #tpu.memory_space<hbm>>
            %dma_start3A_221 = arith.constant 0 : i32
            %dma_start3A_222 = arith.constant 0 : i32
            %dma_start3A_223 = tpu.memref_slice %arg11[%dma_start3A_214, %dma_start3A_221, %dma_start3A_222] : memref<2x64x128xf32, #tpu.memory_space<vmem>> -> memref<1x64x128xf32, #tpu.memory_space<vmem>>
            %dma_start3A_224 = tpu.memref_squeeze %dma_start3A_223 : memref<1x64x128xf32, #tpu.memory_space<vmem>> -> memref<64x128xf32, #tpu.memory_space<vmem>>
            %dma_start3A_225 = arith.constant 0 : i32
            %dma_start3A_226 = tpu.memref_slice %arg4[%mul3A_213, %dma_start3A_225] : memref<160000x128xf32, #tpu.memory_space<hbm>> -> memref<64x128xf32, #tpu.memory_space<hbm>>
            tpu.enqueue_dma source(%dma_start3A_226 : memref<64x128xf32, #tpu.memory_space<hbm>>) target(%dma_start3A_224 : memref<64x128xf32, #tpu.memory_space<vmem>>) target_semaphore(%arg19 : memref<!tpu.dma_semaphore, #tpu.memory_space<semaphore_mem>>)
          } else {
          }
          %dma_wait3A_139 = arith.constant 0 : i32
          %dma_wait3A_140 = arith.constant 0 : i32
          %dma_wait3A_141 = arith.constant 0 : i32
          %dma_wait3A_142 = tpu.memref_slice %arg10[%dma_wait3A_139, %dma_wait3A_140, %dma_wait3A_141] : memref<2x128x64xf32, #tpu.memory_space<vmem>> -> memref<1x128x64xf32, #tpu.memory_space<vmem>>
          %dma_wait3A_143 = tpu.memref_squeeze %dma_wait3A_142 : memref<1x128x64xf32, #tpu.memory_space<vmem>> -> memref<128x64xf32, #tpu.memory_space<vmem>>
          %dma_wait3A_144 = arith.constant 0 : i32
          %dma_wait3A_145 = arith.constant 0 : i32
          %dma_wait3A_146 = tpu.memref_slice %arg2[%dma_wait3A_144, %dma_wait3A_145] : memref<10240x64xf32, #tpu.memory_space<hbm>> -> memref<128x64xf32, #tpu.memory_space<hbm>>
          %dma_wait3A_147 = arith.constant 0 : i32
          %dma_wait3A_148 = arith.constant 0 : i32
          %dma_wait3A_149 = tpu.memref_slice %arg10[%dma_wait3A_139, %dma_wait3A_147, %dma_wait3A_148] : memref<2x128x64xf32, #tpu.memory_space<vmem>> -> memref<1x128x64xf32, #tpu.memory_space<vmem>>
          %dma_wait3A_150 = tpu.memref_squeeze %dma_wait3A_149 : memref<1x128x64xf32, #tpu.memory_space<vmem>> -> memref<128x64xf32, #tpu.memory_space<vmem>>
          %dma_wait3A_151 = arith.constant 0 : i32
          %dma_wait3A_152 = arith.constant 0 : i32
          %dma_wait3A_153 = tpu.memref_slice %arg2[%dma_wait3A_151, %dma_wait3A_152] : memref<10240x64xf32, #tpu.memory_space<hbm>> -> memref<128x64xf32, #tpu.memory_space<hbm>>
          tpu.wait_dma2 semaphore(%arg16 : memref<!tpu.dma_semaphore, #tpu.memory_space<semaphore_mem>>) src(%dma_wait3A_153 : memref<128x64xf32, #tpu.memory_space<hbm>>) dst(%dma_wait3A_150 : memref<128x64xf32, #tpu.memory_space<vmem>>)
          %dma_wait3A_154 = arith.constant 0 : i32
          %dma_wait3A_155 = arith.constant 0 : i32
          %dma_wait3A_156 = arith.constant 0 : i32
          %dma_wait3A_157 = tpu.memref_slice %arg11[%dma_wait3A_154, %dma_wait3A_155, %dma_wait3A_156] : memref<2x64x128xf32, #tpu.memory_space<vmem>> -> memref<1x64x128xf32, #tpu.memory_space<vmem>>
          %dma_wait3A_158 = tpu.memref_squeeze %dma_wait3A_157 : memref<1x64x128xf32, #tpu.memory_space<vmem>> -> memref<64x128xf32, #tpu.memory_space<vmem>>
          %dma_wait3A_159 = arith.constant 0 : i32
          %dma_wait3A_160 = arith.constant 0 : i32
          %dma_wait3A_161 = tpu.memref_slice %arg4[%dma_wait3A_159, %dma_wait3A_160] : memref<160000x128xf32, #tpu.memory_space<hbm>> -> memref<64x128xf32, #tpu.memory_space<hbm>>
          %dma_wait3A_162 = arith.constant 0 : i32
          %dma_wait3A_163 = arith.constant 0 : i32
          %dma_wait3A_164 = tpu.memref_slice %arg11[%dma_wait3A_154, %dma_wait3A_162, %dma_wait3A_163] : memref<2x64x128xf32, #tpu.memory_space<vmem>> -> memref<1x64x128xf32, #tpu.memory_space<vmem>>
          %dma_wait3A_165 = tpu.memref_squeeze %dma_wait3A_164 : memref<1x64x128xf32, #tpu.memory_space<vmem>> -> memref<64x128xf32, #tpu.memory_space<vmem>>
          %dma_wait3A_166 = arith.constant 0 : i32
          %dma_wait3A_167 = arith.constant 0 : i32
          %dma_wait3A_168 = tpu.memref_slice %arg4[%dma_wait3A_166, %dma_wait3A_167] : memref<160000x128xf32, #tpu.memory_space<hbm>> -> memref<64x128xf32, #tpu.memory_space<hbm>>
          tpu.wait_dma2 semaphore(%arg18 : memref<!tpu.dma_semaphore, #tpu.memory_space<semaphore_mem>>) src(%dma_wait3A_168 : memref<64x128xf32, #tpu.memory_space<hbm>>) dst(%dma_wait3A_165 : memref<64x128xf32, #tpu.memory_space<vmem>>)
          %scan3A_169 = arith.constant 0 : i32
          %scan3A_170 = arith.constant 64 : i32
          %scan3A_171 = arith.addi %scan3A_169, %scan3A_170 : i32
          %scan3A_172 = arith.constant 1 : i32
          scf.for %scan3A_181 = %scan3A_169 to %scan3A_171 step %scan3A_172  : i32 {
            %mul3A_182 = arith.constant 1 : i32
            %mul3A_183 = arith.muli %scan3A_181, %mul3A_182 : i32
            %add3A_184 = arith.constant 0 : i32
            %add3A_185 = arith.addi %add3A_184, %mul3A_183 : i32
            %mul3A_186 = arith.constant 2 : i32
            %mul3A_187 = arith.muli %mul3A_186, %add3A_185 : i32
            %add3A_188 = arith.constant 0 : i32
            %add3A_189 = arith.addi %mul3A_187, %add3A_188 : i32
            %get3A = arith.constant 0 : i32
            %get3A_190 = arith.index_cast %get3A : i32 to index
            %get3A_191 = arith.index_cast %add3A_189 : i32 to index
            %get3A_192 = arith.constant 0 : index
            %get3A_193 = tpu.vector_load %arg10[%get3A_190, %get3A_191, %get3A_192] {strides = array<i32>} : memref<2x128x64xf32, #tpu.memory_space<vmem>>, vector<1x1x16xf32>,
            %get3A_194 = vector.shape_cast %get3A_193 : vector<1x1x16xf32> to vector<16xf32>
            %get3A_195 = arith.constant 0 : i32
            %get3A_196 = arith.index_cast %get3A_195 : i32 to index
            %get3A_197 = arith.index_cast %add3A_185 : i32 to index
            %get3A_198 = arith.constant 0 : index
            %get3A_199 = tpu.vector_load %arg11[%get3A_196, %get3A_197, %get3A_198] {strides = array<i32>} : memref<2x64x128xf32, #tpu.memory_space<vmem>>, vector<1x1x16xf32>,
            %get3A_200 = vector.shape_cast %get3A_199 : vector<1x1x16xf32> to vector<16xf32>
            %mul3A_201 = arith.mulf %get3A_194, %get3A_200 : vector<16xf32>
            %mul3A_202 = arith.constant 2 : i32
            %mul3A_203 = arith.muli %mul3A_202, %add3A_185 : i32
            %add3A_204 = arith.constant 0 : i32
            %add3A_205 = arith.addi %mul3A_203, %add3A_204 : i32
            %swap3A = arith.constant 0 : i32
            %swap3A_206 = arith.index_cast %swap3A : i32 to index
            %swap3A_207 = arith.index_cast %add3A_205 : i32 to index
            %swap3A_208 = arith.constant 0 : index
            %swap3A_209 = tpu.vector_load %arg10[%swap3A_206, %swap3A_207, %swap3A_208] {strides = array<i32>} : memref<2x128x64xf32, #tpu.memory_space<vmem>>, vector<1x1x16xf32>,
            %swap3A_210 = vector.shape_cast %swap3A_209 : vector<1x1x16xf32> to vector<16xf32>
            %swap3A_211 = vector.shape_cast %mul3A_201 : vector<16xf32> to vector<1x1x16xf32>
            tpu.vector_store %arg10[%swap3A_206, %swap3A_207, %swap3A_208], %swap3A_211 {strides = array<i32>} : memref<2x128x64xf32, #tpu.memory_space<vmem>>, vector<1x1x16xf32>,
            %mul3A_212 = arith.constant 2 : i32
            %mul3A_213 = arith.muli %mul3A_212, %add3A_185 : i32
            %add3A_214 = arith.constant 0 : i32
            %add3A_215 = arith.addi %mul3A_213, %add3A_214 : i32
            %get3A_216 = arith.constant 0 : i32
            %get3A_217 = arith.index_cast %get3A_216 : i32 to index
            %get3A_218 = arith.index_cast %add3A_215 : i32 to index
            %get3A_219 = arith.constant 16 : index
            %get3A_220 = tpu.vector_load %arg10[%get3A_217, %get3A_218, %get3A_219] {strides = array<i32>} : memref<2x128x64xf32, #tpu.memory_space<vmem>>, vector<1x1x16xf32>,
            %get3A_221 = vector.shape_cast %get3A_220 : vector<1x1x16xf32> to vector<16xf32>
            %get3A_222 = arith.constant 0 : i32
            %get3A_223 = arith.index_cast %get3A_222 : i32 to index
            %get3A_224 = arith.index_cast %add3A_185 : i32 to index
            %get3A_225 = arith.constant 16 : index
            %get3A_226 = tpu.vector_load %arg11[%get3A_223, %get3A_224, %get3A_225] {strides = array<i32>} : memref<2x64x128xf32, #tpu.memory_space<vmem>>, vector<1x1x16xf32>,
            %get3A_227 = vector.shape_cast %get3A_226 : vector<1x1x16xf32> to vector<16xf32>
            %mul3A_228 = arith.mulf %get3A_221, %get3A_227 : vector<16xf32>
            %mul3A_229 = arith.constant 2 : i32
            %mul3A_230 = arith.muli %mul3A_229, %add3A_185 : i32
            %add3A_231 = arith.constant 0 : i32
            %add3A_232 = arith.addi %mul3A_230, %add3A_231 : i32
            %swap3A_233 = arith.constant 0 : i32
            %swap3A_234 = arith.index_cast %swap3A_233 : i32 to index
            %swap3A_235 = arith.index_cast %add3A_232 : i32 to index
            %swap3A_236 = arith.constant 16 : index
            %swap3A_237 = tpu.vector_load %arg10[%swap3A_234, %swap3A_235, %swap3A_236] {strides = array<i32>} : memref<2x128x64xf32, #tpu.memory_space<vmem>>, vector<1x1x16xf32>,
            %swap3A_238 = vector.shape_cast %swap3A_237 : vector<1x1x16xf32> to vector<16xf32>
            %swap3A_239 = vector.shape_cast %mul3A_228 : vector<16xf32> to vector<1x1x16xf32>
            tpu.vector_store %arg10[%swap3A_234, %swap3A_235, %swap3A_236], %swap3A_239 {strides = array<i32>} : memref<2x128x64xf32, #tpu.memory_space<vmem>>, vector<1x1x16xf32>,
            %mul3A_240 = arith.constant 2 : i32
            %mul3A_241 = arith.muli %mul3A_240, %add3A_185 : i32
            %add3A_242 = arith.constant 0 : i32
            %add3A_243 = arith.addi %mul3A_241, %add3A_242 : i32
            %get3A_244 = arith.constant 0 : i32
            %get3A_245 = arith.index_cast %get3A_244 : i32 to index
            %get3A_246 = arith.index_cast %add3A_243 : i32 to index
            %get3A_247 = arith.constant 32 : index
            %get3A_248 = tpu.vector_load %arg10[%get3A_245, %get3A_246, %get3A_247] {strides = array<i32>} : memref<2x128x64xf32, #tpu.memory_space<vmem>>, vector<1x1x16xf32>,
            %get3A_249 = vector.shape_cast %get3A_248 : vector<1x1x16xf32> to vector<16xf32>
            %get3A_250 = arith.constant 0 : i32
            %get3A_251 = arith.index_cast %get3A_250 : i32 to index
            %get3A_252 = arith.index_cast %add3A_185 : i32 to index
            %get3A_253 = arith.constant 32 : index
            %get3A_254 = tpu.vector_load %arg11[%get3A_251, %get3A_252, %get3A_253] {strides = array<i32>} : memref<2x64x128xf32, #tpu.memory_space<vmem>>, vector<1x1x16xf32>,
            %get3A_255 = vector.shape_cast %get3A_254 : vector<1x1x16xf32> to vector<16xf32>
            %mul3A_256 = arith.mulf %get3A_249, %get3A_255 : vector<16xf32>
            %mul3A_257 = arith.constant 2 : i32
            %mul3A_258 = arith.muli %mul3A_257, %add3A_185 : i32
            %add3A_259 = arith.constant 0 : i32
            %add3A_260 = arith.addi %mul3A_258, %add3A_259 : i32
            %swap3A_261 = arith.constant 0 : i32
            %swap3A_262 = arith.index_cast %swap3A_261 : i32 to index
            %swap3A_263 = arith.index_cast %add3A_260 : i32 to index
            %swap3A_264 = arith.constant 32 : index
            %swap3A_265 = tpu.vector_load %arg10[%swap3A_262, %swap3A_263, %swap3A_264] {strides = array<i32>} : memref<2x128x64xf32, #tpu.memory_space<vmem>>, vector<1x1x16xf32>,
            %swap3A_266 = vector.shape_cast %swap3A_265 : vector<1x1x16xf32> to vector<16xf32>
            %swap3A_267 = vector.shape_cast %mul3A_256 : vector<16xf32> to vector<1x1x16xf32>
            tpu.vector_store %arg10[%swap3A_262, %swap3A_263, %swap3A_264], %swap3A_267 {strides = array<i32>} : memref<2x128x64xf32, #tpu.memory_space<vmem>>, vector<1x1x16xf32>,
            %mul3A_268 = arith.constant 2 : i32
            %mul3A_269 = arith.muli %mul3A_268, %add3A_185 : i32
            %add3A_270 = arith.constant 0 : i32
            %add3A_271 = arith.addi %mul3A_269, %add3A_270 : i32
            %get3A_272 = arith.constant 0 : i32
            %get3A_273 = arith.index_cast %get3A_272 : i32 to index
            %get3A_274 = arith.index_cast %add3A_271 : i32 to index
            %get3A_275 = arith.constant 48 : index
            %get3A_276 = tpu.vector_load %arg10[%get3A_273, %get3A_274, %get3A_275] {strides = array<i32>} : memref<2x128x64xf32, #tpu.memory_space<vmem>>, vector<1x1x16xf32>,
            %get3A_277 = vector.shape_cast %get3A_276 : vector<1x1x16xf32> to vector<16xf32>
            %get3A_278 = arith.constant 0 : i32
            %get3A_279 = arith.index_cast %get3A_278 : i32 to index
            %get3A_280 = arith.index_cast %add3A_185 : i32 to index
            %get3A_281 = arith.constant 48 : index
            %get3A_282 = tpu.vector_load %arg11[%get3A_279, %get3A_280, %get3A_281] {strides = array<i32>} : memref<2x64x128xf32, #tpu.memory_space<vmem>>, vector<1x1x16xf32>,
            %get3A_283 = vector.shape_cast %get3A_282 : vector<1x1x16xf32> to vector<16xf32>
            %mul3A_284 = arith.mulf %get3A_277, %get3A_283 : vector<16xf32>
            %mul3A_285 = arith.constant 2 : i32
            %mul3A_286 = arith.muli %mul3A_285, %add3A_185 : i32
            %add3A_287 = arith.constant 0 : i32
            %add3A_288 = arith.addi %mul3A_286, %add3A_287 : i32
            %swap3A_289 = arith.constant 0 : i32
            %swap3A_290 = arith.index_cast %swap3A_289 : i32 to index
            %swap3A_291 = arith.index_cast %add3A_288 : i32 to index
            %swap3A_292 = arith.constant 48 : index
            %swap3A_293 = tpu.vector_load %arg10[%swap3A_290, %swap3A_291, %swap3A_292] {strides = array<i32>} : memref<2x128x64xf32, #tpu.memory_space<vmem>>, vector<1x1x16xf32>,
            %swap3A_294 = vector.shape_cast %swap3A_293 : vector<1x1x16xf32> to vector<16xf32>
            %swap3A_295 = vector.shape_cast %mul3A_284 : vector<16xf32> to vector<1x1x16xf32>
            tpu.vector_store %arg10[%swap3A_290, %swap3A_291, %swap3A_292], %swap3A_295 {strides = array<i32>} : memref<2x128x64xf32, #tpu.memory_space<vmem>>, vector<1x1x16xf32>,
            %mul3A_296 = arith.constant 2 : i32
            %mul3A_297 = arith.muli %mul3A_296, %add3A_185 : i32
            %add3A_298 = arith.constant 1 : i32
            %add3A_299 = arith.addi %mul3A_297, %add3A_298 : i32
            %get3A_300 = arith.constant 0 : i32
            %get3A_301 = arith.index_cast %get3A_300 : i32 to index
            %get3A_302 = arith.index_cast %add3A_299 : i32 to index
            %get3A_303 = arith.constant 0 : index
            %get3A_304 = tpu.vector_load %arg10[%get3A_301, %get3A_302, %get3A_303] {strides = array<i32>} : memref<2x128x64xf32, #tpu.memory_space<vmem>>, vector<1x1x16xf32>,
            %get3A_305 = vector.shape_cast %get3A_304 : vector<1x1x16xf32> to vector<16xf32>
            %get3A_306 = arith.constant 0 : i32
            %get3A_307 = arith.index_cast %get3A_306 : i32 to index
            %get3A_308 = arith.index_cast %add3A_185 : i32 to index
            %get3A_309 = arith.constant 64 : index
            %get3A_310 = tpu.vector_load %arg11[%get3A_307, %get3A_308, %get3A_309] {strides = array<i32>} : memref<2x64x128xf32, #tpu.memory_space<vmem>>, vector<1x1x16xf32>,
            %get3A_311 = vector.shape_cast %get3A_310 : vector<1x1x16xf32> to vector<16xf32>
            %mul3A_312 = arith.mulf %get3A_305, %get3A_311 : vector<16xf32>
            %mul3A_313 = arith.constant 2 : i32
            %mul3A_314 = arith.muli %mul3A_313, %add3A_185 : i32
            %add3A_315 = arith.constant 1 : i32
            %add3A_316 = arith.addi %mul3A_314, %add3A_315 : i32
            %swap3A_317 = arith.constant 0 : i32
            %swap3A_318 = arith.index_cast %swap3A_317 : i32 to index
            %swap3A_319 = arith.index_cast %add3A_316 : i32 to index
            %swap3A_320 = arith.constant 0 : index
            %swap3A_321 = tpu.vector_load %arg10[%swap3A_318, %swap3A_319, %swap3A_320] {strides = array<i32>} : memref<2x128x64xf32, #tpu.memory_space<vmem>>, vector<1x1x16xf32>,
            %swap3A_322 = vector.shape_cast %swap3A_321 : vector<1x1x16xf32> to vector<16xf32>
            %swap3A_323 = vector.shape_cast %mul3A_312 : vector<16xf32> to vector<1x1x16xf32>
            tpu.vector_store %arg10[%swap3A_318, %swap3A_319, %swap3A_320], %swap3A_323 {strides = array<i32>} : memref<2x128x64xf32, #tpu.memory_space<vmem>>, vector<1x1x16xf32>,
            %mul3A_324 = arith.constant 2 : i32
            %mul3A_325 = arith.muli %mul3A_324, %add3A_185 : i32
            %add3A_326 = arith.constant 1 : i32
            %add3A_327 = arith.addi %mul3A_325, %add3A_326 : i32
            %get3A_328 = arith.constant 0 : i32
            %get3A_329 = arith.index_cast %get3A_328 : i32 to index
            %get3A_330 = arith.index_cast %add3A_327 : i32 to index
            %get3A_331 = arith.constant 16 : index
            %get3A_332 = tpu.vector_load %arg10[%get3A_329, %get3A_330, %get3A_331] {strides = array<i32>} : memref<2x128x64xf32, #tpu.memory_space<vmem>>, vector<1x1x16xf32>,
            %get3A_333 = vector.shape_cast %get3A_332 : vector<1x1x16xf32> to vector<16xf32>
            %get3A_334 = arith.constant 0 : i32
            %get3A_335 = arith.index_cast %get3A_334 : i32 to index
            %get3A_336 = arith.index_cast %add3A_185 : i32 to index
            %get3A_337 = arith.constant 80 : index
            %get3A_338 = tpu.vector_load %arg11[%get3A_335, %get3A_336, %get3A_337] {strides = array<i32>} : memref<2x64x128xf32, #tpu.memory_space<vmem>>, vector<1x1x16xf32>,
            %get3A_339 = vector.shape_cast %get3A_338 : vector<1x1x16xf32> to vector<16xf32>
            %mul3A_340 = arith.mulf %get3A_333, %get3A_339 : vector<16xf32>
            %mul3A_341 = arith.constant 2 : i32
            %mul3A_342 = arith.muli %mul3A_341, %add3A_185 : i32
            %add3A_343 = arith.constant 1 : i32
            %add3A_344 = arith.addi %mul3A_342, %add3A_343 : i32
            %swap3A_345 = arith.constant 0 : i32
            %swap3A_346 = arith.index_cast %swap3A_345 : i32 to index
            %swap3A_347 = arith.index_cast %add3A_344 : i32 to index
            %swap3A_348 = arith.constant 16 : index
            %swap3A_349 = tpu.vector_load %arg10[%swap3A_346, %swap3A_347, %swap3A_348] {strides = array<i32>} : memref<2x128x64xf32, #tpu.memory_space<vmem>>, vector<1x1x16xf32>,
            %swap3A_350 = vector.shape_cast %swap3A_349 : vector<1x1x16xf32> to vector<16xf32>
            %swap3A_351 = vector.shape_cast %mul3A_340 : vector<16xf32> to vector<1x1x16xf32>
            tpu.vector_store %arg10[%swap3A_346, %swap3A_347, %swap3A_348], %swap3A_351 {strides = array<i32>} : memref<2x128x64xf32, #tpu.memory_space<vmem>>, vector<1x1x16xf32>,
            %mul3A_352 = arith.constant 2 : i32
            %mul3A_353 = arith.muli %mul3A_352, %add3A_185 : i32
            %add3A_354 = arith.constant 1 : i32
            %add3A_355 = arith.addi %mul3A_353, %add3A_354 : i32
            %get3A_356 = arith.constant 0 : i32
            %get3A_357 = arith.index_cast %get3A_356 : i32 to index
            %get3A_358 = arith.index_cast %add3A_355 : i32 to index
            %get3A_359 = arith.constant 32 : index
            %get3A_360 = tpu.vector_load %arg10[%get3A_357, %get3A_358, %get3A_359] {strides = array<i32>} : memref<2x128x64xf32, #tpu.memory_space<vmem>>, vector<1x1x16xf32>,
            %get3A_361 = vector.shape_cast %get3A_360 : vector<1x1x16xf32> to vector<16xf32>
            %get3A_362 = arith.constant 0 : i32
            %get3A_363 = arith.index_cast %get3A_362 : i32 to index
            %get3A_364 = arith.index_cast %add3A_185 : i32 to index
            %get3A_365 = arith.constant 96 : index
            %get3A_366 = tpu.vector_load %arg11[%get3A_363, %get3A_364, %get3A_365] {strides = array<i32>} : memref<2x64x128xf32, #tpu.memory_space<vmem>>, vector<1x1x16xf32>,
            %get3A_367 = vector.shape_cast %get3A_366 : vector<1x1x16xf32> to vector<16xf32>
            %mul3A_368 = arith.mulf %get3A_361, %get3A_367 : vector<16xf32>
            %mul3A_369 = arith.constant 2 : i32
            %mul3A_370 = arith.muli %mul3A_369, %add3A_185 : i32
            %add3A_371 = arith.constant 1 : i32
            %add3A_372 = arith.addi %mul3A_370, %add3A_371 : i32
            %swap3A_373 = arith.constant 0 : i32
            %swap3A_374 = arith.index_cast %swap3A_373 : i32 to index
            %swap3A_375 = arith.index_cast %add3A_372 : i32 to index
            %swap3A_376 = arith.constant 32 : index
            %swap3A_377 = tpu.vector_load %arg10[%swap3A_374, %swap3A_375, %swap3A_376] {strides = array<i32>} : memref<2x128x64xf32, #tpu.memory_space<vmem>>, vector<1x1x16xf32>,
            %swap3A_378 = vector.shape_cast %swap3A_377 : vector<1x1x16xf32> to vector<16xf32>
            %swap3A_379 = vector.shape_cast %mul3A_368 : vector<16xf32> to vector<1x1x16xf32>
            tpu.vector_store %arg10[%swap3A_374, %swap3A_375, %swap3A_376], %swap3A_379 {strides = array<i32>} : memref<2x128x64xf32, #tpu.memory_space<vmem>>, vector<1x1x16xf32>,
            %mul3A_380 = arith.constant 2 : i32
            %mul3A_381 = arith.muli %mul3A_380, %add3A_185 : i32
            %add3A_382 = arith.constant 1 : i32
            %add3A_383 = arith.addi %mul3A_381, %add3A_382 : i32
            %get3A_384 = arith.constant 0 : i32
            %get3A_385 = arith.index_cast %get3A_384 : i32 to index
            %get3A_386 = arith.index_cast %add3A_383 : i32 to index
            %get3A_387 = arith.constant 48 : index
            %get3A_388 = tpu.vector_load %arg10[%get3A_385, %get3A_386, %get3A_387] {strides = array<i32>} : memref<2x128x64xf32, #tpu.memory_space<vmem>>, vector<1x1x16xf32>,
            %get3A_389 = vector.shape_cast %get3A_388 : vector<1x1x16xf32> to vector<16xf32>
            %get3A_390 = arith.constant 0 : i32
            %get3A_391 = arith.index_cast %get3A_390 : i32 to index
            %get3A_392 = arith.index_cast %add3A_185 : i32 to index
            %get3A_393 = arith.constant 112 : index
            %get3A_394 = tpu.vector_load %arg11[%get3A_391, %get3A_392, %get3A_393] {strides = array<i32>} : memref<2x64x128xf32, #tpu.memory_space<vmem>>, vector<1x1x16xf32>,
            %get3A_395 = vector.shape_cast %get3A_394 : vector<1x1x16xf32> to vector<16xf32>
            %mul3A_396 = arith.mulf %get3A_389, %get3A_395 : vector<16xf32>
            %mul3A_397 = arith.constant 2 : i32
            %mul3A_398 = arith.muli %mul3A_397, %add3A_185 : i32
            %add3A_399 = arith.constant 1 : i32
            %add3A_400 = arith.addi %mul3A_398, %add3A_399 : i32
            %swap3A_401 = arith.constant 0 : i32
            %swap3A_402 = arith.index_cast %swap3A_401 : i32 to index
            %swap3A_403 = arith.index_cast %add3A_400 : i32 to index
            %swap3A_404 = arith.constant 48 : index
            %swap3A_405 = tpu.vector_load %arg10[%swap3A_402, %swap3A_403, %swap3A_404] {strides = array<i32>} : memref<2x128x64xf32, #tpu.memory_space<vmem>>, vector<1x1x16xf32>,
            %swap3A_406 = vector.shape_cast %swap3A_405 : vector<1x1x16xf32> to vector<16xf32>
            %swap3A_407 = vector.shape_cast %mul3A_396 : vector<16xf32> to vector<1x1x16xf32>
            tpu.vector_store %arg10[%swap3A_402, %swap3A_403, %swap3A_404], %swap3A_407 {strides = array<i32>} : memref<2x128x64xf32, #tpu.memory_space<vmem>>, vector<1x1x16xf32>,
          }
          %scan3A_173 = arith.constant 64 : i32
          %run_scoped3A = arith.constant 0 : i32
          %run_scoped3A_174 = arith.constant 0 : i32
          %run_scoped3A_175 = arith.constant 1 : i32
          "tpu.region"() ({
            %run_scoped3A_181 = tpu.sem_alloc : memref<!tpu.dma_semaphore, #tpu.memory_space<semaphore_mem>>
            %dma_start3A_182 = arith.constant 0 : i32
            %dma_start3A_183 = arith.constant 0 : i32
            %dma_start3A_184 = tpu.memref_slice %arg10[%run_scoped3A, %dma_start3A_182, %dma_start3A_183] : memref<2x128x64xf32, #tpu.memory_space<vmem>> -> memref<1x128x64xf32, #tpu.memory_space<vmem>>
            %dma_start3A_185 = tpu.memref_squeeze %dma_start3A_184 : memref<1x128x64xf32, #tpu.memory_space<vmem>> -> memref<128x64xf32, #tpu.memory_space<vmem>>
            %dma_start3A_186 = arith.constant 0 : i32
            %dma_start3A_187 = tpu.memref_slice %arg9[%run_scoped3A_174, %run_scoped3A_175, %dma_start3A_186] : memref<2x2x128xi32, #tpu.memory_space<vmem>> -> memref<1x1x128xi32, #tpu.memory_space<vmem>>
            %dma_start3A_188 = tpu.memref_squeeze %dma_start3A_187 : memref<1x1x128xi32, #tpu.memory_space<vmem>> -> memref<128xi32, #tpu.memory_space<vmem>>
            %dma_start3A_189 = arith.constant 0 : i32
            %dma_start3A_190 = arith.constant 0 : i32
            %dma_start3A_191 = tpu.memref_slice %arg13[%dma_start3A_189, %dma_start3A_190] : memref<10240x64xf32, #tpu.memory_space<vmem_shared>> -> memref<10240x64xf32, #tpu.memory_space<vmem_shared>>
            tpu.enqueue_indirect_dma source(%dma_start3A_185 : memref<128x64xf32, #tpu.memory_space<vmem>>) target(%dma_start3A_191 : memref<10240x64xf32, #tpu.memory_space<vmem_shared>>) offsets(%dma_start3A_188 : memref<128xi32, #tpu.memory_space<vmem>>) semaphore(%run_scoped3A_181 : memref<!tpu.dma_semaphore, #tpu.memory_space<semaphore_mem>>) {add = true}
            %dma_wait3A_192 = arith.constant 0 : i32
            %dma_wait3A_193 = arith.constant 0 : i32
            %dma_wait3A_194 = tpu.memref_slice %arg10[%run_scoped3A, %dma_wait3A_192, %dma_wait3A_193] : memref<2x128x64xf32, #tpu.memory_space<vmem>> -> memref<1x128x64xf32, #tpu.memory_space<vmem>>
            %dma_wait3A_195 = tpu.memref_squeeze %dma_wait3A_194 : memref<1x128x64xf32, #tpu.memory_space<vmem>> -> memref<128x64xf32, #tpu.memory_space<vmem>>
            %dma_wait3A_196 = arith.constant 0 : i32
            %dma_wait3A_197 = tpu.memref_slice %arg9[%run_scoped3A_174, %run_scoped3A_175, %dma_wait3A_196] : memref<2x2x128xi32, #tpu.memory_space<vmem>> -> memref<1x1x128xi32, #tpu.memory_space<vmem>>
            %dma_wait3A_198 = tpu.memref_squeeze %dma_wait3A_197 : memref<1x1x128xi32, #tpu.memory_space<vmem>> -> memref<128xi32, #tpu.memory_space<vmem>>
            %dma_wait3A_199 = arith.constant 0 : i32
            %dma_wait3A_200 = arith.constant 0 : i32
            %dma_wait3A_201 = tpu.memref_slice %arg13[%dma_wait3A_199, %dma_wait3A_200] : memref<10240x64xf32, #tpu.memory_space<vmem_shared>> -> memref<10240x64xf32, #tpu.memory_space<vmem_shared>>
            tpu.wait_indirect_dma semaphore(%run_scoped3A_181 : memref<!tpu.dma_semaphore, #tpu.memory_space<semaphore_mem>>) src(%dma_wait3A_195 : memref<128x64xf32, #tpu.memory_space<vmem>>) dst(%dma_wait3A_201 : memref<10240x64xf32, #tpu.memory_space<vmem_shared>>)
            tpu.yield
          }) : () -> ()
          %lt3A_176 = arith.constant 2500 : i32
          %lt3A_177 = arith.cmpi slt, %add3A_112, %lt3A_176 : i32
          %convert_element_type3A_178 = arith.extui %lt3A_177 : i1 to i32
          %cond3A_179 = arith.constant 0 : i32
          %cond3A_180 = arith.cmpi ne, %convert_element_type3A_178, %cond3A_179 : i32
          scf.if %cond3A_180 {
            %dma_start3A_181 = arith.constant 0 : i32
            %dma_start3A_182 = arith.constant 0 : i32
            %dma_start3A_183 = arith.constant 0 : i32
            %dma_start3A_184 = tpu.memref_slice %arg9[%dma_start3A_181, %dma_start3A_182, %dma_start3A_183] : memref<2x2x128xi32, #tpu.memory_space<vmem>> -> memref<1x2x128xi32, #tpu.memory_space<vmem>>
            %dma_start3A_185 = tpu.memref_squeeze %dma_start3A_184 : memref<1x2x128xi32, #tpu.memory_space<vmem>> -> memref<2x128xi32, #tpu.memory_space<vmem>>
            %dma_start3A_186 = arith.constant 0 : i32
            %dma_start3A_187 = arith.constant 0 : i32
            %dma_start3A_188 = tpu.memref_slice %arg6[%add3A_112, %dma_start3A_186, %dma_start3A_187] : memref<2500x2x128xi32, #tpu.memory_space<hbm>> -> memref<1x2x128xi32, #tpu.memory_space<hbm>>
            %dma_start3A_189 = tpu.memref_squeeze %dma_start3A_188 : memref<1x2x128xi32, #tpu.memory_space<hbm>> -> memref<2x128xi32, #tpu.memory_space<hbm>>
            %dma_start3A_190 = arith.constant 0 : i32
            %dma_start3A_191 = arith.constant 0 : i32
            %dma_start3A_192 = tpu.memref_slice %arg9[%dma_start3A_181, %dma_start3A_190, %dma_start3A_191] : memref<2x2x128xi32, #tpu.memory_space<vmem>> -> memref<1x2x128xi32, #tpu.memory_space<vmem>>
            %dma_start3A_193 = tpu.memref_squeeze %dma_start3A_192 : memref<1x2x128xi32, #tpu.memory_space<vmem>> -> memref<2x128xi32, #tpu.memory_space<vmem>>
            %dma_start3A_194 = arith.constant 0 : i32
            %dma_start3A_195 = arith.constant 0 : i32
            %dma_start3A_196 = tpu.memref_slice %arg6[%add3A_112, %dma_start3A_194, %dma_start3A_195] : memref<2500x2x128xi32, #tpu.memory_space<hbm>> -> memref<1x2x128xi32, #tpu.memory_space<hbm>>
            %dma_start3A_197 = tpu.memref_squeeze %dma_start3A_196 : memref<1x2x128xi32, #tpu.memory_space<hbm>> -> memref<2x128xi32, #tpu.memory_space<hbm>>
            tpu.enqueue_dma source(%dma_start3A_197 : memref<2x128xi32, #tpu.memory_space<hbm>>) target(%dma_start3A_193 : memref<2x128xi32, #tpu.memory_space<vmem>>) target_semaphore(%arg14 : memref<!tpu.dma_semaphore, #tpu.memory_space<semaphore_mem>>)
          } else {
          }
        } else {
        }
        %mul3A_118 = arith.constant 2 : i32
        %mul3A_119 = arith.muli %mul3A_118, %add3A_101 : i32
        %add3A_120 = arith.constant 1 : i32
        %add3A_121 = arith.addi %mul3A_119, %add3A_120 : i32
        %mul3A_122 = arith.constant 16 : i32
        %mul3A_123 = arith.muli %add3A_121, %mul3A_122 : i32
        %add3A_124 = arith.addi %mul3A_123, %arg1 : i32
        %add3A_125 = arith.constant 16 : i32
        %add3A_126 = arith.addi %add3A_124, %add3A_125 : i32
        %add3A_127 = arith.constant 16 : i32
        %add3A_128 = arith.addi %add3A_126, %add3A_127 : i32
        %lt3A_129 = arith.constant 2500 : i32
        %lt3A_130 = arith.cmpi slt, %add3A_124, %lt3A_129 : i32
        %convert_element_type3A_131 = arith.extui %lt3A_130 : i1 to i32
        %cond3A_132 = arith.constant 0 : i32
        %cond3A_133 = arith.cmpi ne, %convert_element_type3A_131, %cond3A_132 : i32
        scf.if %cond3A_133 {
          %lt3A_134 = arith.constant 2500 : i32
          %lt3A_135 = arith.cmpi slt, %add3A_126, %lt3A_134 : i32
          %convert_element_type3A_136 = arith.extui %lt3A_135 : i1 to i32
          %cond3A_137 = arith.constant 0 : i32
          %cond3A_138 = arith.cmpi ne, %convert_element_type3A_136, %cond3A_137 : i32
          scf.if %cond3A_138 {
            %dma_wait3A_181 = arith.constant 0 : i32
            %dma_wait3A_182 = arith.constant 0 : i32
            %dma_wait3A_183 = arith.constant 0 : i32
            %dma_wait3A_184 = arith.constant 0 : i32
            %dma_wait3A_185 = tpu.memref_slice %arg9[%dma_wait3A_182, %dma_wait3A_183, %dma_wait3A_184] : memref<2x2x128xi32, #tpu.memory_space<vmem>> -> memref<1x2x128xi32, #tpu.memory_space<vmem>>
            %dma_wait3A_186 = tpu.memref_squeeze %dma_wait3A_185 : memref<1x2x128xi32, #tpu.memory_space<vmem>> -> memref<2x128xi32, #tpu.memory_space<vmem>>
            %dma_wait3A_187 = arith.constant 0 : i32
            %dma_wait3A_188 = arith.constant 0 : i32
            %dma_wait3A_189 = tpu.memref_slice %arg6[%dma_wait3A_181, %dma_wait3A_187, %dma_wait3A_188] : memref<2500x2x128xi32, #tpu.memory_space<hbm>> -> memref<1x2x128xi32, #tpu.memory_space<hbm>>
            %dma_wait3A_190 = tpu.memref_squeeze %dma_wait3A_189 : memref<1x2x128xi32, #tpu.memory_space<hbm>> -> memref<2x128xi32, #tpu.memory_space<hbm>>
            %dma_wait3A_191 = arith.constant 0 : i32
            %dma_wait3A_192 = arith.constant 0 : i32
            %dma_wait3A_193 = tpu.memref_slice %arg9[%dma_wait3A_182, %dma_wait3A_191, %dma_wait3A_192] : memref<2x2x128xi32, #tpu.memory_space<vmem>> -> memref<1x2x128xi32, #tpu.memory_space<vmem>>
            %dma_wait3A_194 = tpu.memref_squeeze %dma_wait3A_193 : memref<1x2x128xi32, #tpu.memory_space<vmem>> -> memref<2x128xi32, #tpu.memory_space<vmem>>
            %dma_wait3A_195 = arith.constant 0 : i32
            %dma_wait3A_196 = arith.constant 0 : i32
            %dma_wait3A_197 = tpu.memref_slice %arg6[%dma_wait3A_181, %dma_wait3A_195, %dma_wait3A_196] : memref<2500x2x128xi32, #tpu.memory_space<hbm>> -> memref<1x2x128xi32, #tpu.memory_space<hbm>>
            %dma_wait3A_198 = tpu.memref_squeeze %dma_wait3A_197 : memref<1x2x128xi32, #tpu.memory_space<hbm>> -> memref<2x128xi32, #tpu.memory_space<hbm>>
            tpu.wait_dma2 semaphore(%arg14 : memref<!tpu.dma_semaphore, #tpu.memory_space<semaphore_mem>>) src(%dma_wait3A_198 : memref<2x128xi32, #tpu.memory_space<hbm>>) dst(%dma_wait3A_194 : memref<2x128xi32, #tpu.memory_space<vmem>>)
            %dma_start3A_199 = arith.constant 0 : i32
            %dma_start3A_200 = arith.constant 0 : i32
            %dma_start3A_201 = arith.constant 0 : i32
            %dma_start3A_202 = arith.constant 0 : i32
            %dma_start3A_203 = arith.constant 0 : i32
            %dma_start3A_204 = tpu.memref_slice %arg10[%dma_start3A_201, %dma_start3A_202, %dma_start3A_203] : memref<2x128x64xf32, #tpu.memory_space<vmem>> -> memref<1x128x64xf32, #tpu.memory_space<vmem>>
            %dma_start3A_205 = tpu.memref_squeeze %dma_start3A_204 : memref<1x128x64xf32, #tpu.memory_space<vmem>> -> memref<128x64xf32, #tpu.memory_space<vmem>>
            %dma_start3A_206 = arith.constant 0 : i32
            %dma_start3A_207 = tpu.memref_slice %arg9[%dma_start3A_199, %dma_start3A_200, %dma_start3A_206] : memref<2x2x128xi32, #tpu.memory_space<vmem>> -> memref<1x1x128xi32, #tpu.memory_space<vmem>>
            %dma_start3A_208 = tpu.memref_squeeze %dma_start3A_207 : memref<1x1x128xi32, #tpu.memory_space<vmem>> -> memref<128xi32, #tpu.memory_space<vmem>>
            %dma_start3A_209 = arith.constant 0 : i32
            %dma_start3A_210 = arith.constant 0 : i32
            %dma_start3A_211 = tpu.memref_slice %arg2[%dma_start3A_209, %dma_start3A_210] : memref<10240x64xf32, #tpu.memory_space<hbm>> -> memref<10240x64xf32, #tpu.memory_space<hbm>>
            tpu.enqueue_indirect_dma source(%dma_start3A_211 : memref<10240x64xf32, #tpu.memory_space<hbm>>) target(%dma_start3A_205 : memref<128x64xf32, #tpu.memory_space<vmem>>) offsets(%dma_start3A_208 : memref<128xi32, #tpu.memory_space<vmem>>) semaphore(%arg16 : memref<!tpu.dma_semaphore, #tpu.memory_space<semaphore_mem>>)
            %mul3A_212 = arith.constant 64 : i32
            %mul3A_213 = arith.muli %add3A_126, %mul3A_212 : i32
            %dma_start3A_214 = arith.constant 0 : i32
            %dma_start3A_215 = arith.constant 0 : i32
            %dma_start3A_216 = arith.constant 0 : i32
            %dma_start3A_217 = tpu.memref_slice %arg11[%dma_start3A_214, %dma_start3A_215, %dma_start3A_216] : memref<2x64x128xf32, #tpu.memory_space<vmem>> -> memref<1x64x128xf32, #tpu.memory_space<vmem>>
            %dma_start3A_218 = tpu.memref_squeeze %dma_start3A_217 : memref<1x64x128xf32, #tpu.memory_space<vmem>> -> memref<64x128xf32, #tpu.memory_space<vmem>>
            %dma_start3A_219 = arith.constant 0 : i32
            %dma_start3A_220 = tpu.memref_slice %arg4[%mul3A_213, %dma_start3A_219] : memref<160000x128xf32, #tpu.memory_space<hbm>> -> memref<64x128xf32, #tpu.memory_space<hbm>>
            %dma_start3A_221 = arith.constant 0 : i32
            %dma_start3A_222 = arith.constant 0 : i32
            %dma_start3A_223 = tpu.memref_slice %arg11[%dma_start3A_214, %dma_start3A_221, %dma_start3A_222] : memref<2x64x128xf32, #tpu.memory_space<vmem>> -> memref<1x64x128xf32, #tpu.memory_space<vmem>>
            %dma_start3A_224 = tpu.memref_squeeze %dma_start3A_223 : memref<1x64x128xf32, #tpu.memory_space<vmem>> -> memref<64x128xf32, #tpu.memory_space<vmem>>
            %dma_start3A_225 = arith.constant 0 : i32
            %dma_start3A_226 = tpu.memref_slice %arg4[%mul3A_213, %dma_start3A_225] : memref<160000x128xf32, #tpu.memory_space<hbm>> -> memref<64x128xf32, #tpu.memory_space<hbm>>
            tpu.enqueue_dma source(%dma_start3A_226 : memref<64x128xf32, #tpu.memory_space<hbm>>) target(%dma_start3A_224 : memref<64x128xf32, #tpu.memory_space<vmem>>) target_semaphore(%arg18 : memref<!tpu.dma_semaphore, #tpu.memory_space<semaphore_mem>>)
          } else {
          }
          %dma_wait3A_139 = arith.constant 1 : i32
          %dma_wait3A_140 = arith.constant 0 : i32
          %dma_wait3A_141 = arith.constant 0 : i32
          %dma_wait3A_142 = tpu.memref_slice %arg10[%dma_wait3A_139, %dma_wait3A_140, %dma_wait3A_141] : memref<2x128x64xf32, #tpu.memory_space<vmem>> -> memref<1x128x64xf32, #tpu.memory_space<vmem>>
          %dma_wait3A_143 = tpu.memref_squeeze %dma_wait3A_142 : memref<1x128x64xf32, #tpu.memory_space<vmem>> -> memref<128x64xf32, #tpu.memory_space<vmem>>
          %dma_wait3A_144 = arith.constant 0 : i32
          %dma_wait3A_145 = arith.constant 0 : i32
          %dma_wait3A_146 = tpu.memref_slice %arg2[%dma_wait3A_144, %dma_wait3A_145] : memref<10240x64xf32, #tpu.memory_space<hbm>> -> memref<128x64xf32, #tpu.memory_space<hbm>>
          %dma_wait3A_147 = arith.constant 0 : i32
          %dma_wait3A_148 = arith.constant 0 : i32
          %dma_wait3A_149 = tpu.memref_slice %arg10[%dma_wait3A_139, %dma_wait3A_147, %dma_wait3A_148] : memref<2x128x64xf32, #tpu.memory_space<vmem>> -> memref<1x128x64xf32, #tpu.memory_space<vmem>>
          %dma_wait3A_150 = tpu.memref_squeeze %dma_wait3A_149 : memref<1x128x64xf32, #tpu.memory_space<vmem>> -> memref<128x64xf32, #tpu.memory_space<vmem>>
          %dma_wait3A_151 = arith.constant 0 : i32
          %dma_wait3A_152 = arith.constant 0 : i32
          %dma_wait3A_153 = tpu.memref_slice %arg2[%dma_wait3A_151, %dma_wait3A_152] : memref<10240x64xf32, #tpu.memory_space<hbm>> -> memref<128x64xf32, #tpu.memory_space<hbm>>
          tpu.wait_dma2 semaphore(%arg17 : memref<!tpu.dma_semaphore, #tpu.memory_space<semaphore_mem>>) src(%dma_wait3A_153 : memref<128x64xf32, #tpu.memory_space<hbm>>) dst(%dma_wait3A_150 : memref<128x64xf32, #tpu.memory_space<vmem>>)
          %dma_wait3A_154 = arith.constant 1 : i32
          %dma_wait3A_155 = arith.constant 0 : i32
          %dma_wait3A_156 = arith.constant 0 : i32
          %dma_wait3A_157 = tpu.memref_slice %arg11[%dma_wait3A_154, %dma_wait3A_155, %dma_wait3A_156] : memref<2x64x128xf32, #tpu.memory_space<vmem>> -> memref<1x64x128xf32, #tpu.memory_space<vmem>>
          %dma_wait3A_158 = tpu.memref_squeeze %dma_wait3A_157 : memref<1x64x128xf32, #tpu.memory_space<vmem>> -> memref<64x128xf32, #tpu.memory_space<vmem>>
          %dma_wait3A_159 = arith.constant 0 : i32
          %dma_wait3A_160 = arith.constant 0 : i32
          %dma_wait3A_161 = tpu.memref_slice %arg4[%dma_wait3A_159, %dma_wait3A_160] : memref<160000x128xf32, #tpu.memory_space<hbm>> -> memref<64x128xf32, #tpu.memory_space<hbm>>
          %dma_wait3A_162 = arith.constant 0 : i32
          %dma_wait3A_163 = arith.constant 0 : i32
          %dma_wait3A_164 = tpu.memref_slice %arg11[%dma_wait3A_154, %dma_wait3A_162, %dma_wait3A_163] : memref<2x64x128xf32, #tpu.memory_space<vmem>> -> memref<1x64x128xf32, #tpu.memory_space<vmem>>
          %dma_wait3A_165 = tpu.memref_squeeze %dma_wait3A_164 : memref<1x64x128xf32, #tpu.memory_space<vmem>> -> memref<64x128xf32, #tpu.memory_space<vmem>>
          %dma_wait3A_166 = arith.constant 0 : i32
          %dma_wait3A_167 = arith.constant 0 : i32
          %dma_wait3A_168 = tpu.memref_slice %arg4[%dma_wait3A_166, %dma_wait3A_167] : memref<160000x128xf32, #tpu.memory_space<hbm>> -> memref<64x128xf32, #tpu.memory_space<hbm>>
          tpu.wait_dma2 semaphore(%arg19 : memref<!tpu.dma_semaphore, #tpu.memory_space<semaphore_mem>>) src(%dma_wait3A_168 : memref<64x128xf32, #tpu.memory_space<hbm>>) dst(%dma_wait3A_165 : memref<64x128xf32, #tpu.memory_space<vmem>>)
          %scan3A_169 = arith.constant 0 : i32
          %scan3A_170 = arith.constant 64 : i32
          %scan3A_171 = arith.addi %scan3A_169, %scan3A_170 : i32
          %scan3A_172 = arith.constant 1 : i32
          scf.for %scan3A_181 = %scan3A_169 to %scan3A_171 step %scan3A_172  : i32 {
            %mul3A_182 = arith.constant 1 : i32
            %mul3A_183 = arith.muli %scan3A_181, %mul3A_182 : i32
            %add3A_184 = arith.constant 0 : i32
            %add3A_185 = arith.addi %add3A_184, %mul3A_183 : i32
            %mul3A_186 = arith.constant 2 : i32
            %mul3A_187 = arith.muli %mul3A_186, %add3A_185 : i32
            %add3A_188 = arith.constant 0 : i32
            %add3A_189 = arith.addi %mul3A_187, %add3A_188 : i32
            %get3A = arith.constant 1 : i32
            %get3A_190 = arith.index_cast %get3A : i32 to index
            %get3A_191 = arith.index_cast %add3A_189 : i32 to index
            %get3A_192 = arith.constant 0 : index
            %get3A_193 = tpu.vector_load %arg10[%get3A_190, %get3A_191, %get3A_192] {strides = array<i32>} : memref<2x128x64xf32, #tpu.memory_space<vmem>>, vector<1x1x16xf32>,
            %get3A_194 = vector.shape_cast %get3A_193 : vector<1x1x16xf32> to vector<16xf32>
            %get3A_195 = arith.constant 1 : i32
            %get3A_196 = arith.index_cast %get3A_195 : i32 to index
            %get3A_197 = arith.index_cast %add3A_185 : i32 to index
            %get3A_198 = arith.constant 0 : index
            %get3A_199 = tpu.vector_load %arg11[%get3A_196, %get3A_197, %get3A_198] {strides = array<i32>} : memref<2x64x128xf32, #tpu.memory_space<vmem>>, vector<1x1x16xf32>,
            %get3A_200 = vector.shape_cast %get3A_199 : vector<1x1x16xf32> to vector<16xf32>
            %mul3A_201 = arith.mulf %get3A_194, %get3A_200 : vector<16xf32>
            %mul3A_202 = arith.constant 2 : i32
            %mul3A_203 = arith.muli %mul3A_202, %add3A_185 : i32
            %add3A_204 = arith.constant 0 : i32
            %add3A_205 = arith.addi %mul3A_203, %add3A_204 : i32
            %swap3A = arith.constant 1 : i32
            %swap3A_206 = arith.index_cast %swap3A : i32 to index
            %swap3A_207 = arith.index_cast %add3A_205 : i32 to index
            %swap3A_208 = arith.constant 0 : index
            %swap3A_209 = tpu.vector_load %arg10[%swap3A_206, %swap3A_207, %swap3A_208] {strides = array<i32>} : memref<2x128x64xf32, #tpu.memory_space<vmem>>, vector<1x1x16xf32>,
            %swap3A_210 = vector.shape_cast %swap3A_209 : vector<1x1x16xf32> to vector<16xf32>
            %swap3A_211 = vector.shape_cast %mul3A_201 : vector<16xf32> to vector<1x1x16xf32>
            tpu.vector_store %arg10[%swap3A_206, %swap3A_207, %swap3A_208], %swap3A_211 {strides = array<i32>} : memref<2x128x64xf32, #tpu.memory_space<vmem>>, vector<1x1x16xf32>,
            %mul3A_212 = arith.constant 2 : i32
            %mul3A_213 = arith.muli %mul3A_212, %add3A_185 : i32
            %add3A_214 = arith.constant 0 : i32
            %add3A_215 = arith.addi %mul3A_213, %add3A_214 : i32
            %get3A_216 = arith.constant 1 : i32
            %get3A_217 = arith.index_cast %get3A_216 : i32 to index
            %get3A_218 = arith.index_cast %add3A_215 : i32 to index
            %get3A_219 = arith.constant 16 : index
            %get3A_220 = tpu.vector_load %arg10[%get3A_217, %get3A_218, %get3A_219] {strides = array<i32>} : memref<2x128x64xf32, #tpu.memory_space<vmem>>, vector<1x1x16xf32>,
            %get3A_221 = vector.shape_cast %get3A_220 : vector<1x1x16xf32> to vector<16xf32>
            %get3A_222 = arith.constant 1 : i32
            %get3A_223 = arith.index_cast %get3A_222 : i32 to index
            %get3A_224 = arith.index_cast %add3A_185 : i32 to index
            %get3A_225 = arith.constant 16 : index
            %get3A_226 = tpu.vector_load %arg11[%get3A_223, %get3A_224, %get3A_225] {strides = array<i32>} : memref<2x64x128xf32, #tpu.memory_space<vmem>>, vector<1x1x16xf32>,
            %get3A_227 = vector.shape_cast %get3A_226 : vector<1x1x16xf32> to vector<16xf32>
            %mul3A_228 = arith.mulf %get3A_221, %get3A_227 : vector<16xf32>
            %mul3A_229 = arith.constant 2 : i32
            %mul3A_230 = arith.muli %mul3A_229, %add3A_185 : i32
            %add3A_231 = arith.constant 0 : i32
            %add3A_232 = arith.addi %mul3A_230, %add3A_231 : i32
            %swap3A_233 = arith.constant 1 : i32
            %swap3A_234 = arith.index_cast %swap3A_233 : i32 to index
            %swap3A_235 = arith.index_cast %add3A_232 : i32 to index
            %swap3A_236 = arith.constant 16 : index
            %swap3A_237 = tpu.vector_load %arg10[%swap3A_234, %swap3A_235, %swap3A_236] {strides = array<i32>} : memref<2x128x64xf32, #tpu.memory_space<vmem>>, vector<1x1x16xf32>,
            %swap3A_238 = vector.shape_cast %swap3A_237 : vector<1x1x16xf32> to vector<16xf32>
            %swap3A_239 = vector.shape_cast %mul3A_228 : vector<16xf32> to vector<1x1x16xf32>
            tpu.vector_store %arg10[%swap3A_234, %swap3A_235, %swap3A_236], %swap3A_239 {strides = array<i32>} : memref<2x128x64xf32, #tpu.memory_space<vmem>>, vector<1x1x16xf32>,
            %mul3A_240 = arith.constant 2 : i32
            %mul3A_241 = arith.muli %mul3A_240, %add3A_185 : i32
            %add3A_242 = arith.constant 0 : i32
            %add3A_243 = arith.addi %mul3A_241, %add3A_242 : i32
            %get3A_244 = arith.constant 1 : i32
            %get3A_245 = arith.index_cast %get3A_244 : i32 to index
            %get3A_246 = arith.index_cast %add3A_243 : i32 to index
            %get3A_247 = arith.constant 32 : index
            %get3A_248 = tpu.vector_load %arg10[%get3A_245, %get3A_246, %get3A_247] {strides = array<i32>} : memref<2x128x64xf32, #tpu.memory_space<vmem>>, vector<1x1x16xf32>,
            %get3A_249 = vector.shape_cast %get3A_248 : vector<1x1x16xf32> to vector<16xf32>
            %get3A_250 = arith.constant 1 : i32
            %get3A_251 = arith.index_cast %get3A_250 : i32 to index
            %get3A_252 = arith.index_cast %add3A_185 : i32 to index
            %get3A_253 = arith.constant 32 : index
            %get3A_254 = tpu.vector_load %arg11[%get3A_251, %get3A_252, %get3A_253] {strides = array<i32>} : memref<2x64x128xf32, #tpu.memory_space<vmem>>, vector<1x1x16xf32>,
            %get3A_255 = vector.shape_cast %get3A_254 : vector<1x1x16xf32> to vector<16xf32>
            %mul3A_256 = arith.mulf %get3A_249, %get3A_255 : vector<16xf32>
            %mul3A_257 = arith.constant 2 : i32
            %mul3A_258 = arith.muli %mul3A_257, %add3A_185 : i32
            %add3A_259 = arith.constant 0 : i32
            %add3A_260 = arith.addi %mul3A_258, %add3A_259 : i32
            %swap3A_261 = arith.constant 1 : i32
            %swap3A_262 = arith.index_cast %swap3A_261 : i32 to index
            %swap3A_263 = arith.index_cast %add3A_260 : i32 to index
            %swap3A_264 = arith.constant 32 : index
            %swap3A_265 = tpu.vector_load %arg10[%swap3A_262, %swap3A_263, %swap3A_264] {strides = array<i32>} : memref<2x128x64xf32, #tpu.memory_space<vmem>>, vector<1x1x16xf32>,
            %swap3A_266 = vector.shape_cast %swap3A_265 : vector<1x1x16xf32> to vector<16xf32>
            %swap3A_267 = vector.shape_cast %mul3A_256 : vector<16xf32> to vector<1x1x16xf32>
            tpu.vector_store %arg10[%swap3A_262, %swap3A_263, %swap3A_264], %swap3A_267 {strides = array<i32>} : memref<2x128x64xf32, #tpu.memory_space<vmem>>, vector<1x1x16xf32>,
            %mul3A_268 = arith.constant 2 : i32
            %mul3A_269 = arith.muli %mul3A_268, %add3A_185 : i32
            %add3A_270 = arith.constant 0 : i32
            %add3A_271 = arith.addi %mul3A_269, %add3A_270 : i32
            %get3A_272 = arith.constant 1 : i32
            %get3A_273 = arith.index_cast %get3A_272 : i32 to index
            %get3A_274 = arith.index_cast %add3A_271 : i32 to index
            %get3A_275 = arith.constant 48 : index
            %get3A_276 = tpu.vector_load %arg10[%get3A_273, %get3A_274, %get3A_275] {strides = array<i32>} : memref<2x128x64xf32, #tpu.memory_space<vmem>>, vector<1x1x16xf32>,
            %get3A_277 = vector.shape_cast %get3A_276 : vector<1x1x16xf32> to vector<16xf32>
            %get3A_278 = arith.constant 1 : i32
            %get3A_279 = arith.index_cast %get3A_278 : i32 to index
            %get3A_280 = arith.index_cast %add3A_185 : i32 to index
            %get3A_281 = arith.constant 48 : index
            %get3A_282 = tpu.vector_load %arg11[%get3A_279, %get3A_280, %get3A_281] {strides = array<i32>} : memref<2x64x128xf32, #tpu.memory_space<vmem>>, vector<1x1x16xf32>,
            %get3A_283 = vector.shape_cast %get3A_282 : vector<1x1x16xf32> to vector<16xf32>
            %mul3A_284 = arith.mulf %get3A_277, %get3A_283 : vector<16xf32>
            %mul3A_285 = arith.constant 2 : i32
            %mul3A_286 = arith.muli %mul3A_285, %add3A_185 : i32
            %add3A_287 = arith.constant 0 : i32
            %add3A_288 = arith.addi %mul3A_286, %add3A_287 : i32
            %swap3A_289 = arith.constant 1 : i32
            %swap3A_290 = arith.index_cast %swap3A_289 : i32 to index
            %swap3A_291 = arith.index_cast %add3A_288 : i32 to index
            %swap3A_292 = arith.constant 48 : index
            %swap3A_293 = tpu.vector_load %arg10[%swap3A_290, %swap3A_291, %swap3A_292] {strides = array<i32>} : memref<2x128x64xf32, #tpu.memory_space<vmem>>, vector<1x1x16xf32>,
            %swap3A_294 = vector.shape_cast %swap3A_293 : vector<1x1x16xf32> to vector<16xf32>
            %swap3A_295 = vector.shape_cast %mul3A_284 : vector<16xf32> to vector<1x1x16xf32>
            tpu.vector_store %arg10[%swap3A_290, %swap3A_291, %swap3A_292], %swap3A_295 {strides = array<i32>} : memref<2x128x64xf32, #tpu.memory_space<vmem>>, vector<1x1x16xf32>,
            %mul3A_296 = arith.constant 2 : i32
            %mul3A_297 = arith.muli %mul3A_296, %add3A_185 : i32
            %add3A_298 = arith.constant 1 : i32
            %add3A_299 = arith.addi %mul3A_297, %add3A_298 : i32
            %get3A_300 = arith.constant 1 : i32
            %get3A_301 = arith.index_cast %get3A_300 : i32 to index
            %get3A_302 = arith.index_cast %add3A_299 : i32 to index
            %get3A_303 = arith.constant 0 : index
            %get3A_304 = tpu.vector_load %arg10[%get3A_301, %get3A_302, %get3A_303] {strides = array<i32>} : memref<2x128x64xf32, #tpu.memory_space<vmem>>, vector<1x1x16xf32>,
            %get3A_305 = vector.shape_cast %get3A_304 : vector<1x1x16xf32> to vector<16xf32>
            %get3A_306 = arith.constant 1 : i32
            %get3A_307 = arith.index_cast %get3A_306 : i32 to index
            %get3A_308 = arith.index_cast %add3A_185 : i32 to index
            %get3A_309 = arith.constant 64 : index
            %get3A_310 = tpu.vector_load %arg11[%get3A_307, %get3A_308, %get3A_309] {strides = array<i32>} : memref<2x64x128xf32, #tpu.memory_space<vmem>>, vector<1x1x16xf32>,
            %get3A_311 = vector.shape_cast %get3A_310 : vector<1x1x16xf32> to vector<16xf32>
            %mul3A_312 = arith.mulf %get3A_305, %get3A_311 : vector<16xf32>
            %mul3A_313 = arith.constant 2 : i32
            %mul3A_314 = arith.muli %mul3A_313, %add3A_185 : i32
            %add3A_315 = arith.constant 1 : i32
            %add3A_316 = arith.addi %mul3A_314, %add3A_315 : i32
            %swap3A_317 = arith.constant 1 : i32
            %swap3A_318 = arith.index_cast %swap3A_317 : i32 to index
            %swap3A_319 = arith.index_cast %add3A_316 : i32 to index
            %swap3A_320 = arith.constant 0 : index
            %swap3A_321 = tpu.vector_load %arg10[%swap3A_318, %swap3A_319, %swap3A_320] {strides = array<i32>} : memref<2x128x64xf32, #tpu.memory_space<vmem>>, vector<1x1x16xf32>,
            %swap3A_322 = vector.shape_cast %swap3A_321 : vector<1x1x16xf32> to vector<16xf32>
            %swap3A_323 = vector.shape_cast %mul3A_312 : vector<16xf32> to vector<1x1x16xf32>
            tpu.vector_store %arg10[%swap3A_318, %swap3A_319, %swap3A_320], %swap3A_323 {strides = array<i32>} : memref<2x128x64xf32, #tpu.memory_space<vmem>>, vector<1x1x16xf32>,
            %mul3A_324 = arith.constant 2 : i32
            %mul3A_325 = arith.muli %mul3A_324, %add3A_185 : i32
            %add3A_326 = arith.constant 1 : i32
            %add3A_327 = arith.addi %mul3A_325, %add3A_326 : i32
            %get3A_328 = arith.constant 1 : i32
            %get3A_329 = arith.index_cast %get3A_328 : i32 to index
            %get3A_330 = arith.index_cast %add3A_327 : i32 to index
            %get3A_331 = arith.constant 16 : index
            %get3A_332 = tpu.vector_load %arg10[%get3A_329, %get3A_330, %get3A_331] {strides = array<i32>} : memref<2x128x64xf32, #tpu.memory_space<vmem>>, vector<1x1x16xf32>,
            %get3A_333 = vector.shape_cast %get3A_332 : vector<1x1x16xf32> to vector<16xf32>
            %get3A_334 = arith.constant 1 : i32
            %get3A_335 = arith.index_cast %get3A_334 : i32 to index
            %get3A_336 = arith.index_cast %add3A_185 : i32 to index
            %get3A_337 = arith.constant 80 : index
            %get3A_338 = tpu.vector_load %arg11[%get3A_335, %get3A_336, %get3A_337] {strides = array<i32>} : memref<2x64x128xf32, #tpu.memory_space<vmem>>, vector<1x1x16xf32>,
            %get3A_339 = vector.shape_cast %get3A_338 : vector<1x1x16xf32> to vector<16xf32>
            %mul3A_340 = arith.mulf %get3A_333, %get3A_339 : vector<16xf32>
            %mul3A_341 = arith.constant 2 : i32
            %mul3A_342 = arith.muli %mul3A_341, %add3A_185 : i32
            %add3A_343 = arith.constant 1 : i32
            %add3A_344 = arith.addi %mul3A_342, %add3A_343 : i32
            %swap3A_345 = arith.constant 1 : i32
            %swap3A_346 = arith.index_cast %swap3A_345 : i32 to index
            %swap3A_347 = arith.index_cast %add3A_344 : i32 to index
            %swap3A_348 = arith.constant 16 : index
            %swap3A_349 = tpu.vector_load %arg10[%swap3A_346, %swap3A_347, %swap3A_348] {strides = array<i32>} : memref<2x128x64xf32, #tpu.memory_space<vmem>>, vector<1x1x16xf32>,
            %swap3A_350 = vector.shape_cast %swap3A_349 : vector<1x1x16xf32> to vector<16xf32>
            %swap3A_351 = vector.shape_cast %mul3A_340 : vector<16xf32> to vector<1x1x16xf32>
            tpu.vector_store %arg10[%swap3A_346, %swap3A_347, %swap3A_348], %swap3A_351 {strides = array<i32>} : memref<2x128x64xf32, #tpu.memory_space<vmem>>, vector<1x1x16xf32>,
            %mul3A_352 = arith.constant 2 : i32
            %mul3A_353 = arith.muli %mul3A_352, %add3A_185 : i32
            %add3A_354 = arith.constant 1 : i32
            %add3A_355 = arith.addi %mul3A_353, %add3A_354 : i32
            %get3A_356 = arith.constant 1 : i32
            %get3A_357 = arith.index_cast %get3A_356 : i32 to index
            %get3A_358 = arith.index_cast %add3A_355 : i32 to index
            %get3A_359 = arith.constant 32 : index
            %get3A_360 = tpu.vector_load %arg10[%get3A_357, %get3A_358, %get3A_359] {strides = array<i32>} : memref<2x128x64xf32, #tpu.memory_space<vmem>>, vector<1x1x16xf32>,
            %get3A_361 = vector.shape_cast %get3A_360 : vector<1x1x16xf32> to vector<16xf32>
            %get3A_362 = arith.constant 1 : i32
            %get3A_363 = arith.index_cast %get3A_362 : i32 to index
            %get3A_364 = arith.index_cast %add3A_185 : i32 to index
            %get3A_365 = arith.constant 96 : index
            %get3A_366 = tpu.vector_load %arg11[%get3A_363, %get3A_364, %get3A_365] {strides = array<i32>} : memref<2x64x128xf32, #tpu.memory_space<vmem>>, vector<1x1x16xf32>,
            %get3A_367 = vector.shape_cast %get3A_366 : vector<1x1x16xf32> to vector<16xf32>
            %mul3A_368 = arith.mulf %get3A_361, %get3A_367 : vector<16xf32>
            %mul3A_369 = arith.constant 2 : i32
            %mul3A_370 = arith.muli %mul3A_369, %add3A_185 : i32
            %add3A_371 = arith.constant 1 : i32
            %add3A_372 = arith.addi %mul3A_370, %add3A_371 : i32
            %swap3A_373 = arith.constant 1 : i32
            %swap3A_374 = arith.index_cast %swap3A_373 : i32 to index
            %swap3A_375 = arith.index_cast %add3A_372 : i32 to index
            %swap3A_376 = arith.constant 32 : index
            %swap3A_377 = tpu.vector_load %arg10[%swap3A_374, %swap3A_375, %swap3A_376] {strides = array<i32>} : memref<2x128x64xf32, #tpu.memory_space<vmem>>, vector<1x1x16xf32>,
            %swap3A_378 = vector.shape_cast %swap3A_377 : vector<1x1x16xf32> to vector<16xf32>
            %swap3A_379 = vector.shape_cast %mul3A_368 : vector<16xf32> to vector<1x1x16xf32>
            tpu.vector_store %arg10[%swap3A_374, %swap3A_375, %swap3A_376], %swap3A_379 {strides = array<i32>} : memref<2x128x64xf32, #tpu.memory_space<vmem>>, vector<1x1x16xf32>,
            %mul3A_380 = arith.constant 2 : i32
            %mul3A_381 = arith.muli %mul3A_380, %add3A_185 : i32
            %add3A_382 = arith.constant 1 : i32
            %add3A_383 = arith.addi %mul3A_381, %add3A_382 : i32
            %get3A_384 = arith.constant 1 : i32
            %get3A_385 = arith.index_cast %get3A_384 : i32 to index
            %get3A_386 = arith.index_cast %add3A_383 : i32 to index
            %get3A_387 = arith.constant 48 : index
            %get3A_388 = tpu.vector_load %arg10[%get3A_385, %get3A_386, %get3A_387] {strides = array<i32>} : memref<2x128x64xf32, #tpu.memory_space<vmem>>, vector<1x1x16xf32>,
            %get3A_389 = vector.shape_cast %get3A_388 : vector<1x1x16xf32> to vector<16xf32>
            %get3A_390 = arith.constant 1 : i32
            %get3A_391 = arith.index_cast %get3A_390 : i32 to index
            %get3A_392 = arith.index_cast %add3A_185 : i32 to index
            %get3A_393 = arith.constant 112 : index
            %get3A_394 = tpu.vector_load %arg11[%get3A_391, %get3A_392, %get3A_393] {strides = array<i32>} : memref<2x64x128xf32, #tpu.memory_space<vmem>>, vector<1x1x16xf32>,
            %get3A_395 = vector.shape_cast %get3A_394 : vector<1x1x16xf32> to vector<16xf32>
            %mul3A_396 = arith.mulf %get3A_389, %get3A_395 : vector<16xf32>
            %mul3A_397 = arith.constant 2 : i32
            %mul3A_398 = arith.muli %mul3A_397, %add3A_185 : i32
            %add3A_399 = arith.constant 1 : i32
            %add3A_400 = arith.addi %mul3A_398, %add3A_399 : i32
            %swap3A_401 = arith.constant 1 : i32
            %swap3A_402 = arith.index_cast %swap3A_401 : i32 to index
            %swap3A_403 = arith.index_cast %add3A_400 : i32 to index
            %swap3A_404 = arith.constant 48 : index
            %swap3A_405 = tpu.vector_load %arg10[%swap3A_402, %swap3A_403, %swap3A_404] {strides = array<i32>} : memref<2x128x64xf32, #tpu.memory_space<vmem>>, vector<1x1x16xf32>,
            %swap3A_406 = vector.shape_cast %swap3A_405 : vector<1x1x16xf32> to vector<16xf32>
            %swap3A_407 = vector.shape_cast %mul3A_396 : vector<16xf32> to vector<1x1x16xf32>
            tpu.vector_store %arg10[%swap3A_402, %swap3A_403, %swap3A_404], %swap3A_407 {strides = array<i32>} : memref<2x128x64xf32, #tpu.memory_space<vmem>>, vector<1x1x16xf32>,
          }
          %scan3A_173 = arith.constant 64 : i32
          %run_scoped3A = arith.constant 1 : i32
          %run_scoped3A_174 = arith.constant 1 : i32
          %run_scoped3A_175 = arith.constant 1 : i32
          "tpu.region"() ({
            %run_scoped3A_181 = tpu.sem_alloc : memref<!tpu.dma_semaphore, #tpu.memory_space<semaphore_mem>>
            %dma_start3A_182 = arith.constant 0 : i32
            %dma_start3A_183 = arith.constant 0 : i32
            %dma_start3A_184 = tpu.memref_slice %arg10[%run_scoped3A, %dma_start3A_182, %dma_start3A_183] : memref<2x128x64xf32, #tpu.memory_space<vmem>> -> memref<1x128x64xf32, #tpu.memory_space<vmem>>
            %dma_start3A_185 = tpu.memref_squeeze %dma_start3A_184 : memref<1x128x64xf32, #tpu.memory_space<vmem>> -> memref<128x64xf32, #tpu.memory_space<vmem>>
            %dma_start3A_186 = arith.constant 0 : i32
            %dma_start3A_187 = tpu.memref_slice %arg9[%run_scoped3A_174, %run_scoped3A_175, %dma_start3A_186] : memref<2x2x128xi32, #tpu.memory_space<vmem>> -> memref<1x1x128xi32, #tpu.memory_space<vmem>>
            %dma_start3A_188 = tpu.memref_squeeze %dma_start3A_187 : memref<1x1x128xi32, #tpu.memory_space<vmem>> -> memref<128xi32, #tpu.memory_space<vmem>>
            %dma_start3A_189 = arith.constant 0 : i32
            %dma_start3A_190 = arith.constant 0 : i32
            %dma_start3A_191 = tpu.memref_slice %arg13[%dma_start3A_189, %dma_start3A_190] : memref<10240x64xf32, #tpu.memory_space<vmem_shared>> -> memref<10240x64xf32, #tpu.memory_space<vmem_shared>>
            tpu.enqueue_indirect_dma source(%dma_start3A_185 : memref<128x64xf32, #tpu.memory_space<vmem>>) target(%dma_start3A_191 : memref<10240x64xf32, #tpu.memory_space<vmem_shared>>) offsets(%dma_start3A_188 : memref<128xi32, #tpu.memory_space<vmem>>) semaphore(%run_scoped3A_181 : memref<!tpu.dma_semaphore, #tpu.memory_space<semaphore_mem>>) {add = true}
            %dma_wait3A_192 = arith.constant 0 : i32
            %dma_wait3A_193 = arith.constant 0 : i32
            %dma_wait3A_194 = tpu.memref_slice %arg10[%run_scoped3A, %dma_wait3A_192, %dma_wait3A_193] : memref<2x128x64xf32, #tpu.memory_space<vmem>> -> memref<1x128x64xf32, #tpu.memory_space<vmem>>
            %dma_wait3A_195 = tpu.memref_squeeze %dma_wait3A_194 : memref<1x128x64xf32, #tpu.memory_space<vmem>> -> memref<128x64xf32, #tpu.memory_space<vmem>>
            %dma_wait3A_196 = arith.constant 0 : i32
            %dma_wait3A_197 = tpu.memref_slice %arg9[%run_scoped3A_174, %run_scoped3A_175, %dma_wait3A_196] : memref<2x2x128xi32, #tpu.memory_space<vmem>> -> memref<1x1x128xi32, #tpu.memory_space<vmem>>
            %dma_wait3A_198 = tpu.memref_squeeze %dma_wait3A_197 : memref<1x1x128xi32, #tpu.memory_space<vmem>> -> memref<128xi32, #tpu.memory_space<vmem>>
            %dma_wait3A_199 = arith.constant 0 : i32
            %dma_wait3A_200 = arith.constant 0 : i32
            %dma_wait3A_201 = tpu.memref_slice %arg13[%dma_wait3A_199, %dma_wait3A_200] : memref<10240x64xf32, #tpu.memory_space<vmem_shared>> -> memref<10240x64xf32, #tpu.memory_space<vmem_shared>>
            tpu.wait_indirect_dma semaphore(%run_scoped3A_181 : memref<!tpu.dma_semaphore, #tpu.memory_space<semaphore_mem>>) src(%dma_wait3A_195 : memref<128x64xf32, #tpu.memory_space<vmem>>) dst(%dma_wait3A_201 : memref<10240x64xf32, #tpu.memory_space<vmem_shared>>)
            tpu.yield
          }) : () -> ()
          %lt3A_176 = arith.constant 2500 : i32
          %lt3A_177 = arith.cmpi slt, %add3A_128, %lt3A_176 : i32
          %convert_element_type3A_178 = arith.extui %lt3A_177 : i1 to i32
          %cond3A_179 = arith.constant 0 : i32
          %cond3A_180 = arith.cmpi ne, %convert_element_type3A_178, %cond3A_179 : i32
          scf.if %cond3A_180 {
            %dma_start3A_181 = arith.constant 1 : i32
            %dma_start3A_182 = arith.constant 0 : i32
            %dma_start3A_183 = arith.constant 0 : i32
            %dma_start3A_184 = tpu.memref_slice %arg9[%dma_start3A_181, %dma_start3A_182, %dma_start3A_183] : memref<2x2x128xi32, #tpu.memory_space<vmem>> -> memref<1x2x128xi32, #tpu.memory_space<vmem>>
            %dma_start3A_185 = tpu.memref_squeeze %dma_start3A_184 : memref<1x2x128xi32, #tpu.memory_space<vmem>> -> memref<2x128xi32, #tpu.memory_space<vmem>>
            %dma_start3A_186 = arith.constant 0 : i32
            %dma_start3A_187 = arith.constant 0 : i32
            %dma_start3A_188 = tpu.memref_slice %arg6[%add3A_128, %dma_start3A_186, %dma_start3A_187] : memref<2500x2x128xi32, #tpu.memory_space<hbm>> -> memref<1x2x128xi32, #tpu.memory_space<hbm>>
            %dma_start3A_189 = tpu.memref_squeeze %dma_start3A_188 : memref<1x2x128xi32, #tpu.memory_space<hbm>> -> memref<2x128xi32, #tpu.memory_space<hbm>>
            %dma_start3A_190 = arith.constant 0 : i32
            %dma_start3A_191 = arith.constant 0 : i32
            %dma_start3A_192 = tpu.memref_slice %arg9[%dma_start3A_181, %dma_start3A_190, %dma_start3A_191] : memref<2x2x128xi32, #tpu.memory_space<vmem>> -> memref<1x2x128xi32, #tpu.memory_space<vmem>>
            %dma_start3A_193 = tpu.memref_squeeze %dma_start3A_192 : memref<1x2x128xi32, #tpu.memory_space<vmem>> -> memref<2x128xi32, #tpu.memory_space<vmem>>
            %dma_start3A_194 = arith.constant 0 : i32
            %dma_start3A_195 = arith.constant 0 : i32
            %dma_start3A_196 = tpu.memref_slice %arg6[%add3A_128, %dma_start3A_194, %dma_start3A_195] : memref<2500x2x128xi32, #tpu.memory_space<hbm>> -> memref<1x2x128xi32, #tpu.memory_space<hbm>>
            %dma_start3A_197 = tpu.memref_squeeze %dma_start3A_196 : memref<1x2x128xi32, #tpu.memory_space<hbm>> -> memref<2x128xi32, #tpu.memory_space<hbm>>
            tpu.enqueue_dma source(%dma_start3A_197 : memref<2x128xi32, #tpu.memory_space<hbm>>) target(%dma_start3A_193 : memref<2x128xi32, #tpu.memory_space<vmem>>) target_semaphore(%arg15 : memref<!tpu.dma_semaphore, #tpu.memory_space<semaphore_mem>>)
          } else {
          }
        } else {
        }
      }
      %scan3A_96 = arith.constant 79 : i32
    } else {
    }
    %eq3A_11 = arith.constant 1 : i32
    %eq3A_12 = arith.cmpi eq, %arg0, %eq3A_11 : i32
    %convert_element_type3A_13 = arith.extui %eq3A_12 : i1 to i32
    %cond3A_14 = arith.constant 0 : i32
    %cond3A_15 = arith.cmpi ne, %convert_element_type3A_13, %cond3A_14 : i32
    scf.if %cond3A_15 {
      %dma_start3A = arith.constant 0 : i32
      %dma_start3A_27 = arith.constant 0 : i32
      %dma_start3A_28 = arith.constant 0 : i32
      %dma_start3A_29 = tpu.memref_slice %arg9[%dma_start3A, %dma_start3A_27, %dma_start3A_28] : memref<2x2x128xi32, #tpu.memory_space<vmem>> -> memref<1x2x128xi32, #tpu.memory_space<vmem>>
      %dma_start3A_30 = tpu.memref_squeeze %dma_start3A_29 : memref<1x2x128xi32, #tpu.memory_space<vmem>> -> memref<2x128xi32, #tpu.memory_space<vmem>>
      %dma_start3A_31 = arith.constant 0 : i32
      %dma_start3A_32 = arith.constant 0 : i32
      %dma_start3A_33 = tpu.memref_slice %arg6[%arg1, %dma_start3A_31, %dma_start3A_32] : memref<2500x2x128xi32, #tpu.memory_space<hbm>> -> memref<1x2x128xi32, #tpu.memory_space<hbm>>
      %dma_start3A_34 = tpu.memref_squeeze %dma_start3A_33 : memref<1x2x128xi32, #tpu.memory_space<hbm>> -> memref<2x128xi32, #tpu.memory_space<hbm>>
      %dma_start3A_35 = arith.constant 0 : i32
      %dma_start3A_36 = arith.constant 0 : i32
      %dma_start3A_37 = tpu.memref_slice %arg9[%dma_start3A, %dma_start3A_35, %dma_start3A_36] : memref<2x2x128xi32, #tpu.memory_space<vmem>> -> memref<1x2x128xi32, #tpu.memory_space<vmem>>
      %dma_start3A_38 = tpu.memref_squeeze %dma_start3A_37 : memref<1x2x128xi32, #tpu.memory_space<vmem>> -> memref<2x128xi32, #tpu.memory_space<vmem>>
      %dma_start3A_39 = arith.constant 0 : i32
      %dma_start3A_40 = arith.constant 0 : i32
      %dma_start3A_41 = tpu.memref_slice %arg6[%arg1, %dma_start3A_39, %dma_start3A_40] : memref<2500x2x128xi32, #tpu.memory_space<hbm>> -> memref<1x2x128xi32, #tpu.memory_space<hbm>>
      %dma_start3A_42 = tpu.memref_squeeze %dma_start3A_41 : memref<1x2x128xi32, #tpu.memory_space<hbm>> -> memref<2x128xi32, #tpu.memory_space<hbm>>
      tpu.enqueue_dma source(%dma_start3A_42 : memref<2x128xi32, #tpu.memory_space<hbm>>) target(%dma_start3A_38 : memref<2x128xi32, #tpu.memory_space<vmem>>) target_semaphore(%arg14 : memref<!tpu.dma_semaphore, #tpu.memory_space<semaphore_mem>>)
      %add3A = arith.constant 16 : i32
      %add3A_43 = arith.addi %add3A, %arg1 : i32
      %lt3A = arith.constant 2500 : i32
      %lt3A_44 = arith.cmpi slt, %add3A_43, %lt3A : i32
      %convert_element_type3A_45 = arith.extui %lt3A_44 : i1 to i32
      %cond3A_46 = arith.constant 0 : i32
      %cond3A_47 = arith.cmpi ne, %convert_element_type3A_45, %cond3A_46 : i32
      scf.if %cond3A_47 {
        %add3A_97 = arith.constant 16 : i32
        %add3A_98 = arith.addi %add3A_97, %arg1 : i32
        %dma_start3A_99 = arith.constant 1 : i32
        %dma_start3A_100 = arith.constant 0 : i32
        %dma_start3A_101 = arith.constant 0 : i32
        %dma_start3A_102 = tpu.memref_slice %arg9[%dma_start3A_99, %dma_start3A_100, %dma_start3A_101] : memref<2x2x128xi32, #tpu.memory_space<vmem>> -> memref<1x2x128xi32, #tpu.memory_space<vmem>>
        %dma_start3A_103 = tpu.memref_squeeze %dma_start3A_102 : memref<1x2x128xi32, #tpu.memory_space<vmem>> -> memref<2x128xi32, #tpu.memory_space<vmem>>
        %dma_start3A_104 = arith.constant 0 : i32
        %dma_start3A_105 = arith.constant 0 : i32
        %dma_start3A_106 = tpu.memref_slice %arg6[%add3A_98, %dma_start3A_104, %dma_start3A_105] : memref<2500x2x128xi32, #tpu.memory_space<hbm>> -> memref<1x2x128xi32, #tpu.memory_space<hbm>>
        %dma_start3A_107 = tpu.memref_squeeze %dma_start3A_106 : memref<1x2x128xi32, #tpu.memory_space<hbm>> -> memref<2x128xi32, #tpu.memory_space<hbm>>
        %dma_start3A_108 = arith.constant 0 : i32
        %dma_start3A_109 = arith.constant 0 : i32
        %dma_start3A_110 = tpu.memref_slice %arg9[%dma_start3A_99, %dma_start3A_108, %dma_start3A_109] : memref<2x2x128xi32, #tpu.memory_space<vmem>> -> memref<1x2x128xi32, #tpu.memory_space<vmem>>
        %dma_start3A_111 = tpu.memref_squeeze %dma_start3A_110 : memref<1x2x128xi32, #tpu.memory_space<vmem>> -> memref<2x128xi32, #tpu.memory_space<vmem>>
        %dma_start3A_112 = arith.constant 0 : i32
        %dma_start3A_113 = arith.constant 0 : i32
        %dma_start3A_114 = tpu.memref_slice %arg6[%add3A_98, %dma_start3A_112, %dma_start3A_113] : memref<2500x2x128xi32, #tpu.memory_space<hbm>> -> memref<1x2x128xi32, #tpu.memory_space<hbm>>
        %dma_start3A_115 = tpu.memref_squeeze %dma_start3A_114 : memref<1x2x128xi32, #tpu.memory_space<hbm>> -> memref<2x128xi32, #tpu.memory_space<hbm>>
        tpu.enqueue_dma source(%dma_start3A_115 : memref<2x128xi32, #tpu.memory_space<hbm>>) target(%dma_start3A_111 : memref<2x128xi32, #tpu.memory_space<vmem>>) target_semaphore(%arg15 : memref<!tpu.dma_semaphore, #tpu.memory_space<semaphore_mem>>)
      } else {
      }
      %dma_wait3A = arith.constant 0 : i32
      %dma_wait3A_48 = arith.constant 0 : i32
      %dma_wait3A_49 = arith.constant 0 : i32
      %dma_wait3A_50 = arith.constant 0 : i32
      %dma_wait3A_51 = tpu.memref_slice %arg9[%dma_wait3A_48, %dma_wait3A_49, %dma_wait3A_50] : memref<2x2x128xi32, #tpu.memory_space<vmem>> -> memref<1x2x128xi32, #tpu.memory_space<vmem>>
      %dma_wait3A_52 = tpu.memref_squeeze %dma_wait3A_51 : memref<1x2x128xi32, #tpu.memory_space<vmem>> -> memref<2x128xi32, #tpu.memory_space<vmem>>
      %dma_wait3A_53 = arith.constant 0 : i32
      %dma_wait3A_54 = arith.constant 0 : i32
      %dma_wait3A_55 = tpu.memref_slice %arg6[%dma_wait3A, %dma_wait3A_53, %dma_wait3A_54] : memref<2500x2x128xi32, #tpu.memory_space<hbm>> -> memref<1x2x128xi32, #tpu.memory_space<hbm>>
      %dma_wait3A_56 = tpu.memref_squeeze %dma_wait3A_55 : memref<1x2x128xi32, #tpu.memory_space<hbm>> -> memref<2x128xi32, #tpu.memory_space<hbm>>
      %dma_wait3A_57 = arith.constant 0 : i32
      %dma_wait3A_58 = arith.constant 0 : i32
      %dma_wait3A_59 = tpu.memref_slice %arg9[%dma_wait3A_48, %dma_wait3A_57, %dma_wait3A_58] : memref<2x2x128xi32, #tpu.memory_space<vmem>> -> memref<1x2x128xi32, #tpu.memory_space<vmem>>
      %dma_wait3A_60 = tpu.memref_squeeze %dma_wait3A_59 : memref<1x2x128xi32, #tpu.memory_space<vmem>> -> memref<2x128xi32, #tpu.memory_space<vmem>>
      %dma_wait3A_61 = arith.constant 0 : i32
      %dma_wait3A_62 = arith.constant 0 : i32
      %dma_wait3A_63 = tpu.memref_slice %arg6[%dma_wait3A, %dma_wait3A_61, %dma_wait3A_62] : memref<2500x2x128xi32, #tpu.memory_space<hbm>> -> memref<1x2x128xi32, #tpu.memory_space<hbm>>
      %dma_wait3A_64 = tpu.memref_squeeze %dma_wait3A_63 : memref<1x2x128xi32, #tpu.memory_space<hbm>> -> memref<2x128xi32, #tpu.memory_space<hbm>>
      tpu.wait_dma2 semaphore(%arg14 : memref<!tpu.dma_semaphore, #tpu.memory_space<semaphore_mem>>) src(%dma_wait3A_64 : memref<2x128xi32, #tpu.memory_space<hbm>>) dst(%dma_wait3A_60 : memref<2x128xi32, #tpu.memory_space<vmem>>)
      %dma_start3A_65 = arith.constant 0 : i32
      %dma_start3A_66 = arith.constant 0 : i32
      %dma_start3A_67 = arith.constant 0 : i32
      %dma_start3A_68 = arith.constant 0 : i32
      %dma_start3A_69 = arith.constant 0 : i32
      %dma_start3A_70 = tpu.memref_slice %arg10[%dma_start3A_67, %dma_start3A_68, %dma_start3A_69] : memref<2x128x64xf32, #tpu.memory_space<vmem>> -> memref<1x128x64xf32, #tpu.memory_space<vmem>>
      %dma_start3A_71 = tpu.memref_squeeze %dma_start3A_70 : memref<1x128x64xf32, #tpu.memory_space<vmem>> -> memref<128x64xf32, #tpu.memory_space<vmem>>
      %dma_start3A_72 = arith.constant 0 : i32
      %dma_start3A_73 = tpu.memref_slice %arg9[%dma_start3A_65, %dma_start3A_66, %dma_start3A_72] : memref<2x2x128xi32, #tpu.memory_space<vmem>> -> memref<1x1x128xi32, #tpu.memory_space<vmem>>
      %dma_start3A_74 = tpu.memref_squeeze %dma_start3A_73 : memref<1x1x128xi32, #tpu.memory_space<vmem>> -> memref<128xi32, #tpu.memory_space<vmem>>
      %dma_start3A_75 = arith.constant 0 : i32
      %dma_start3A_76 = arith.constant 0 : i32
      %dma_start3A_77 = tpu.memref_slice %arg3[%dma_start3A_75, %dma_start3A_76] : memref<10240x64xf32, #tpu.memory_space<hbm>> -> memref<10240x64xf32, #tpu.memory_space<hbm>>
      tpu.enqueue_indirect_dma source(%dma_start3A_77 : memref<10240x64xf32, #tpu.memory_space<hbm>>) target(%dma_start3A_71 : memref<128x64xf32, #tpu.memory_space<vmem>>) offsets(%dma_start3A_74 : memref<128xi32, #tpu.memory_space<vmem>>) semaphore(%arg16 : memref<!tpu.dma_semaphore, #tpu.memory_space<semaphore_mem>>)
      %mul3A = arith.constant 64 : i32
      %mul3A_78 = arith.muli %arg1, %mul3A : i32
      %dma_start3A_79 = arith.constant 0 : i32
      %dma_start3A_80 = arith.constant 0 : i32
      %dma_start3A_81 = arith.constant 0 : i32
      %dma_start3A_82 = tpu.memref_slice %arg11[%dma_start3A_79, %dma_start3A_80, %dma_start3A_81] : memref<2x64x128xf32, #tpu.memory_space<vmem>> -> memref<1x64x128xf32, #tpu.memory_space<vmem>>
      %dma_start3A_83 = tpu.memref_squeeze %dma_start3A_82 : memref<1x64x128xf32, #tpu.memory_space<vmem>> -> memref<64x128xf32, #tpu.memory_space<vmem>>
      %dma_start3A_84 = arith.constant 0 : i32
      %dma_start3A_85 = tpu.memref_slice %arg5[%mul3A_78, %dma_start3A_84] : memref<160000x128xf32, #tpu.memory_space<hbm>> -> memref<64x128xf32, #tpu.memory_space<hbm>>
      %dma_start3A_86 = arith.constant 0 : i32
      %dma_start3A_87 = arith.constant 0 : i32
      %dma_start3A_88 = tpu.memref_slice %arg11[%dma_start3A_79, %dma_start3A_86, %dma_start3A_87] : memref<2x64x128xf32, #tpu.memory_space<vmem>> -> memref<1x64x128xf32, #tpu.memory_space<vmem>>
      %dma_start3A_89 = tpu.memref_squeeze %dma_start3A_88 : memref<1x64x128xf32, #tpu.memory_space<vmem>> -> memref<64x128xf32, #tpu.memory_space<vmem>>
      %dma_start3A_90 = arith.constant 0 : i32
      %dma_start3A_91 = tpu.memref_slice %arg5[%mul3A_78, %dma_start3A_90] : memref<160000x128xf32, #tpu.memory_space<hbm>> -> memref<64x128xf32, #tpu.memory_space<hbm>>
      tpu.enqueue_dma source(%dma_start3A_91 : memref<64x128xf32, #tpu.memory_space<hbm>>) target(%dma_start3A_89 : memref<64x128xf32, #tpu.memory_space<vmem>>) target_semaphore(%arg18 : memref<!tpu.dma_semaphore, #tpu.memory_space<semaphore_mem>>)
      %scan3A_92 = arith.constant 0 : i32
      %scan3A_93 = arith.constant 79 : i32
      %scan3A_94 = arith.addi %scan3A_92, %scan3A_93 : i32
      %scan3A_95 = arith.constant 1 : i32
      scf.for %scan3A_97 = %scan3A_92 to %scan3A_94 step %scan3A_95  : i32 {
        %mul3A_98 = arith.constant 1 : i32
        %mul3A_99 = arith.muli %scan3A_97, %mul3A_98 : i32
        %add3A_100 = arith.constant 0 : i32
        %add3A_101 = arith.addi %add3A_100, %mul3A_99 : i32
        %mul3A_102 = arith.constant 2 : i32
        %mul3A_103 = arith.muli %mul3A_102, %add3A_101 : i32
        %add3A_104 = arith.constant 0 : i32
        %add3A_105 = arith.addi %mul3A_103, %add3A_104 : i32
        %mul3A_106 = arith.constant 16 : i32
        %mul3A_107 = arith.muli %add3A_105, %mul3A_106 : i32
        %add3A_108 = arith.addi %mul3A_107, %arg1 : i32
        %add3A_109 = arith.constant 16 : i32
        %add3A_110 = arith.addi %add3A_108, %add3A_109 : i32
        %add3A_111 = arith.constant 16 : i32
        %add3A_112 = arith.addi %add3A_110, %add3A_111 : i32
        %lt3A_113 = arith.constant 2500 : i32
        %lt3A_114 = arith.cmpi slt, %add3A_108, %lt3A_113 : i32
        %convert_element_type3A_115 = arith.extui %lt3A_114 : i1 to i32
        %cond3A_116 = arith.constant 0 : i32
        %cond3A_117 = arith.cmpi ne, %convert_element_type3A_115, %cond3A_116 : i32
        scf.if %cond3A_117 {
          %lt3A_134 = arith.constant 2500 : i32
          %lt3A_135 = arith.cmpi slt, %add3A_110, %lt3A_134 : i32
          %convert_element_type3A_136 = arith.extui %lt3A_135 : i1 to i32
          %cond3A_137 = arith.constant 0 : i32
          %cond3A_138 = arith.cmpi ne, %convert_element_type3A_136, %cond3A_137 : i32
          scf.if %cond3A_138 {
            %dma_wait3A_181 = arith.constant 0 : i32
            %dma_wait3A_182 = arith.constant 1 : i32
            %dma_wait3A_183 = arith.constant 0 : i32
            %dma_wait3A_184 = arith.constant 0 : i32
            %dma_wait3A_185 = tpu.memref_slice %arg9[%dma_wait3A_182, %dma_wait3A_183, %dma_wait3A_184] : memref<2x2x128xi32, #tpu.memory_space<vmem>> -> memref<1x2x128xi32, #tpu.memory_space<vmem>>
            %dma_wait3A_186 = tpu.memref_squeeze %dma_wait3A_185 : memref<1x2x128xi32, #tpu.memory_space<vmem>> -> memref<2x128xi32, #tpu.memory_space<vmem>>
            %dma_wait3A_187 = arith.constant 0 : i32
            %dma_wait3A_188 = arith.constant 0 : i32
            %dma_wait3A_189 = tpu.memref_slice %arg6[%dma_wait3A_181, %dma_wait3A_187, %dma_wait3A_188] : memref<2500x2x128xi32, #tpu.memory_space<hbm>> -> memref<1x2x128xi32, #tpu.memory_space<hbm>>
            %dma_wait3A_190 = tpu.memref_squeeze %dma_wait3A_189 : memref<1x2x128xi32, #tpu.memory_space<hbm>> -> memref<2x128xi32, #tpu.memory_space<hbm>>
            %dma_wait3A_191 = arith.constant 0 : i32
            %dma_wait3A_192 = arith.constant 0 : i32
            %dma_wait3A_193 = tpu.memref_slice %arg9[%dma_wait3A_182, %dma_wait3A_191, %dma_wait3A_192] : memref<2x2x128xi32, #tpu.memory_space<vmem>> -> memref<1x2x128xi32, #tpu.memory_space<vmem>>
            %dma_wait3A_194 = tpu.memref_squeeze %dma_wait3A_193 : memref<1x2x128xi32, #tpu.memory_space<vmem>> -> memref<2x128xi32, #tpu.memory_space<vmem>>
            %dma_wait3A_195 = arith.constant 0 : i32
            %dma_wait3A_196 = arith.constant 0 : i32
            %dma_wait3A_197 = tpu.memref_slice %arg6[%dma_wait3A_181, %dma_wait3A_195, %dma_wait3A_196] : memref<2500x2x128xi32, #tpu.memory_space<hbm>> -> memref<1x2x128xi32, #tpu.memory_space<hbm>>
            %dma_wait3A_198 = tpu.memref_squeeze %dma_wait3A_197 : memref<1x2x128xi32, #tpu.memory_space<hbm>> -> memref<2x128xi32, #tpu.memory_space<hbm>>
            tpu.wait_dma2 semaphore(%arg15 : memref<!tpu.dma_semaphore, #tpu.memory_space<semaphore_mem>>) src(%dma_wait3A_198 : memref<2x128xi32, #tpu.memory_space<hbm>>) dst(%dma_wait3A_194 : memref<2x128xi32, #tpu.memory_space<vmem>>)
            %dma_start3A_199 = arith.constant 1 : i32
            %dma_start3A_200 = arith.constant 0 : i32
            %dma_start3A_201 = arith.constant 1 : i32
            %dma_start3A_202 = arith.constant 0 : i32
            %dma_start3A_203 = arith.constant 0 : i32
            %dma_start3A_204 = tpu.memref_slice %arg10[%dma_start3A_201, %dma_start3A_202, %dma_start3A_203] : memref<2x128x64xf32, #tpu.memory_space<vmem>> -> memref<1x128x64xf32, #tpu.memory_space<vmem>>
            %dma_start3A_205 = tpu.memref_squeeze %dma_start3A_204 : memref<1x128x64xf32, #tpu.memory_space<vmem>> -> memref<128x64xf32, #tpu.memory_space<vmem>>
            %dma_start3A_206 = arith.constant 0 : i32
            %dma_start3A_207 = tpu.memref_slice %arg9[%dma_start3A_199, %dma_start3A_200, %dma_start3A_206] : memref<2x2x128xi32, #tpu.memory_space<vmem>> -> memref<1x1x128xi32, #tpu.memory_space<vmem>>
            %dma_start3A_208 = tpu.memref_squeeze %dma_start3A_207 : memref<1x1x128xi32, #tpu.memory_space<vmem>> -> memref<128xi32, #tpu.memory_space<vmem>>
            %dma_start3A_209 = arith.constant 0 : i32
            %dma_start3A_210 = arith.constant 0 : i32
            %dma_start3A_211 = tpu.memref_slice %arg3[%dma_start3A_209, %dma_start3A_210] : memref<10240x64xf32, #tpu.memory_space<hbm>> -> memref<10240x64xf32, #tpu.memory_space<hbm>>
            tpu.enqueue_indirect_dma source(%dma_start3A_211 : memref<10240x64xf32, #tpu.memory_space<hbm>>) target(%dma_start3A_205 : memref<128x64xf32, #tpu.memory_space<vmem>>) offsets(%dma_start3A_208 : memref<128xi32, #tpu.memory_space<vmem>>) semaphore(%arg17 : memref<!tpu.dma_semaphore, #tpu.memory_space<semaphore_mem>>)
            %mul3A_212 = arith.constant 64 : i32
            %mul3A_213 = arith.muli %add3A_110, %mul3A_212 : i32
            %dma_start3A_214 = arith.constant 1 : i32
            %dma_start3A_215 = arith.constant 0 : i32
            %dma_start3A_216 = arith.constant 0 : i32
            %dma_start3A_217 = tpu.memref_slice %arg11[%dma_start3A_214, %dma_start3A_215, %dma_start3A_216] : memref<2x64x128xf32, #tpu.memory_space<vmem>> -> memref<1x64x128xf32, #tpu.memory_space<vmem>>
            %dma_start3A_218 = tpu.memref_squeeze %dma_start3A_217 : memref<1x64x128xf32, #tpu.memory_space<vmem>> -> memref<64x128xf32, #tpu.memory_space<vmem>>
            %dma_start3A_219 = arith.constant 0 : i32
            %dma_start3A_220 = tpu.memref_slice %arg5[%mul3A_213, %dma_start3A_219] : memref<160000x128xf32, #tpu.memory_space<hbm>> -> memref<64x128xf32, #tpu.memory_space<hbm>>
            %dma_start3A_221 = arith.constant 0 : i32
            %dma_start3A_222 = arith.constant 0 : i32
            %dma_start3A_223 = tpu.memref_slice %arg11[%dma_start3A_214, %dma_start3A_221, %dma_start3A_222] : memref<2x64x128xf32, #tpu.memory_space<vmem>> -> memref<1x64x128xf32, #tpu.memory_space<vmem>>
            %dma_start3A_224 = tpu.memref_squeeze %dma_start3A_223 : memref<1x64x128xf32, #tpu.memory_space<vmem>> -> memref<64x128xf32, #tpu.memory_space<vmem>>
            %dma_start3A_225 = arith.constant 0 : i32
            %dma_start3A_226 = tpu.memref_slice %arg5[%mul3A_213, %dma_start3A_225] : memref<160000x128xf32, #tpu.memory_space<hbm>> -> memref<64x128xf32, #tpu.memory_space<hbm>>
            tpu.enqueue_dma source(%dma_start3A_226 : memref<64x128xf32, #tpu.memory_space<hbm>>) target(%dma_start3A_224 : memref<64x128xf32, #tpu.memory_space<vmem>>) target_semaphore(%arg19 : memref<!tpu.dma_semaphore, #tpu.memory_space<semaphore_mem>>)
          } else {
          }
          %dma_wait3A_139 = arith.constant 0 : i32
          %dma_wait3A_140 = arith.constant 0 : i32
          %dma_wait3A_141 = arith.constant 0 : i32
          %dma_wait3A_142 = tpu.memref_slice %arg10[%dma_wait3A_139, %dma_wait3A_140, %dma_wait3A_141] : memref<2x128x64xf32, #tpu.memory_space<vmem>> -> memref<1x128x64xf32, #tpu.memory_space<vmem>>
          %dma_wait3A_143 = tpu.memref_squeeze %dma_wait3A_142 : memref<1x128x64xf32, #tpu.memory_space<vmem>> -> memref<128x64xf32, #tpu.memory_space<vmem>>
          %dma_wait3A_144 = arith.constant 0 : i32
          %dma_wait3A_145 = arith.constant 0 : i32
          %dma_wait3A_146 = tpu.memref_slice %arg3[%dma_wait3A_144, %dma_wait3A_145] : memref<10240x64xf32, #tpu.memory_space<hbm>> -> memref<128x64xf32, #tpu.memory_space<hbm>>
          %dma_wait3A_147 = arith.constant 0 : i32
          %dma_wait3A_148 = arith.constant 0 : i32
          %dma_wait3A_149 = tpu.memref_slice %arg10[%dma_wait3A_139, %dma_wait3A_147, %dma_wait3A_148] : memref<2x128x64xf32, #tpu.memory_space<vmem>> -> memref<1x128x64xf32, #tpu.memory_space<vmem>>
          %dma_wait3A_150 = tpu.memref_squeeze %dma_wait3A_149 : memref<1x128x64xf32, #tpu.memory_space<vmem>> -> memref<128x64xf32, #tpu.memory_space<vmem>>
          %dma_wait3A_151 = arith.constant 0 : i32
          %dma_wait3A_152 = arith.constant 0 : i32
          %dma_wait3A_153 = tpu.memref_slice %arg3[%dma_wait3A_151, %dma_wait3A_152] : memref<10240x64xf32, #tpu.memory_space<hbm>> -> memref<128x64xf32, #tpu.memory_space<hbm>>
          tpu.wait_dma2 semaphore(%arg16 : memref<!tpu.dma_semaphore, #tpu.memory_space<semaphore_mem>>) src(%dma_wait3A_153 : memref<128x64xf32, #tpu.memory_space<hbm>>) dst(%dma_wait3A_150 : memref<128x64xf32, #tpu.memory_space<vmem>>)
          %dma_wait3A_154 = arith.constant 0 : i32
          %dma_wait3A_155 = arith.constant 0 : i32
          %dma_wait3A_156 = arith.constant 0 : i32
          %dma_wait3A_157 = tpu.memref_slice %arg11[%dma_wait3A_154, %dma_wait3A_155, %dma_wait3A_156] : memref<2x64x128xf32, #tpu.memory_space<vmem>> -> memref<1x64x128xf32, #tpu.memory_space<vmem>>
          %dma_wait3A_158 = tpu.memref_squeeze %dma_wait3A_157 : memref<1x64x128xf32, #tpu.memory_space<vmem>> -> memref<64x128xf32, #tpu.memory_space<vmem>>
          %dma_wait3A_159 = arith.constant 0 : i32
          %dma_wait3A_160 = arith.constant 0 : i32
          %dma_wait3A_161 = tpu.memref_slice %arg5[%dma_wait3A_159, %dma_wait3A_160] : memref<160000x128xf32, #tpu.memory_space<hbm>> -> memref<64x128xf32, #tpu.memory_space<hbm>>
          %dma_wait3A_162 = arith.constant 0 : i32
          %dma_wait3A_163 = arith.constant 0 : i32
          %dma_wait3A_164 = tpu.memref_slice %arg11[%dma_wait3A_154, %dma_wait3A_162, %dma_wait3A_163] : memref<2x64x128xf32, #tpu.memory_space<vmem>> -> memref<1x64x128xf32, #tpu.memory_space<vmem>>
          %dma_wait3A_165 = tpu.memref_squeeze %dma_wait3A_164 : memref<1x64x128xf32, #tpu.memory_space<vmem>> -> memref<64x128xf32, #tpu.memory_space<vmem>>
          %dma_wait3A_166 = arith.constant 0 : i32
          %dma_wait3A_167 = arith.constant 0 : i32
          %dma_wait3A_168 = tpu.memref_slice %arg5[%dma_wait3A_166, %dma_wait3A_167] : memref<160000x128xf32, #tpu.memory_space<hbm>> -> memref<64x128xf32, #tpu.memory_space<hbm>>
          tpu.wait_dma2 semaphore(%arg18 : memref<!tpu.dma_semaphore, #tpu.memory_space<semaphore_mem>>) src(%dma_wait3A_168 : memref<64x128xf32, #tpu.memory_space<hbm>>) dst(%dma_wait3A_165 : memref<64x128xf32, #tpu.memory_space<vmem>>)
          %scan3A_169 = arith.constant 0 : i32
          %scan3A_170 = arith.constant 64 : i32
          %scan3A_171 = arith.addi %scan3A_169, %scan3A_170 : i32
          %scan3A_172 = arith.constant 1 : i32
          scf.for %scan3A_181 = %scan3A_169 to %scan3A_171 step %scan3A_172  : i32 {
            %mul3A_182 = arith.constant 1 : i32
            %mul3A_183 = arith.muli %scan3A_181, %mul3A_182 : i32
            %add3A_184 = arith.constant 0 : i32
            %add3A_185 = arith.addi %add3A_184, %mul3A_183 : i32
            %mul3A_186 = arith.constant 2 : i32
            %mul3A_187 = arith.muli %mul3A_186, %add3A_185 : i32
            %add3A_188 = arith.constant 0 : i32
            %add3A_189 = arith.addi %mul3A_187, %add3A_188 : i32
            %get3A = arith.constant 0 : i32
            %get3A_190 = arith.index_cast %get3A : i32 to index
            %get3A_191 = arith.index_cast %add3A_189 : i32 to index
            %get3A_192 = arith.constant 0 : index
            %get3A_193 = tpu.vector_load %arg10[%get3A_190, %get3A_191, %get3A_192] {strides = array<i32>} : memref<2x128x64xf32, #tpu.memory_space<vmem>>, vector<1x1x16xf32>,
            %get3A_194 = vector.shape_cast %get3A_193 : vector<1x1x16xf32> to vector<16xf32>
            %get3A_195 = arith.constant 0 : i32
            %get3A_196 = arith.index_cast %get3A_195 : i32 to index
            %get3A_197 = arith.index_cast %add3A_185 : i32 to index
            %get3A_198 = arith.constant 0 : index
            %get3A_199 = tpu.vector_load %arg11[%get3A_196, %get3A_197, %get3A_198] {strides = array<i32>} : memref<2x64x128xf32, #tpu.memory_space<vmem>>, vector<1x1x16xf32>,
            %get3A_200 = vector.shape_cast %get3A_199 : vector<1x1x16xf32> to vector<16xf32>
            %mul3A_201 = arith.mulf %get3A_194, %get3A_200 : vector<16xf32>
            %mul3A_202 = arith.constant 2 : i32
            %mul3A_203 = arith.muli %mul3A_202, %add3A_185 : i32
            %add3A_204 = arith.constant 0 : i32
            %add3A_205 = arith.addi %mul3A_203, %add3A_204 : i32
            %swap3A = arith.constant 0 : i32
            %swap3A_206 = arith.index_cast %swap3A : i32 to index
            %swap3A_207 = arith.index_cast %add3A_205 : i32 to index
            %swap3A_208 = arith.constant 0 : index
            %swap3A_209 = tpu.vector_load %arg10[%swap3A_206, %swap3A_207, %swap3A_208] {strides = array<i32>} : memref<2x128x64xf32, #tpu.memory_space<vmem>>, vector<1x1x16xf32>,
            %swap3A_210 = vector.shape_cast %swap3A_209 : vector<1x1x16xf32> to vector<16xf32>
            %swap3A_211 = vector.shape_cast %mul3A_201 : vector<16xf32> to vector<1x1x16xf32>
            tpu.vector_store %arg10[%swap3A_206, %swap3A_207, %swap3A_208], %swap3A_211 {strides = array<i32>} : memref<2x128x64xf32, #tpu.memory_space<vmem>>, vector<1x1x16xf32>,
            %mul3A_212 = arith.constant 2 : i32
            %mul3A_213 = arith.muli %mul3A_212, %add3A_185 : i32
            %add3A_214 = arith.constant 0 : i32
            %add3A_215 = arith.addi %mul3A_213, %add3A_214 : i32
            %get3A_216 = arith.constant 0 : i32
            %get3A_217 = arith.index_cast %get3A_216 : i32 to index
            %get3A_218 = arith.index_cast %add3A_215 : i32 to index
            %get3A_219 = arith.constant 16 : index
            %get3A_220 = tpu.vector_load %arg10[%get3A_217, %get3A_218, %get3A_219] {strides = array<i32>} : memref<2x128x64xf32, #tpu.memory_space<vmem>>, vector<1x1x16xf32>,
            %get3A_221 = vector.shape_cast %get3A_220 : vector<1x1x16xf32> to vector<16xf32>
            %get3A_222 = arith.constant 0 : i32
            %get3A_223 = arith.index_cast %get3A_222 : i32 to index
            %get3A_224 = arith.index_cast %add3A_185 : i32 to index
            %get3A_225 = arith.constant 16 : index
            %get3A_226 = tpu.vector_load %arg11[%get3A_223, %get3A_224, %get3A_225] {strides = array<i32>} : memref<2x64x128xf32, #tpu.memory_space<vmem>>, vector<1x1x16xf32>,
            %get3A_227 = vector.shape_cast %get3A_226 : vector<1x1x16xf32> to vector<16xf32>
            %mul3A_228 = arith.mulf %get3A_221, %get3A_227 : vector<16xf32>
            %mul3A_229 = arith.constant 2 : i32
            %mul3A_230 = arith.muli %mul3A_229, %add3A_185 : i32
            %add3A_231 = arith.constant 0 : i32
            %add3A_232 = arith.addi %mul3A_230, %add3A_231 : i32
            %swap3A_233 = arith.constant 0 : i32
            %swap3A_234 = arith.index_cast %swap3A_233 : i32 to index
            %swap3A_235 = arith.index_cast %add3A_232 : i32 to index
            %swap3A_236 = arith.constant 16 : index
            %swap3A_237 = tpu.vector_load %arg10[%swap3A_234, %swap3A_235, %swap3A_236] {strides = array<i32>} : memref<2x128x64xf32, #tpu.memory_space<vmem>>, vector<1x1x16xf32>,
            %swap3A_238 = vector.shape_cast %swap3A_237 : vector<1x1x16xf32> to vector<16xf32>
            %swap3A_239 = vector.shape_cast %mul3A_228 : vector<16xf32> to vector<1x1x16xf32>
            tpu.vector_store %arg10[%swap3A_234, %swap3A_235, %swap3A_236], %swap3A_239 {strides = array<i32>} : memref<2x128x64xf32, #tpu.memory_space<vmem>>, vector<1x1x16xf32>,
            %mul3A_240 = arith.constant 2 : i32
            %mul3A_241 = arith.muli %mul3A_240, %add3A_185 : i32
            %add3A_242 = arith.constant 0 : i32
            %add3A_243 = arith.addi %mul3A_241, %add3A_242 : i32
            %get3A_244 = arith.constant 0 : i32
            %get3A_245 = arith.index_cast %get3A_244 : i32 to index
            %get3A_246 = arith.index_cast %add3A_243 : i32 to index
            %get3A_247 = arith.constant 32 : index
            %get3A_248 = tpu.vector_load %arg10[%get3A_245, %get3A_246, %get3A_247] {strides = array<i32>} : memref<2x128x64xf32, #tpu.memory_space<vmem>>, vector<1x1x16xf32>,
            %get3A_249 = vector.shape_cast %get3A_248 : vector<1x1x16xf32> to vector<16xf32>
            %get3A_250 = arith.constant 0 : i32
            %get3A_251 = arith.index_cast %get3A_250 : i32 to index
            %get3A_252 = arith.index_cast %add3A_185 : i32 to index
            %get3A_253 = arith.constant 32 : index
            %get3A_254 = tpu.vector_load %arg11[%get3A_251, %get3A_252, %get3A_253] {strides = array<i32>} : memref<2x64x128xf32, #tpu.memory_space<vmem>>, vector<1x1x16xf32>,
            %get3A_255 = vector.shape_cast %get3A_254 : vector<1x1x16xf32> to vector<16xf32>
            %mul3A_256 = arith.mulf %get3A_249, %get3A_255 : vector<16xf32>
            %mul3A_257 = arith.constant 2 : i32
            %mul3A_258 = arith.muli %mul3A_257, %add3A_185 : i32
            %add3A_259 = arith.constant 0 : i32
            %add3A_260 = arith.addi %mul3A_258, %add3A_259 : i32
            %swap3A_261 = arith.constant 0 : i32
            %swap3A_262 = arith.index_cast %swap3A_261 : i32 to index
            %swap3A_263 = arith.index_cast %add3A_260 : i32 to index
            %swap3A_264 = arith.constant 32 : index
            %swap3A_265 = tpu.vector_load %arg10[%swap3A_262, %swap3A_263, %swap3A_264] {strides = array<i32>} : memref<2x128x64xf32, #tpu.memory_space<vmem>>, vector<1x1x16xf32>,
            %swap3A_266 = vector.shape_cast %swap3A_265 : vector<1x1x16xf32> to vector<16xf32>
            %swap3A_267 = vector.shape_cast %mul3A_256 : vector<16xf32> to vector<1x1x16xf32>
            tpu.vector_store %arg10[%swap3A_262, %swap3A_263, %swap3A_264], %swap3A_267 {strides = array<i32>} : memref<2x128x64xf32, #tpu.memory_space<vmem>>, vector<1x1x16xf32>,
            %mul3A_268 = arith.constant 2 : i32
            %mul3A_269 = arith.muli %mul3A_268, %add3A_185 : i32
            %add3A_270 = arith.constant 0 : i32
            %add3A_271 = arith.addi %mul3A_269, %add3A_270 : i32
            %get3A_272 = arith.constant 0 : i32
            %get3A_273 = arith.index_cast %get3A_272 : i32 to index
            %get3A_274 = arith.index_cast %add3A_271 : i32 to index
            %get3A_275 = arith.constant 48 : index
            %get3A_276 = tpu.vector_load %arg10[%get3A_273, %get3A_274, %get3A_275] {strides = array<i32>} : memref<2x128x64xf32, #tpu.memory_space<vmem>>, vector<1x1x16xf32>,
            %get3A_277 = vector.shape_cast %get3A_276 : vector<1x1x16xf32> to vector<16xf32>
            %get3A_278 = arith.constant 0 : i32
            %get3A_279 = arith.index_cast %get3A_278 : i32 to index
            %get3A_280 = arith.index_cast %add3A_185 : i32 to index
            %get3A_281 = arith.constant 48 : index
            %get3A_282 = tpu.vector_load %arg11[%get3A_279, %get3A_280, %get3A_281] {strides = array<i32>} : memref<2x64x128xf32, #tpu.memory_space<vmem>>, vector<1x1x16xf32>,
            %get3A_283 = vector.shape_cast %get3A_282 : vector<1x1x16xf32> to vector<16xf32>
            %mul3A_284 = arith.mulf %get3A_277, %get3A_283 : vector<16xf32>
            %mul3A_285 = arith.constant 2 : i32
            %mul3A_286 = arith.muli %mul3A_285, %add3A_185 : i32
            %add3A_287 = arith.constant 0 : i32
            %add3A_288 = arith.addi %mul3A_286, %add3A_287 : i32
            %swap3A_289 = arith.constant 0 : i32
            %swap3A_290 = arith.index_cast %swap3A_289 : i32 to index
            %swap3A_291 = arith.index_cast %add3A_288 : i32 to index
            %swap3A_292 = arith.constant 48 : index
            %swap3A_293 = tpu.vector_load %arg10[%swap3A_290, %swap3A_291, %swap3A_292] {strides = array<i32>} : memref<2x128x64xf32, #tpu.memory_space<vmem>>, vector<1x1x16xf32>,
            %swap3A_294 = vector.shape_cast %swap3A_293 : vector<1x1x16xf32> to vector<16xf32>
            %swap3A_295 = vector.shape_cast %mul3A_284 : vector<16xf32> to vector<1x1x16xf32>
            tpu.vector_store %arg10[%swap3A_290, %swap3A_291, %swap3A_292], %swap3A_295 {strides = array<i32>} : memref<2x128x64xf32, #tpu.memory_space<vmem>>, vector<1x1x16xf32>,
            %mul3A_296 = arith.constant 2 : i32
            %mul3A_297 = arith.muli %mul3A_296, %add3A_185 : i32
            %add3A_298 = arith.constant 1 : i32
            %add3A_299 = arith.addi %mul3A_297, %add3A_298 : i32
            %get3A_300 = arith.constant 0 : i32
            %get3A_301 = arith.index_cast %get3A_300 : i32 to index
            %get3A_302 = arith.index_cast %add3A_299 : i32 to index
            %get3A_303 = arith.constant 0 : index
            %get3A_304 = tpu.vector_load %arg10[%get3A_301, %get3A_302, %get3A_303] {strides = array<i32>} : memref<2x128x64xf32, #tpu.memory_space<vmem>>, vector<1x1x16xf32>,
            %get3A_305 = vector.shape_cast %get3A_304 : vector<1x1x16xf32> to vector<16xf32>
            %get3A_306 = arith.constant 0 : i32
            %get3A_307 = arith.index_cast %get3A_306 : i32 to index
            %get3A_308 = arith.index_cast %add3A_185 : i32 to index
            %get3A_309 = arith.constant 64 : index
            %get3A_310 = tpu.vector_load %arg11[%get3A_307, %get3A_308, %get3A_309] {strides = array<i32>} : memref<2x64x128xf32, #tpu.memory_space<vmem>>, vector<1x1x16xf32>,
            %get3A_311 = vector.shape_cast %get3A_310 : vector<1x1x16xf32> to vector<16xf32>
            %mul3A_312 = arith.mulf %get3A_305, %get3A_311 : vector<16xf32>
            %mul3A_313 = arith.constant 2 : i32
            %mul3A_314 = arith.muli %mul3A_313, %add3A_185 : i32
            %add3A_315 = arith.constant 1 : i32
            %add3A_316 = arith.addi %mul3A_314, %add3A_315 : i32
            %swap3A_317 = arith.constant 0 : i32
            %swap3A_318 = arith.index_cast %swap3A_317 : i32 to index
            %swap3A_319 = arith.index_cast %add3A_316 : i32 to index
            %swap3A_320 = arith.constant 0 : index
            %swap3A_321 = tpu.vector_load %arg10[%swap3A_318, %swap3A_319, %swap3A_320] {strides = array<i32>} : memref<2x128x64xf32, #tpu.memory_space<vmem>>, vector<1x1x16xf32>,
            %swap3A_322 = vector.shape_cast %swap3A_321 : vector<1x1x16xf32> to vector<16xf32>
            %swap3A_323 = vector.shape_cast %mul3A_312 : vector<16xf32> to vector<1x1x16xf32>
            tpu.vector_store %arg10[%swap3A_318, %swap3A_319, %swap3A_320], %swap3A_323 {strides = array<i32>} : memref<2x128x64xf32, #tpu.memory_space<vmem>>, vector<1x1x16xf32>,
            %mul3A_324 = arith.constant 2 : i32
            %mul3A_325 = arith.muli %mul3A_324, %add3A_185 : i32
            %add3A_326 = arith.constant 1 : i32
            %add3A_327 = arith.addi %mul3A_325, %add3A_326 : i32
            %get3A_328 = arith.constant 0 : i32
            %get3A_329 = arith.index_cast %get3A_328 : i32 to index
            %get3A_330 = arith.index_cast %add3A_327 : i32 to index
            %get3A_331 = arith.constant 16 : index
            %get3A_332 = tpu.vector_load %arg10[%get3A_329, %get3A_330, %get3A_331] {strides = array<i32>} : memref<2x128x64xf32, #tpu.memory_space<vmem>>, vector<1x1x16xf32>,
            %get3A_333 = vector.shape_cast %get3A_332 : vector<1x1x16xf32> to vector<16xf32>
            %get3A_334 = arith.constant 0 : i32
            %get3A_335 = arith.index_cast %get3A_334 : i32 to index
            %get3A_336 = arith.index_cast %add3A_185 : i32 to index
            %get3A_337 = arith.constant 80 : index
            %get3A_338 = tpu.vector_load %arg11[%get3A_335, %get3A_336, %get3A_337] {strides = array<i32>} : memref<2x64x128xf32, #tpu.memory_space<vmem>>, vector<1x1x16xf32>,
            %get3A_339 = vector.shape_cast %get3A_338 : vector<1x1x16xf32> to vector<16xf32>
            %mul3A_340 = arith.mulf %get3A_333, %get3A_339 : vector<16xf32>
            %mul3A_341 = arith.constant 2 : i32
            %mul3A_342 = arith.muli %mul3A_341, %add3A_185 : i32
            %add3A_343 = arith.constant 1 : i32
            %add3A_344 = arith.addi %mul3A_342, %add3A_343 : i32
            %swap3A_345 = arith.constant 0 : i32
            %swap3A_346 = arith.index_cast %swap3A_345 : i32 to index
            %swap3A_347 = arith.index_cast %add3A_344 : i32 to index
            %swap3A_348 = arith.constant 16 : index
            %swap3A_349 = tpu.vector_load %arg10[%swap3A_346, %swap3A_347, %swap3A_348] {strides = array<i32>} : memref<2x128x64xf32, #tpu.memory_space<vmem>>, vector<1x1x16xf32>,
            %swap3A_350 = vector.shape_cast %swap3A_349 : vector<1x1x16xf32> to vector<16xf32>
            %swap3A_351 = vector.shape_cast %mul3A_340 : vector<16xf32> to vector<1x1x16xf32>
            tpu.vector_store %arg10[%swap3A_346, %swap3A_347, %swap3A_348], %swap3A_351 {strides = array<i32>} : memref<2x128x64xf32, #tpu.memory_space<vmem>>, vector<1x1x16xf32>,
            %mul3A_352 = arith.constant 2 : i32
            %mul3A_353 = arith.muli %mul3A_352, %add3A_185 : i32
            %add3A_354 = arith.constant 1 : i32
            %add3A_355 = arith.addi %mul3A_353, %add3A_354 : i32
            %get3A_356 = arith.constant 0 : i32
            %get3A_357 = arith.index_cast %get3A_356 : i32 to index
            %get3A_358 = arith.index_cast %add3A_355 : i32 to index
            %get3A_359 = arith.constant 32 : index
            %get3A_360 = tpu.vector_load %arg10[%get3A_357, %get3A_358, %get3A_359] {strides = array<i32>} : memref<2x128x64xf32, #tpu.memory_space<vmem>>, vector<1x1x16xf32>,
            %get3A_361 = vector.shape_cast %get3A_360 : vector<1x1x16xf32> to vector<16xf32>
            %get3A_362 = arith.constant 0 : i32
            %get3A_363 = arith.index_cast %get3A_362 : i32 to index
            %get3A_364 = arith.index_cast %add3A_185 : i32 to index
            %get3A_365 = arith.constant 96 : index
            %get3A_366 = tpu.vector_load %arg11[%get3A_363, %get3A_364, %get3A_365] {strides = array<i32>} : memref<2x64x128xf32, #tpu.memory_space<vmem>>, vector<1x1x16xf32>,
            %get3A_367 = vector.shape_cast %get3A_366 : vector<1x1x16xf32> to vector<16xf32>
            %mul3A_368 = arith.mulf %get3A_361, %get3A_367 : vector<16xf32>
            %mul3A_369 = arith.constant 2 : i32
            %mul3A_370 = arith.muli %mul3A_369, %add3A_185 : i32
            %add3A_371 = arith.constant 1 : i32
            %add3A_372 = arith.addi %mul3A_370, %add3A_371 : i32
            %swap3A_373 = arith.constant 0 : i32
            %swap3A_374 = arith.index_cast %swap3A_373 : i32 to index
            %swap3A_375 = arith.index_cast %add3A_372 : i32 to index
            %swap3A_376 = arith.constant 32 : index
            %swap3A_377 = tpu.vector_load %arg10[%swap3A_374, %swap3A_375, %swap3A_376] {strides = array<i32>} : memref<2x128x64xf32, #tpu.memory_space<vmem>>, vector<1x1x16xf32>,
            %swap3A_378 = vector.shape_cast %swap3A_377 : vector<1x1x16xf32> to vector<16xf32>
            %swap3A_379 = vector.shape_cast %mul3A_368 : vector<16xf32> to vector<1x1x16xf32>
            tpu.vector_store %arg10[%swap3A_374, %swap3A_375, %swap3A_376], %swap3A_379 {strides = array<i32>} : memref<2x128x64xf32, #tpu.memory_space<vmem>>, vector<1x1x16xf32>,
            %mul3A_380 = arith.constant 2 : i32
            %mul3A_381 = arith.muli %mul3A_380, %add3A_185 : i32
            %add3A_382 = arith.constant 1 : i32
            %add3A_383 = arith.addi %mul3A_381, %add3A_382 : i32
            %get3A_384 = arith.constant 0 : i32
            %get3A_385 = arith.index_cast %get3A_384 : i32 to index
            %get3A_386 = arith.index_cast %add3A_383 : i32 to index
            %get3A_387 = arith.constant 48 : index
            %get3A_388 = tpu.vector_load %arg10[%get3A_385, %get3A_386, %get3A_387] {strides = array<i32>} : memref<2x128x64xf32, #tpu.memory_space<vmem>>, vector<1x1x16xf32>,
            %get3A_389 = vector.shape_cast %get3A_388 : vector<1x1x16xf32> to vector<16xf32>
            %get3A_390 = arith.constant 0 : i32
            %get3A_391 = arith.index_cast %get3A_390 : i32 to index
            %get3A_392 = arith.index_cast %add3A_185 : i32 to index
            %get3A_393 = arith.constant 112 : index
            %get3A_394 = tpu.vector_load %arg11[%get3A_391, %get3A_392, %get3A_393] {strides = array<i32>} : memref<2x64x128xf32, #tpu.memory_space<vmem>>, vector<1x1x16xf32>,
            %get3A_395 = vector.shape_cast %get3A_394 : vector<1x1x16xf32> to vector<16xf32>
            %mul3A_396 = arith.mulf %get3A_389, %get3A_395 : vector<16xf32>
            %mul3A_397 = arith.constant 2 : i32
            %mul3A_398 = arith.muli %mul3A_397, %add3A_185 : i32
            %add3A_399 = arith.constant 1 : i32
            %add3A_400 = arith.addi %mul3A_398, %add3A_399 : i32
            %swap3A_401 = arith.constant 0 : i32
            %swap3A_402 = arith.index_cast %swap3A_401 : i32 to index
            %swap3A_403 = arith.index_cast %add3A_400 : i32 to index
            %swap3A_404 = arith.constant 48 : index
            %swap3A_405 = tpu.vector_load %arg10[%swap3A_402, %swap3A_403, %swap3A_404] {strides = array<i32>} : memref<2x128x64xf32, #tpu.memory_space<vmem>>, vector<1x1x16xf32>,
            %swap3A_406 = vector.shape_cast %swap3A_405 : vector<1x1x16xf32> to vector<16xf32>
            %swap3A_407 = vector.shape_cast %mul3A_396 : vector<16xf32> to vector<1x1x16xf32>
            tpu.vector_store %arg10[%swap3A_402, %swap3A_403, %swap3A_404], %swap3A_407 {strides = array<i32>} : memref<2x128x64xf32, #tpu.memory_space<vmem>>, vector<1x1x16xf32>,
          }
          %scan3A_173 = arith.constant 64 : i32
          %run_scoped3A = arith.constant 0 : i32
          %run_scoped3A_174 = arith.constant 0 : i32
          %run_scoped3A_175 = arith.constant 1 : i32
          "tpu.region"() ({
            %run_scoped3A_181 = tpu.sem_alloc : memref<!tpu.dma_semaphore, #tpu.memory_space<semaphore_mem>>
            %dma_start3A_182 = arith.constant 0 : i32
            %dma_start3A_183 = arith.constant 0 : i32
            %dma_start3A_184 = tpu.memref_slice %arg10[%run_scoped3A, %dma_start3A_182, %dma_start3A_183] : memref<2x128x64xf32, #tpu.memory_space<vmem>> -> memref<1x128x64xf32, #tpu.memory_space<vmem>>
            %dma_start3A_185 = tpu.memref_squeeze %dma_start3A_184 : memref<1x128x64xf32, #tpu.memory_space<vmem>> -> memref<128x64xf32, #tpu.memory_space<vmem>>
            %dma_start3A_186 = arith.constant 0 : i32
            %dma_start3A_187 = tpu.memref_slice %arg9[%run_scoped3A_174, %run_scoped3A_175, %dma_start3A_186] : memref<2x2x128xi32, #tpu.memory_space<vmem>> -> memref<1x1x128xi32, #tpu.memory_space<vmem>>
            %dma_start3A_188 = tpu.memref_squeeze %dma_start3A_187 : memref<1x1x128xi32, #tpu.memory_space<vmem>> -> memref<128xi32, #tpu.memory_space<vmem>>
            %dma_start3A_189 = arith.constant 0 : i32
            %dma_start3A_190 = arith.constant 0 : i32
            %dma_start3A_191 = tpu.memref_slice %arg13[%dma_start3A_189, %dma_start3A_190] : memref<10240x64xf32, #tpu.memory_space<vmem_shared>> -> memref<10240x64xf32, #tpu.memory_space<vmem_shared>>
            tpu.enqueue_indirect_dma source(%dma_start3A_185 : memref<128x64xf32, #tpu.memory_space<vmem>>) target(%dma_start3A_191 : memref<10240x64xf32, #tpu.memory_space<vmem_shared>>) offsets(%dma_start3A_188 : memref<128xi32, #tpu.memory_space<vmem>>) semaphore(%run_scoped3A_181 : memref<!tpu.dma_semaphore, #tpu.memory_space<semaphore_mem>>) {add = true}
            %dma_wait3A_192 = arith.constant 0 : i32
            %dma_wait3A_193 = arith.constant 0 : i32
            %dma_wait3A_194 = tpu.memref_slice %arg10[%run_scoped3A, %dma_wait3A_192, %dma_wait3A_193] : memref<2x128x64xf32, #tpu.memory_space<vmem>> -> memref<1x128x64xf32, #tpu.memory_space<vmem>>
            %dma_wait3A_195 = tpu.memref_squeeze %dma_wait3A_194 : memref<1x128x64xf32, #tpu.memory_space<vmem>> -> memref<128x64xf32, #tpu.memory_space<vmem>>
            %dma_wait3A_196 = arith.constant 0 : i32
            %dma_wait3A_197 = tpu.memref_slice %arg9[%run_scoped3A_174, %run_scoped3A_175, %dma_wait3A_196] : memref<2x2x128xi32, #tpu.memory_space<vmem>> -> memref<1x1x128xi32, #tpu.memory_space<vmem>>
            %dma_wait3A_198 = tpu.memref_squeeze %dma_wait3A_197 : memref<1x1x128xi32, #tpu.memory_space<vmem>> -> memref<128xi32, #tpu.memory_space<vmem>>
            %dma_wait3A_199 = arith.constant 0 : i32
            %dma_wait3A_200 = arith.constant 0 : i32
            %dma_wait3A_201 = tpu.memref_slice %arg13[%dma_wait3A_199, %dma_wait3A_200] : memref<10240x64xf32, #tpu.memory_space<vmem_shared>> -> memref<10240x64xf32, #tpu.memory_space<vmem_shared>>
            tpu.wait_indirect_dma semaphore(%run_scoped3A_181 : memref<!tpu.dma_semaphore, #tpu.memory_space<semaphore_mem>>) src(%dma_wait3A_195 : memref<128x64xf32, #tpu.memory_space<vmem>>) dst(%dma_wait3A_201 : memref<10240x64xf32, #tpu.memory_space<vmem_shared>>)
            tpu.yield
          }) : () -> ()
          %lt3A_176 = arith.constant 2500 : i32
          %lt3A_177 = arith.cmpi slt, %add3A_112, %lt3A_176 : i32
          %convert_element_type3A_178 = arith.extui %lt3A_177 : i1 to i32
          %cond3A_179 = arith.constant 0 : i32
          %cond3A_180 = arith.cmpi ne, %convert_element_type3A_178, %cond3A_179 : i32
          scf.if %cond3A_180 {
            %dma_start3A_181 = arith.constant 0 : i32
            %dma_start3A_182 = arith.constant 0 : i32
            %dma_start3A_183 = arith.constant 0 : i32
            %dma_start3A_184 = tpu.memref_slice %arg9[%dma_start3A_181, %dma_start3A_182, %dma_start3A_183] : memref<2x2x128xi32, #tpu.memory_space<vmem>> -> memref<1x2x128xi32, #tpu.memory_space<vmem>>
            %dma_start3A_185 = tpu.memref_squeeze %dma_start3A_184 : memref<1x2x128xi32, #tpu.memory_space<vmem>> -> memref<2x128xi32, #tpu.memory_space<vmem>>
            %dma_start3A_186 = arith.constant 0 : i32
            %dma_start3A_187 = arith.constant 0 : i32
            %dma_start3A_188 = tpu.memref_slice %arg6[%add3A_112, %dma_start3A_186, %dma_start3A_187] : memref<2500x2x128xi32, #tpu.memory_space<hbm>> -> memref<1x2x128xi32, #tpu.memory_space<hbm>>
            %dma_start3A_189 = tpu.memref_squeeze %dma_start3A_188 : memref<1x2x128xi32, #tpu.memory_space<hbm>> -> memref<2x128xi32, #tpu.memory_space<hbm>>
            %dma_start3A_190 = arith.constant 0 : i32
            %dma_start3A_191 = arith.constant 0 : i32
            %dma_start3A_192 = tpu.memref_slice %arg9[%dma_start3A_181, %dma_start3A_190, %dma_start3A_191] : memref<2x2x128xi32, #tpu.memory_space<vmem>> -> memref<1x2x128xi32, #tpu.memory_space<vmem>>
            %dma_start3A_193 = tpu.memref_squeeze %dma_start3A_192 : memref<1x2x128xi32, #tpu.memory_space<vmem>> -> memref<2x128xi32, #tpu.memory_space<vmem>>
            %dma_start3A_194 = arith.constant 0 : i32
            %dma_start3A_195 = arith.constant 0 : i32
            %dma_start3A_196 = tpu.memref_slice %arg6[%add3A_112, %dma_start3A_194, %dma_start3A_195] : memref<2500x2x128xi32, #tpu.memory_space<hbm>> -> memref<1x2x128xi32, #tpu.memory_space<hbm>>
            %dma_start3A_197 = tpu.memref_squeeze %dma_start3A_196 : memref<1x2x128xi32, #tpu.memory_space<hbm>> -> memref<2x128xi32, #tpu.memory_space<hbm>>
            tpu.enqueue_dma source(%dma_start3A_197 : memref<2x128xi32, #tpu.memory_space<hbm>>) target(%dma_start3A_193 : memref<2x128xi32, #tpu.memory_space<vmem>>) target_semaphore(%arg14 : memref<!tpu.dma_semaphore, #tpu.memory_space<semaphore_mem>>)
          } else {
          }
        } else {
        }
        %mul3A_118 = arith.constant 2 : i32
        %mul3A_119 = arith.muli %mul3A_118, %add3A_101 : i32
        %add3A_120 = arith.constant 1 : i32
        %add3A_121 = arith.addi %mul3A_119, %add3A_120 : i32
        %mul3A_122 = arith.constant 16 : i32
        %mul3A_123 = arith.muli %add3A_121, %mul3A_122 : i32
        %add3A_124 = arith.addi %mul3A_123, %arg1 : i32
        %add3A_125 = arith.constant 16 : i32
        %add3A_126 = arith.addi %add3A_124, %add3A_125 : i32
        %add3A_127 = arith.constant 16 : i32
        %add3A_128 = arith.addi %add3A_126, %add3A_127 : i32
        %lt3A_129 = arith.constant 2500 : i32
        %lt3A_130 = arith.cmpi slt, %add3A_124, %lt3A_129 : i32
        %convert_element_type3A_131 = arith.extui %lt3A_130 : i1 to i32
        %cond3A_132 = arith.constant 0 : i32
        %cond3A_133 = arith.cmpi ne, %convert_element_type3A_131, %cond3A_132 : i32
        scf.if %cond3A_133 {
          %lt3A_134 = arith.constant 2500 : i32
          %lt3A_135 = arith.cmpi slt, %add3A_126, %lt3A_134 : i32
          %convert_element_type3A_136 = arith.extui %lt3A_135 : i1 to i32
          %cond3A_137 = arith.constant 0 : i32
          %cond3A_138 = arith.cmpi ne, %convert_element_type3A_136, %cond3A_137 : i32
          scf.if %cond3A_138 {
            %dma_wait3A_181 = arith.constant 0 : i32
            %dma_wait3A_182 = arith.constant 0 : i32
            %dma_wait3A_183 = arith.constant 0 : i32
            %dma_wait3A_184 = arith.constant 0 : i32
            %dma_wait3A_185 = tpu.memref_slice %arg9[%dma_wait3A_182, %dma_wait3A_183, %dma_wait3A_184] : memref<2x2x128xi32, #tpu.memory_space<vmem>> -> memref<1x2x128xi32, #tpu.memory_space<vmem>>
            %dma_wait3A_186 = tpu.memref_squeeze %dma_wait3A_185 : memref<1x2x128xi32, #tpu.memory_space<vmem>> -> memref<2x128xi32, #tpu.memory_space<vmem>>
            %dma_wait3A_187 = arith.constant 0 : i32
            %dma_wait3A_188 = arith.constant 0 : i32
            %dma_wait3A_189 = tpu.memref_slice %arg6[%dma_wait3A_181, %dma_wait3A_187, %dma_wait3A_188] : memref<2500x2x128xi32, #tpu.memory_space<hbm>> -> memref<1x2x128xi32, #tpu.memory_space<hbm>>
            %dma_wait3A_190 = tpu.memref_squeeze %dma_wait3A_189 : memref<1x2x128xi32, #tpu.memory_space<hbm>> -> memref<2x128xi32, #tpu.memory_space<hbm>>
            %dma_wait3A_191 = arith.constant 0 : i32
            %dma_wait3A_192 = arith.constant 0 : i32
            %dma_wait3A_193 = tpu.memref_slice %arg9[%dma_wait3A_182, %dma_wait3A_191, %dma_wait3A_192] : memref<2x2x128xi32, #tpu.memory_space<vmem>> -> memref<1x2x128xi32, #tpu.memory_space<vmem>>
            %dma_wait3A_194 = tpu.memref_squeeze %dma_wait3A_193 : memref<1x2x128xi32, #tpu.memory_space<vmem>> -> memref<2x128xi32, #tpu.memory_space<vmem>>
            %dma_wait3A_195 = arith.constant 0 : i32
            %dma_wait3A_196 = arith.constant 0 : i32
            %dma_wait3A_197 = tpu.memref_slice %arg6[%dma_wait3A_181, %dma_wait3A_195, %dma_wait3A_196] : memref<2500x2x128xi32, #tpu.memory_space<hbm>> -> memref<1x2x128xi32, #tpu.memory_space<hbm>>
            %dma_wait3A_198 = tpu.memref_squeeze %dma_wait3A_197 : memref<1x2x128xi32, #tpu.memory_space<hbm>> -> memref<2x128xi32, #tpu.memory_space<hbm>>
            tpu.wait_dma2 semaphore(%arg14 : memref<!tpu.dma_semaphore, #tpu.memory_space<semaphore_mem>>) src(%dma_wait3A_198 : memref<2x128xi32, #tpu.memory_space<hbm>>) dst(%dma_wait3A_194 : memref<2x128xi32, #tpu.memory_space<vmem>>)
            %dma_start3A_199 = arith.constant 0 : i32
            %dma_start3A_200 = arith.constant 0 : i32
            %dma_start3A_201 = arith.constant 0 : i32
            %dma_start3A_202 = arith.constant 0 : i32
            %dma_start3A_203 = arith.constant 0 : i32
            %dma_start3A_204 = tpu.memref_slice %arg10[%dma_start3A_201, %dma_start3A_202, %dma_start3A_203] : memref<2x128x64xf32, #tpu.memory_space<vmem>> -> memref<1x128x64xf32, #tpu.memory_space<vmem>>
            %dma_start3A_205 = tpu.memref_squeeze %dma_start3A_204 : memref<1x128x64xf32, #tpu.memory_space<vmem>> -> memref<128x64xf32, #tpu.memory_space<vmem>>
            %dma_start3A_206 = arith.constant 0 : i32
            %dma_start3A_207 = tpu.memref_slice %arg9[%dma_start3A_199, %dma_start3A_200, %dma_start3A_206] : memref<2x2x128xi32, #tpu.memory_space<vmem>> -> memref<1x1x128xi32, #tpu.memory_space<vmem>>
            %dma_start3A_208 = tpu.memref_squeeze %dma_start3A_207 : memref<1x1x128xi32, #tpu.memory_space<vmem>> -> memref<128xi32, #tpu.memory_space<vmem>>
            %dma_start3A_209 = arith.constant 0 : i32
            %dma_start3A_210 = arith.constant 0 : i32
            %dma_start3A_211 = tpu.memref_slice %arg3[%dma_start3A_209, %dma_start3A_210] : memref<10240x64xf32, #tpu.memory_space<hbm>> -> memref<10240x64xf32, #tpu.memory_space<hbm>>
            tpu.enqueue_indirect_dma source(%dma_start3A_211 : memref<10240x64xf32, #tpu.memory_space<hbm>>) target(%dma_start3A_205 : memref<128x64xf32, #tpu.memory_space<vmem>>) offsets(%dma_start3A_208 : memref<128xi32, #tpu.memory_space<vmem>>) semaphore(%arg16 : memref<!tpu.dma_semaphore, #tpu.memory_space<semaphore_mem>>)
            %mul3A_212 = arith.constant 64 : i32
            %mul3A_213 = arith.muli %add3A_126, %mul3A_212 : i32
            %dma_start3A_214 = arith.constant 0 : i32
            %dma_start3A_215 = arith.constant 0 : i32
            %dma_start3A_216 = arith.constant 0 : i32
            %dma_start3A_217 = tpu.memref_slice %arg11[%dma_start3A_214, %dma_start3A_215, %dma_start3A_216] : memref<2x64x128xf32, #tpu.memory_space<vmem>> -> memref<1x64x128xf32, #tpu.memory_space<vmem>>
            %dma_start3A_218 = tpu.memref_squeeze %dma_start3A_217 : memref<1x64x128xf32, #tpu.memory_space<vmem>> -> memref<64x128xf32, #tpu.memory_space<vmem>>
            %dma_start3A_219 = arith.constant 0 : i32
            %dma_start3A_220 = tpu.memref_slice %arg5[%mul3A_213, %dma_start3A_219] : memref<160000x128xf32, #tpu.memory_space<hbm>> -> memref<64x128xf32, #tpu.memory_space<hbm>>
            %dma_start3A_221 = arith.constant 0 : i32
            %dma_start3A_222 = arith.constant 0 : i32
            %dma_start3A_223 = tpu.memref_slice %arg11[%dma_start3A_214, %dma_start3A_221, %dma_start3A_222] : memref<2x64x128xf32, #tpu.memory_space<vmem>> -> memref<1x64x128xf32, #tpu.memory_space<vmem>>
            %dma_start3A_224 = tpu.memref_squeeze %dma_start3A_223 : memref<1x64x128xf32, #tpu.memory_space<vmem>> -> memref<64x128xf32, #tpu.memory_space<vmem>>
            %dma_start3A_225 = arith.constant 0 : i32
            %dma_start3A_226 = tpu.memref_slice %arg5[%mul3A_213, %dma_start3A_225] : memref<160000x128xf32, #tpu.memory_space<hbm>> -> memref<64x128xf32, #tpu.memory_space<hbm>>
            tpu.enqueue_dma source(%dma_start3A_226 : memref<64x128xf32, #tpu.memory_space<hbm>>) target(%dma_start3A_224 : memref<64x128xf32, #tpu.memory_space<vmem>>) target_semaphore(%arg18 : memref<!tpu.dma_semaphore, #tpu.memory_space<semaphore_mem>>)
          } else {
          }
          %dma_wait3A_139 = arith.constant 1 : i32
          %dma_wait3A_140 = arith.constant 0 : i32
          %dma_wait3A_141 = arith.constant 0 : i32
          %dma_wait3A_142 = tpu.memref_slice %arg10[%dma_wait3A_139, %dma_wait3A_140, %dma_wait3A_141] : memref<2x128x64xf32, #tpu.memory_space<vmem>> -> memref<1x128x64xf32, #tpu.memory_space<vmem>>
          %dma_wait3A_143 = tpu.memref_squeeze %dma_wait3A_142 : memref<1x128x64xf32, #tpu.memory_space<vmem>> -> memref<128x64xf32, #tpu.memory_space<vmem>>
          %dma_wait3A_144 = arith.constant 0 : i32
          %dma_wait3A_145 = arith.constant 0 : i32
          %dma_wait3A_146 = tpu.memref_slice %arg3[%dma_wait3A_144, %dma_wait3A_145] : memref<10240x64xf32, #tpu.memory_space<hbm>> -> memref<128x64xf32, #tpu.memory_space<hbm>>
          %dma_wait3A_147 = arith.constant 0 : i32
          %dma_wait3A_148 = arith.constant 0 : i32
          %dma_wait3A_149 = tpu.memref_slice %arg10[%dma_wait3A_139, %dma_wait3A_147, %dma_wait3A_148] : memref<2x128x64xf32, #tpu.memory_space<vmem>> -> memref<1x128x64xf32, #tpu.memory_space<vmem>>
          %dma_wait3A_150 = tpu.memref_squeeze %dma_wait3A_149 : memref<1x128x64xf32, #tpu.memory_space<vmem>> -> memref<128x64xf32, #tpu.memory_space<vmem>>
          %dma_wait3A_151 = arith.constant 0 : i32
          %dma_wait3A_152 = arith.constant 0 : i32
          %dma_wait3A_153 = tpu.memref_slice %arg3[%dma_wait3A_151, %dma_wait3A_152] : memref<10240x64xf32, #tpu.memory_space<hbm>> -> memref<128x64xf32, #tpu.memory_space<hbm>>
          tpu.wait_dma2 semaphore(%arg17 : memref<!tpu.dma_semaphore, #tpu.memory_space<semaphore_mem>>) src(%dma_wait3A_153 : memref<128x64xf32, #tpu.memory_space<hbm>>) dst(%dma_wait3A_150 : memref<128x64xf32, #tpu.memory_space<vmem>>)
          %dma_wait3A_154 = arith.constant 1 : i32
          %dma_wait3A_155 = arith.constant 0 : i32
          %dma_wait3A_156 = arith.constant 0 : i32
          %dma_wait3A_157 = tpu.memref_slice %arg11[%dma_wait3A_154, %dma_wait3A_155, %dma_wait3A_156] : memref<2x64x128xf32, #tpu.memory_space<vmem>> -> memref<1x64x128xf32, #tpu.memory_space<vmem>>
          %dma_wait3A_158 = tpu.memref_squeeze %dma_wait3A_157 : memref<1x64x128xf32, #tpu.memory_space<vmem>> -> memref<64x128xf32, #tpu.memory_space<vmem>>
          %dma_wait3A_159 = arith.constant 0 : i32
          %dma_wait3A_160 = arith.constant 0 : i32
          %dma_wait3A_161 = tpu.memref_slice %arg5[%dma_wait3A_159, %dma_wait3A_160] : memref<160000x128xf32, #tpu.memory_space<hbm>> -> memref<64x128xf32, #tpu.memory_space<hbm>>
          %dma_wait3A_162 = arith.constant 0 : i32
          %dma_wait3A_163 = arith.constant 0 : i32
          %dma_wait3A_164 = tpu.memref_slice %arg11[%dma_wait3A_154, %dma_wait3A_162, %dma_wait3A_163] : memref<2x64x128xf32, #tpu.memory_space<vmem>> -> memref<1x64x128xf32, #tpu.memory_space<vmem>>
          %dma_wait3A_165 = tpu.memref_squeeze %dma_wait3A_164 : memref<1x64x128xf32, #tpu.memory_space<vmem>> -> memref<64x128xf32, #tpu.memory_space<vmem>>
          %dma_wait3A_166 = arith.constant 0 : i32
          %dma_wait3A_167 = arith.constant 0 : i32
          %dma_wait3A_168 = tpu.memref_slice %arg5[%dma_wait3A_166, %dma_wait3A_167] : memref<160000x128xf32, #tpu.memory_space<hbm>> -> memref<64x128xf32, #tpu.memory_space<hbm>>
          tpu.wait_dma2 semaphore(%arg19 : memref<!tpu.dma_semaphore, #tpu.memory_space<semaphore_mem>>) src(%dma_wait3A_168 : memref<64x128xf32, #tpu.memory_space<hbm>>) dst(%dma_wait3A_165 : memref<64x128xf32, #tpu.memory_space<vmem>>)
          %scan3A_169 = arith.constant 0 : i32
          %scan3A_170 = arith.constant 64 : i32
          %scan3A_171 = arith.addi %scan3A_169, %scan3A_170 : i32
          %scan3A_172 = arith.constant 1 : i32
          scf.for %scan3A_181 = %scan3A_169 to %scan3A_171 step %scan3A_172  : i32 {
            %mul3A_182 = arith.constant 1 : i32
            %mul3A_183 = arith.muli %scan3A_181, %mul3A_182 : i32
            %add3A_184 = arith.constant 0 : i32
            %add3A_185 = arith.addi %add3A_184, %mul3A_183 : i32
            %mul3A_186 = arith.constant 2 : i32
            %mul3A_187 = arith.muli %mul3A_186, %add3A_185 : i32
            %add3A_188 = arith.constant 0 : i32
            %add3A_189 = arith.addi %mul3A_187, %add3A_188 : i32
            %get3A = arith.constant 1 : i32
            %get3A_190 = arith.index_cast %get3A : i32 to index
            %get3A_191 = arith.index_cast %add3A_189 : i32 to index
            %get3A_192 = arith.constant 0 : index
            %get3A_193 = tpu.vector_load %arg10[%get3A_190, %get3A_191, %get3A_192] {strides = array<i32>} : memref<2x128x64xf32, #tpu.memory_space<vmem>>, vector<1x1x16xf32>,
            %get3A_194 = vector.shape_cast %get3A_193 : vector<1x1x16xf32> to vector<16xf32>
            %get3A_195 = arith.constant 1 : i32
            %get3A_196 = arith.index_cast %get3A_195 : i32 to index
            %get3A_197 = arith.index_cast %add3A_185 : i32 to index
            %get3A_198 = arith.constant 0 : index
            %get3A_199 = tpu.vector_load %arg11[%get3A_196, %get3A_197, %get3A_198] {strides = array<i32>} : memref<2x64x128xf32, #tpu.memory_space<vmem>>, vector<1x1x16xf32>,
            %get3A_200 = vector.shape_cast %get3A_199 : vector<1x1x16xf32> to vector<16xf32>
            %mul3A_201 = arith.mulf %get3A_194, %get3A_200 : vector<16xf32>
            %mul3A_202 = arith.constant 2 : i32
            %mul3A_203 = arith.muli %mul3A_202, %add3A_185 : i32
            %add3A_204 = arith.constant 0 : i32
            %add3A_205 = arith.addi %mul3A_203, %add3A_204 : i32
            %swap3A = arith.constant 1 : i32
            %swap3A_206 = arith.index_cast %swap3A : i32 to index
            %swap3A_207 = arith.index_cast %add3A_205 : i32 to index
            %swap3A_208 = arith.constant 0 : index
            %swap3A_209 = tpu.vector_load %arg10[%swap3A_206, %swap3A_207, %swap3A_208] {strides = array<i32>} : memref<2x128x64xf32, #tpu.memory_space<vmem>>, vector<1x1x16xf32>,
            %swap3A_210 = vector.shape_cast %swap3A_209 : vector<1x1x16xf32> to vector<16xf32>
            %swap3A_211 = vector.shape_cast %mul3A_201 : vector<16xf32> to vector<1x1x16xf32>
            tpu.vector_store %arg10[%swap3A_206, %swap3A_207, %swap3A_208], %swap3A_211 {strides = array<i32>} : memref<2x128x64xf32, #tpu.memory_space<vmem>>, vector<1x1x16xf32>,
            %mul3A_212 = arith.constant 2 : i32
            %mul3A_213 = arith.muli %mul3A_212, %add3A_185 : i32
            %add3A_214 = arith.constant 0 : i32
            %add3A_215 = arith.addi %mul3A_213, %add3A_214 : i32
            %get3A_216 = arith.constant 1 : i32
            %get3A_217 = arith.index_cast %get3A_216 : i32 to index
            %get3A_218 = arith.index_cast %add3A_215 : i32 to index
            %get3A_219 = arith.constant 16 : index
            %get3A_220 = tpu.vector_load %arg10[%get3A_217, %get3A_218, %get3A_219] {strides = array<i32>} : memref<2x128x64xf32, #tpu.memory_space<vmem>>, vector<1x1x16xf32>,
            %get3A_221 = vector.shape_cast %get3A_220 : vector<1x1x16xf32> to vector<16xf32>
            %get3A_222 = arith.constant 1 : i32
            %get3A_223 = arith.index_cast %get3A_222 : i32 to index
            %get3A_224 = arith.index_cast %add3A_185 : i32 to index
            %get3A_225 = arith.constant 16 : index
            %get3A_226 = tpu.vector_load %arg11[%get3A_223, %get3A_224, %get3A_225] {strides = array<i32>} : memref<2x64x128xf32, #tpu.memory_space<vmem>>, vector<1x1x16xf32>,
            %get3A_227 = vector.shape_cast %get3A_226 : vector<1x1x16xf32> to vector<16xf32>
            %mul3A_228 = arith.mulf %get3A_221, %get3A_227 : vector<16xf32>
            %mul3A_229 = arith.constant 2 : i32
            %mul3A_230 = arith.muli %mul3A_229, %add3A_185 : i32
            %add3A_231 = arith.constant 0 : i32
            %add3A_232 = arith.addi %mul3A_230, %add3A_231 : i32
            %swap3A_233 = arith.constant 1 : i32
            %swap3A_234 = arith.index_cast %swap3A_233 : i32 to index
            %swap3A_235 = arith.index_cast %add3A_232 : i32 to index
            %swap3A_236 = arith.constant 16 : index
            %swap3A_237 = tpu.vector_load %arg10[%swap3A_234, %swap3A_235, %swap3A_236] {strides = array<i32>} : memref<2x128x64xf32, #tpu.memory_space<vmem>>, vector<1x1x16xf32>,
            %swap3A_238 = vector.shape_cast %swap3A_237 : vector<1x1x16xf32> to vector<16xf32>
            %swap3A_239 = vector.shape_cast %mul3A_228 : vector<16xf32> to vector<1x1x16xf32>
            tpu.vector_store %arg10[%swap3A_234, %swap3A_235, %swap3A_236], %swap3A_239 {strides = array<i32>} : memref<2x128x64xf32, #tpu.memory_space<vmem>>, vector<1x1x16xf32>,
            %mul3A_240 = arith.constant 2 : i32
            %mul3A_241 = arith.muli %mul3A_240, %add3A_185 : i32
            %add3A_242 = arith.constant 0 : i32
            %add3A_243 = arith.addi %mul3A_241, %add3A_242 : i32
            %get3A_244 = arith.constant 1 : i32
            %get3A_245 = arith.index_cast %get3A_244 : i32 to index
            %get3A_246 = arith.index_cast %add3A_243 : i32 to index
            %get3A_247 = arith.constant 32 : index
            %get3A_248 = tpu.vector_load %arg10[%get3A_245, %get3A_246, %get3A_247] {strides = array<i32>} : memref<2x128x64xf32, #tpu.memory_space<vmem>>, vector<1x1x16xf32>,
            %get3A_249 = vector.shape_cast %get3A_248 : vector<1x1x16xf32> to vector<16xf32>
            %get3A_250 = arith.constant 1 : i32
            %get3A_251 = arith.index_cast %get3A_250 : i32 to index
            %get3A_252 = arith.index_cast %add3A_185 : i32 to index
            %get3A_253 = arith.constant 32 : index
            %get3A_254 = tpu.vector_load %arg11[%get3A_251, %get3A_252, %get3A_253] {strides = array<i32>} : memref<2x64x128xf32, #tpu.memory_space<vmem>>, vector<1x1x16xf32>,
            %get3A_255 = vector.shape_cast %get3A_254 : vector<1x1x16xf32> to vector<16xf32>
            %mul3A_256 = arith.mulf %get3A_249, %get3A_255 : vector<16xf32>
            %mul3A_257 = arith.constant 2 : i32
            %mul3A_258 = arith.muli %mul3A_257, %add3A_185 : i32
            %add3A_259 = arith.constant 0 : i32
            %add3A_260 = arith.addi %mul3A_258, %add3A_259 : i32
            %swap3A_261 = arith.constant 1 : i32
            %swap3A_262 = arith.index_cast %swap3A_261 : i32 to index
            %swap3A_263 = arith.index_cast %add3A_260 : i32 to index
            %swap3A_264 = arith.constant 32 : index
            %swap3A_265 = tpu.vector_load %arg10[%swap3A_262, %swap3A_263, %swap3A_264] {strides = array<i32>} : memref<2x128x64xf32, #tpu.memory_space<vmem>>, vector<1x1x16xf32>,
            %swap3A_266 = vector.shape_cast %swap3A_265 : vector<1x1x16xf32> to vector<16xf32>
            %swap3A_267 = vector.shape_cast %mul3A_256 : vector<16xf32> to vector<1x1x16xf32>
            tpu.vector_store %arg10[%swap3A_262, %swap3A_263, %swap3A_264], %swap3A_267 {strides = array<i32>} : memref<2x128x64xf32, #tpu.memory_space<vmem>>, vector<1x1x16xf32>,
            %mul3A_268 = arith.constant 2 : i32
            %mul3A_269 = arith.muli %mul3A_268, %add3A_185 : i32
            %add3A_270 = arith.constant 0 : i32
            %add3A_271 = arith.addi %mul3A_269, %add3A_270 : i32
            %get3A_272 = arith.constant 1 : i32
            %get3A_273 = arith.index_cast %get3A_272 : i32 to index
            %get3A_274 = arith.index_cast %add3A_271 : i32 to index
            %get3A_275 = arith.constant 48 : index
            %get3A_276 = tpu.vector_load %arg10[%get3A_273, %get3A_274, %get3A_275] {strides = array<i32>} : memref<2x128x64xf32, #tpu.memory_space<vmem>>, vector<1x1x16xf32>,
            %get3A_277 = vector.shape_cast %get3A_276 : vector<1x1x16xf32> to vector<16xf32>
            %get3A_278 = arith.constant 1 : i32
            %get3A_279 = arith.index_cast %get3A_278 : i32 to index
            %get3A_280 = arith.index_cast %add3A_185 : i32 to index
            %get3A_281 = arith.constant 48 : index
            %get3A_282 = tpu.vector_load %arg11[%get3A_279, %get3A_280, %get3A_281] {strides = array<i32>} : memref<2x64x128xf32, #tpu.memory_space<vmem>>, vector<1x1x16xf32>,
            %get3A_283 = vector.shape_cast %get3A_282 : vector<1x1x16xf32> to vector<16xf32>
            %mul3A_284 = arith.mulf %get3A_277, %get3A_283 : vector<16xf32>
            %mul3A_285 = arith.constant 2 : i32
            %mul3A_286 = arith.muli %mul3A_285, %add3A_185 : i32
            %add3A_287 = arith.constant 0 : i32
            %add3A_288 = arith.addi %mul3A_286, %add3A_287 : i32
            %swap3A_289 = arith.constant 1 : i32
            %swap3A_290 = arith.index_cast %swap3A_289 : i32 to index
            %swap3A_291 = arith.index_cast %add3A_288 : i32 to index
            %swap3A_292 = arith.constant 48 : index
            %swap3A_293 = tpu.vector_load %arg10[%swap3A_290, %swap3A_291, %swap3A_292] {strides = array<i32>} : memref<2x128x64xf32, #tpu.memory_space<vmem>>, vector<1x1x16xf32>,
            %swap3A_294 = vector.shape_cast %swap3A_293 : vector<1x1x16xf32> to vector<16xf32>
            %swap3A_295 = vector.shape_cast %mul3A_284 : vector<16xf32> to vector<1x1x16xf32>
            tpu.vector_store %arg10[%swap3A_290, %swap3A_291, %swap3A_292], %swap3A_295 {strides = array<i32>} : memref<2x128x64xf32, #tpu.memory_space<vmem>>, vector<1x1x16xf32>,
            %mul3A_296 = arith.constant 2 : i32
            %mul3A_297 = arith.muli %mul3A_296, %add3A_185 : i32
            %add3A_298 = arith.constant 1 : i32
            %add3A_299 = arith.addi %mul3A_297, %add3A_298 : i32
            %get3A_300 = arith.constant 1 : i32
            %get3A_301 = arith.index_cast %get3A_300 : i32 to index
            %get3A_302 = arith.index_cast %add3A_299 : i32 to index
            %get3A_303 = arith.constant 0 : index
            %get3A_304 = tpu.vector_load %arg10[%get3A_301, %get3A_302, %get3A_303] {strides = array<i32>} : memref<2x128x64xf32, #tpu.memory_space<vmem>>, vector<1x1x16xf32>,
            %get3A_305 = vector.shape_cast %get3A_304 : vector<1x1x16xf32> to vector<16xf32>
            %get3A_306 = arith.constant 1 : i32
            %get3A_307 = arith.index_cast %get3A_306 : i32 to index
            %get3A_308 = arith.index_cast %add3A_185 : i32 to index
            %get3A_309 = arith.constant 64 : index
            %get3A_310 = tpu.vector_load %arg11[%get3A_307, %get3A_308, %get3A_309] {strides = array<i32>} : memref<2x64x128xf32, #tpu.memory_space<vmem>>, vector<1x1x16xf32>,
            %get3A_311 = vector.shape_cast %get3A_310 : vector<1x1x16xf32> to vector<16xf32>
            %mul3A_312 = arith.mulf %get3A_305, %get3A_311 : vector<16xf32>
            %mul3A_313 = arith.constant 2 : i32
            %mul3A_314 = arith.muli %mul3A_313, %add3A_185 : i32
            %add3A_315 = arith.constant 1 : i32
            %add3A_316 = arith.addi %mul3A_314, %add3A_315 : i32
            %swap3A_317 = arith.constant 1 : i32
            %swap3A_318 = arith.index_cast %swap3A_317 : i32 to index
            %swap3A_319 = arith.index_cast %add3A_316 : i32 to index
            %swap3A_320 = arith.constant 0 : index
            %swap3A_321 = tpu.vector_load %arg10[%swap3A_318, %swap3A_319, %swap3A_320] {strides = array<i32>} : memref<2x128x64xf32, #tpu.memory_space<vmem>>, vector<1x1x16xf32>,
            %swap3A_322 = vector.shape_cast %swap3A_321 : vector<1x1x16xf32> to vector<16xf32>
            %swap3A_323 = vector.shape_cast %mul3A_312 : vector<16xf32> to vector<1x1x16xf32>
            tpu.vector_store %arg10[%swap3A_318, %swap3A_319, %swap3A_320], %swap3A_323 {strides = array<i32>} : memref<2x128x64xf32, #tpu.memory_space<vmem>>, vector<1x1x16xf32>,
            %mul3A_324 = arith.constant 2 : i32
            %mul3A_325 = arith.muli %mul3A_324, %add3A_185 : i32
            %add3A_326 = arith.constant 1 : i32
            %add3A_327 = arith.addi %mul3A_325, %add3A_326 : i32
            %get3A_328 = arith.constant 1 : i32
            %get3A_329 = arith.index_cast %get3A_328 : i32 to index
            %get3A_330 = arith.index_cast %add3A_327 : i32 to index
            %get3A_331 = arith.constant 16 : index
            %get3A_332 = tpu.vector_load %arg10[%get3A_329, %get3A_330, %get3A_331] {strides = array<i32>} : memref<2x128x64xf32, #tpu.memory_space<vmem>>, vector<1x1x16xf32>,
            %get3A_333 = vector.shape_cast %get3A_332 : vector<1x1x16xf32> to vector<16xf32>
            %get3A_334 = arith.constant 1 : i32
            %get3A_335 = arith.index_cast %get3A_334 : i32 to index
            %get3A_336 = arith.index_cast %add3A_185 : i32 to index
            %get3A_337 = arith.constant 80 : index
            %get3A_338 = tpu.vector_load %arg11[%get3A_335, %get3A_336, %get3A_337] {strides = array<i32>} : memref<2x64x128xf32, #tpu.memory_space<vmem>>, vector<1x1x16xf32>,
            %get3A_339 = vector.shape_cast %get3A_338 : vector<1x1x16xf32> to vector<16xf32>
            %mul3A_340 = arith.mulf %get3A_333, %get3A_339 : vector<16xf32>
            %mul3A_341 = arith.constant 2 : i32
            %mul3A_342 = arith.muli %mul3A_341, %add3A_185 : i32
            %add3A_343 = arith.constant 1 : i32
            %add3A_344 = arith.addi %mul3A_342, %add3A_343 : i32
            %swap3A_345 = arith.constant 1 : i32
            %swap3A_346 = arith.index_cast %swap3A_345 : i32 to index
            %swap3A_347 = arith.index_cast %add3A_344 : i32 to index
            %swap3A_348 = arith.constant 16 : index
            %swap3A_349 = tpu.vector_load %arg10[%swap3A_346, %swap3A_347, %swap3A_348] {strides = array<i32>} : memref<2x128x64xf32, #tpu.memory_space<vmem>>, vector<1x1x16xf32>,
            %swap3A_350 = vector.shape_cast %swap3A_349 : vector<1x1x16xf32> to vector<16xf32>
            %swap3A_351 = vector.shape_cast %mul3A_340 : vector<16xf32> to vector<1x1x16xf32>
            tpu.vector_store %arg10[%swap3A_346, %swap3A_347, %swap3A_348], %swap3A_351 {strides = array<i32>} : memref<2x128x64xf32, #tpu.memory_space<vmem>>, vector<1x1x16xf32>,
            %mul3A_352 = arith.constant 2 : i32
            %mul3A_353 = arith.muli %mul3A_352, %add3A_185 : i32
            %add3A_354 = arith.constant 1 : i32
            %add3A_355 = arith.addi %mul3A_353, %add3A_354 : i32
            %get3A_356 = arith.constant 1 : i32
            %get3A_357 = arith.index_cast %get3A_356 : i32 to index
            %get3A_358 = arith.index_cast %add3A_355 : i32 to index
            %get3A_359 = arith.constant 32 : index
            %get3A_360 = tpu.vector_load %arg10[%get3A_357, %get3A_358, %get3A_359] {strides = array<i32>} : memref<2x128x64xf32, #tpu.memory_space<vmem>>, vector<1x1x16xf32>,
            %get3A_361 = vector.shape_cast %get3A_360 : vector<1x1x16xf32> to vector<16xf32>
            %get3A_362 = arith.constant 1 : i32
            %get3A_363 = arith.index_cast %get3A_362 : i32 to index
            %get3A_364 = arith.index_cast %add3A_185 : i32 to index
            %get3A_365 = arith.constant 96 : index
            %get3A_366 = tpu.vector_load %arg11[%get3A_363, %get3A_364, %get3A_365] {strides = array<i32>} : memref<2x64x128xf32, #tpu.memory_space<vmem>>, vector<1x1x16xf32>,
            %get3A_367 = vector.shape_cast %get3A_366 : vector<1x1x16xf32> to vector<16xf32>
            %mul3A_368 = arith.mulf %get3A_361, %get3A_367 : vector<16xf32>
            %mul3A_369 = arith.constant 2 : i32
            %mul3A_370 = arith.muli %mul3A_369, %add3A_185 : i32
            %add3A_371 = arith.constant 1 : i32
            %add3A_372 = arith.addi %mul3A_370, %add3A_371 : i32
            %swap3A_373 = arith.constant 1 : i32
            %swap3A_374 = arith.index_cast %swap3A_373 : i32 to index
            %swap3A_375 = arith.index_cast %add3A_372 : i32 to index
            %swap3A_376 = arith.constant 32 : index
            %swap3A_377 = tpu.vector_load %arg10[%swap3A_374, %swap3A_375, %swap3A_376] {strides = array<i32>} : memref<2x128x64xf32, #tpu.memory_space<vmem>>, vector<1x1x16xf32>,
            %swap3A_378 = vector.shape_cast %swap3A_377 : vector<1x1x16xf32> to vector<16xf32>
            %swap3A_379 = vector.shape_cast %mul3A_368 : vector<16xf32> to vector<1x1x16xf32>
            tpu.vector_store %arg10[%swap3A_374, %swap3A_375, %swap3A_376], %swap3A_379 {strides = array<i32>} : memref<2x128x64xf32, #tpu.memory_space<vmem>>, vector<1x1x16xf32>,
            %mul3A_380 = arith.constant 2 : i32
            %mul3A_381 = arith.muli %mul3A_380, %add3A_185 : i32
            %add3A_382 = arith.constant 1 : i32
            %add3A_383 = arith.addi %mul3A_381, %add3A_382 : i32
            %get3A_384 = arith.constant 1 : i32
            %get3A_385 = arith.index_cast %get3A_384 : i32 to index
            %get3A_386 = arith.index_cast %add3A_383 : i32 to index
            %get3A_387 = arith.constant 48 : index
            %get3A_388 = tpu.vector_load %arg10[%get3A_385, %get3A_386, %get3A_387] {strides = array<i32>} : memref<2x128x64xf32, #tpu.memory_space<vmem>>, vector<1x1x16xf32>,
            %get3A_389 = vector.shape_cast %get3A_388 : vector<1x1x16xf32> to vector<16xf32>
            %get3A_390 = arith.constant 1 : i32
            %get3A_391 = arith.index_cast %get3A_390 : i32 to index
            %get3A_392 = arith.index_cast %add3A_185 : i32 to index
            %get3A_393 = arith.constant 112 : index
            %get3A_394 = tpu.vector_load %arg11[%get3A_391, %get3A_392, %get3A_393] {strides = array<i32>} : memref<2x64x128xf32, #tpu.memory_space<vmem>>, vector<1x1x16xf32>,
            %get3A_395 = vector.shape_cast %get3A_394 : vector<1x1x16xf32> to vector<16xf32>
            %mul3A_396 = arith.mulf %get3A_389, %get3A_395 : vector<16xf32>
            %mul3A_397 = arith.constant 2 : i32
            %mul3A_398 = arith.muli %mul3A_397, %add3A_185 : i32
            %add3A_399 = arith.constant 1 : i32
            %add3A_400 = arith.addi %mul3A_398, %add3A_399 : i32
            %swap3A_401 = arith.constant 1 : i32
            %swap3A_402 = arith.index_cast %swap3A_401 : i32 to index
            %swap3A_403 = arith.index_cast %add3A_400 : i32 to index
            %swap3A_404 = arith.constant 48 : index
            %swap3A_405 = tpu.vector_load %arg10[%swap3A_402, %swap3A_403, %swap3A_404] {strides = array<i32>} : memref<2x128x64xf32, #tpu.memory_space<vmem>>, vector<1x1x16xf32>,
            %swap3A_406 = vector.shape_cast %swap3A_405 : vector<1x1x16xf32> to vector<16xf32>
            %swap3A_407 = vector.shape_cast %mul3A_396 : vector<16xf32> to vector<1x1x16xf32>
            tpu.vector_store %arg10[%swap3A_402, %swap3A_403, %swap3A_404], %swap3A_407 {strides = array<i32>} : memref<2x128x64xf32, #tpu.memory_space<vmem>>, vector<1x1x16xf32>,
          }
          %scan3A_173 = arith.constant 64 : i32
          %run_scoped3A = arith.constant 1 : i32
          %run_scoped3A_174 = arith.constant 1 : i32
          %run_scoped3A_175 = arith.constant 1 : i32
          "tpu.region"() ({
            %run_scoped3A_181 = tpu.sem_alloc : memref<!tpu.dma_semaphore, #tpu.memory_space<semaphore_mem>>
            %dma_start3A_182 = arith.constant 0 : i32
            %dma_start3A_183 = arith.constant 0 : i32
            %dma_start3A_184 = tpu.memref_slice %arg10[%run_scoped3A, %dma_start3A_182, %dma_start3A_183] : memref<2x128x64xf32, #tpu.memory_space<vmem>> -> memref<1x128x64xf32, #tpu.memory_space<vmem>>
            %dma_start3A_185 = tpu.memref_squeeze %dma_start3A_184 : memref<1x128x64xf32, #tpu.memory_space<vmem>> -> memref<128x64xf32, #tpu.memory_space<vmem>>
            %dma_start3A_186 = arith.constant 0 : i32
            %dma_start3A_187 = tpu.memref_slice %arg9[%run_scoped3A_174, %run_scoped3A_175, %dma_start3A_186] : memref<2x2x128xi32, #tpu.memory_space<vmem>> -> memref<1x1x128xi32, #tpu.memory_space<vmem>>
            %dma_start3A_188 = tpu.memref_squeeze %dma_start3A_187 : memref<1x1x128xi32, #tpu.memory_space<vmem>> -> memref<128xi32, #tpu.memory_space<vmem>>
            %dma_start3A_189 = arith.constant 0 : i32
            %dma_start3A_190 = arith.constant 0 : i32
            %dma_start3A_191 = tpu.memref_slice %arg13[%dma_start3A_189, %dma_start3A_190] : memref<10240x64xf32, #tpu.memory_space<vmem_shared>> -> memref<10240x64xf32, #tpu.memory_space<vmem_shared>>
            tpu.enqueue_indirect_dma source(%dma_start3A_185 : memref<128x64xf32, #tpu.memory_space<vmem>>) target(%dma_start3A_191 : memref<10240x64xf32, #tpu.memory_space<vmem_shared>>) offsets(%dma_start3A_188 : memref<128xi32, #tpu.memory_space<vmem>>) semaphore(%run_scoped3A_181 : memref<!tpu.dma_semaphore, #tpu.memory_space<semaphore_mem>>) {add = true}
            %dma_wait3A_192 = arith.constant 0 : i32
            %dma_wait3A_193 = arith.constant 0 : i32
            %dma_wait3A_194 = tpu.memref_slice %arg10[%run_scoped3A, %dma_wait3A_192, %dma_wait3A_193] : memref<2x128x64xf32, #tpu.memory_space<vmem>> -> memref<1x128x64xf32, #tpu.memory_space<vmem>>
            %dma_wait3A_195 = tpu.memref_squeeze %dma_wait3A_194 : memref<1x128x64xf32, #tpu.memory_space<vmem>> -> memref<128x64xf32, #tpu.memory_space<vmem>>
            %dma_wait3A_196 = arith.constant 0 : i32
            %dma_wait3A_197 = tpu.memref_slice %arg9[%run_scoped3A_174, %run_scoped3A_175, %dma_wait3A_196] : memref<2x2x128xi32, #tpu.memory_space<vmem>> -> memref<1x1x128xi32, #tpu.memory_space<vmem>>
            %dma_wait3A_198 = tpu.memref_squeeze %dma_wait3A_197 : memref<1x1x128xi32, #tpu.memory_space<vmem>> -> memref<128xi32, #tpu.memory_space<vmem>>
            %dma_wait3A_199 = arith.constant 0 : i32
            %dma_wait3A_200 = arith.constant 0 : i32
            %dma_wait3A_201 = tpu.memref_slice %arg13[%dma_wait3A_199, %dma_wait3A_200] : memref<10240x64xf32, #tpu.memory_space<vmem_shared>> -> memref<10240x64xf32, #tpu.memory_space<vmem_shared>>
            tpu.wait_indirect_dma semaphore(%run_scoped3A_181 : memref<!tpu.dma_semaphore, #tpu.memory_space<semaphore_mem>>) src(%dma_wait3A_195 : memref<128x64xf32, #tpu.memory_space<vmem>>) dst(%dma_wait3A_201 : memref<10240x64xf32, #tpu.memory_space<vmem_shared>>)
            tpu.yield
          }) : () -> ()
          %lt3A_176 = arith.constant 2500 : i32
          %lt3A_177 = arith.cmpi slt, %add3A_128, %lt3A_176 : i32
          %convert_element_type3A_178 = arith.extui %lt3A_177 : i1 to i32
          %cond3A_179 = arith.constant 0 : i32
          %cond3A_180 = arith.cmpi ne, %convert_element_type3A_178, %cond3A_179 : i32
          scf.if %cond3A_180 {
            %dma_start3A_181 = arith.constant 1 : i32
            %dma_start3A_182 = arith.constant 0 : i32
            %dma_start3A_183 = arith.constant 0 : i32
            %dma_start3A_184 = tpu.memref_slice %arg9[%dma_start3A_181, %dma_start3A_182, %dma_start3A_183] : memref<2x2x128xi32, #tpu.memory_space<vmem>> -> memref<1x2x128xi32, #tpu.memory_space<vmem>>
            %dma_start3A_185 = tpu.memref_squeeze %dma_start3A_184 : memref<1x2x128xi32, #tpu.memory_space<vmem>> -> memref<2x128xi32, #tpu.memory_space<vmem>>
            %dma_start3A_186 = arith.constant 0 : i32
            %dma_start3A_187 = arith.constant 0 : i32
            %dma_start3A_188 = tpu.memref_slice %arg6[%add3A_128, %dma_start3A_186, %dma_start3A_187] : memref<2500x2x128xi32, #tpu.memory_space<hbm>> -> memref<1x2x128xi32, #tpu.memory_space<hbm>>
            %dma_start3A_189 = tpu.memref_squeeze %dma_start3A_188 : memref<1x2x128xi32, #tpu.memory_space<hbm>> -> memref<2x128xi32, #tpu.memory_space<hbm>>
            %dma_start3A_190 = arith.constant 0 : i32
            %dma_start3A_191 = arith.constant 0 : i32
            %dma_start3A_192 = tpu.memref_slice %arg9[%dma_start3A_181, %dma_start3A_190, %dma_start3A_191] : memref<2x2x128xi32, #tpu.memory_space<vmem>> -> memref<1x2x128xi32, #tpu.memory_space<vmem>>
            %dma_start3A_193 = tpu.memref_squeeze %dma_start3A_192 : memref<1x2x128xi32, #tpu.memory_space<vmem>> -> memref<2x128xi32, #tpu.memory_space<vmem>>
            %dma_start3A_194 = arith.constant 0 : i32
            %dma_start3A_195 = arith.constant 0 : i32
            %dma_start3A_196 = tpu.memref_slice %arg6[%add3A_128, %dma_start3A_194, %dma_start3A_195] : memref<2500x2x128xi32, #tpu.memory_space<hbm>> -> memref<1x2x128xi32, #tpu.memory_space<hbm>>
            %dma_start3A_197 = tpu.memref_squeeze %dma_start3A_196 : memref<1x2x128xi32, #tpu.memory_space<hbm>> -> memref<2x128xi32, #tpu.memory_space<hbm>>
            tpu.enqueue_dma source(%dma_start3A_197 : memref<2x128xi32, #tpu.memory_space<hbm>>) target(%dma_start3A_193 : memref<2x128xi32, #tpu.memory_space<vmem>>) target_semaphore(%arg15 : memref<!tpu.dma_semaphore, #tpu.memory_space<semaphore_mem>>)
          } else {
          }
        } else {
        }
      }
      %scan3A_96 = arith.constant 79 : i32
    } else {
    }
    %barrier3A_16 = arith.constant 0 : index
    tpu.barrier barrier_id(%barrier3A_16)
    %eq3A_17 = arith.constant 0 : i32
    %eq3A_18 = arith.cmpi eq, %arg0, %eq3A_17 : i32
    %convert_element_type3A_19 = arith.extui %eq3A_18 : i1 to i32
    %cond3A_20 = arith.constant 0 : i32
    %cond3A_21 = arith.cmpi ne, %convert_element_type3A_19, %cond3A_20 : i32
    scf.if %cond3A_21 {
      %scan3A_27 = arith.constant 0 : i32
      %scan3A_28 = arith.constant 5 : i32
      %scan3A_29 = arith.addi %scan3A_27, %scan3A_28 : i32
      %scan3A_30 = arith.constant 1 : i32
      scf.for %scan3A_32 = %scan3A_27 to %scan3A_29 step %scan3A_30  : i32 {
        %mul3A = arith.constant 1 : i32
        %mul3A_33 = arith.muli %scan3A_32, %mul3A : i32
        %add3A = arith.constant 0 : i32
        %add3A_34 = arith.addi %add3A, %mul3A_33 : i32
        %mul3A_35 = arith.constant 640 : i32
        %mul3A_36 = arith.muli %arg1, %mul3A_35 : i32
        %mul3A_37 = arith.constant 128 : i32
        %mul3A_38 = arith.muli %add3A_34, %mul3A_37 : i32
        %add3A_39 = arith.addi %mul3A_36, %mul3A_38 : i32
        "tpu.region"() ({
          %run_scoped3A = tpu.sem_alloc : memref<!tpu.dma_semaphore, #tpu.memory_space<semaphore_mem>>
          %dma_start3A = arith.constant 0 : i32
          %dma_start3A_40 = tpu.memref_slice %arg7[%add3A_39, %dma_start3A] : memref<10240x64xf32, #tpu.memory_space<hbm>> -> memref<128x64xf32, #tpu.memory_space<hbm>>
          %dma_start3A_41 = arith.constant 0 : i32
          %dma_start3A_42 = tpu.memref_slice %arg13[%add3A_39, %dma_start3A_41] : memref<10240x64xf32, #tpu.memory_space<vmem_shared>> -> memref<128x64xf32, #tpu.memory_space<vmem_shared>>
          tpu.enqueue_dma source(%dma_start3A_42 : memref<128x64xf32, #tpu.memory_space<vmem_shared>>) target(%dma_start3A_40 : memref<128x64xf32, #tpu.memory_space<hbm>>) target_semaphore(%run_scoped3A : memref<!tpu.dma_semaphore, #tpu.memory_space<semaphore_mem>>)
          %dma_wait3A = arith.constant 0 : i32
          %dma_wait3A_43 = tpu.memref_slice %arg7[%add3A_39, %dma_wait3A] : memref<10240x64xf32, #tpu.memory_space<hbm>> -> memref<128x64xf32, #tpu.memory_space<hbm>>
          %dma_wait3A_44 = arith.constant 0 : i32
          %dma_wait3A_45 = tpu.memref_slice %arg13[%add3A_39, %dma_wait3A_44] : memref<10240x64xf32, #tpu.memory_space<vmem_shared>> -> memref<128x64xf32, #tpu.memory_space<vmem_shared>>
          tpu.wait_dma2 semaphore(%run_scoped3A : memref<!tpu.dma_semaphore, #tpu.memory_space<semaphore_mem>>) src(%dma_wait3A_45 : memref<128x64xf32, #tpu.memory_space<vmem_shared>>) dst(%dma_wait3A_43 : memref<128x64xf32, #tpu.memory_space<hbm>>)
          tpu.yield
        }) : () -> ()
      }
      %scan3A_31 = arith.constant 5 : i32
    } else {
    }
    %eq3A_22 = arith.constant 1 : i32
    %eq3A_23 = arith.cmpi eq, %arg0, %eq3A_22 : i32
    %convert_element_type3A_24 = arith.extui %eq3A_23 : i1 to i32
    %cond3A_25 = arith.constant 0 : i32
    %cond3A_26 = arith.cmpi ne, %convert_element_type3A_24, %cond3A_25 : i32
    scf.if %cond3A_26 {
      %scan3A_27 = arith.constant 0 : i32
      %scan3A_28 = arith.constant 5 : i32
      %scan3A_29 = arith.addi %scan3A_27, %scan3A_28 : i32
      %scan3A_30 = arith.constant 1 : i32
      scf.for %scan3A_32 = %scan3A_27 to %scan3A_29 step %scan3A_30  : i32 {
        %mul3A = arith.constant 1 : i32
        %mul3A_33 = arith.muli %scan3A_32, %mul3A : i32
        %add3A = arith.constant 0 : i32
        %add3A_34 = arith.addi %add3A, %mul3A_33 : i32
        %mul3A_35 = arith.constant 640 : i32
        %mul3A_36 = arith.muli %arg1, %mul3A_35 : i32
        %mul3A_37 = arith.constant 128 : i32
        %mul3A_38 = arith.muli %add3A_34, %mul3A_37 : i32
        %add3A_39 = arith.addi %mul3A_36, %mul3A_38 : i32
        "tpu.region"() ({
          %run_scoped3A = tpu.sem_alloc : memref<!tpu.dma_semaphore, #tpu.memory_space<semaphore_mem>>
          %dma_start3A = arith.constant 0 : i32
          %dma_start3A_40 = tpu.memref_slice %arg8[%add3A_39, %dma_start3A] : memref<10240x64xf32, #tpu.memory_space<hbm>> -> memref<128x64xf32, #tpu.memory_space<hbm>>
          %dma_start3A_41 = arith.constant 0 : i32
          %dma_start3A_42 = tpu.memref_slice %arg13[%add3A_39, %dma_start3A_41] : memref<10240x64xf32, #tpu.memory_space<vmem_shared>> -> memref<128x64xf32, #tpu.memory_space<vmem_shared>>
          tpu.enqueue_dma source(%dma_start3A_42 : memref<128x64xf32, #tpu.memory_space<vmem_shared>>) target(%dma_start3A_40 : memref<128x64xf32, #tpu.memory_space<hbm>>) target_semaphore(%run_scoped3A : memref<!tpu.dma_semaphore, #tpu.memory_space<semaphore_mem>>)
          %dma_wait3A = arith.constant 0 : i32
          %dma_wait3A_43 = tpu.memref_slice %arg8[%add3A_39, %dma_wait3A] : memref<10240x64xf32, #tpu.memory_space<hbm>> -> memref<128x64xf32, #tpu.memory_space<hbm>>
          %dma_wait3A_44 = arith.constant 0 : i32
          %dma_wait3A_45 = tpu.memref_slice %arg13[%add3A_39, %dma_wait3A_44] : memref<10240x64xf32, #tpu.memory_space<vmem_shared>> -> memref<128x64xf32, #tpu.memory_space<vmem_shared>>
          tpu.wait_dma2 semaphore(%run_scoped3A : memref<!tpu.dma_semaphore, #tpu.memory_space<semaphore_mem>>) src(%dma_wait3A_45 : memref<128x64xf32, #tpu.memory_space<vmem_shared>>) dst(%dma_wait3A_43 : memref<128x64xf32, #tpu.memory_space<hbm>>)
          tpu.yield
        }) : () -> ()
      }
      %scan3A_31 = arith.constant 5 : i32
    } else {
    }
    return
  }
}

module attributes {stable_mosaic.version = 14 : i64} {
  func.func @_mlp_kernel(%arg0: i32, %arg1: memref<1024x128xf32, #tpu.memory_space<vmem>>, %arg2: memref<128x256xf32, #tpu.memory_space<vmem>>, %arg3: memref<1x256xf32, #tpu.memory_space<vmem>>, %arg4: memref<256x128xf32, #tpu.memory_space<vmem>>, %arg5: memref<1x128xf32, #tpu.memory_space<vmem>>, %arg6: memref<1x1xf32, #tpu.memory_space<vmem>>, %arg7: memref<1024x64xf32, #tpu.memory_space<vmem>>, %arg8: memref<1024x64xf32, #tpu.memory_space<vmem>>) attributes {dimension_semantics = [#tpu.dimension_semantics<arbitrary>], iteration_bounds = array<i64: 10>, scalar_prefetch = 0 : i64, scratch_operands = 0 : i64, tpu.core_type = #tpu.core_type<tc>, window_params = [{transform_indices = @transform_0, window_bounds = array<i64: 1024, 128>}, {pipeline_mode = #tpu.pipeline_mode<synchronous>, transform_indices = @transform_1, window_bounds = array<i64: 128, 256>}, {pipeline_mode = #tpu.pipeline_mode<synchronous>, transform_indices = @transform_2, window_bounds = array<i64: 1, 256>}, {pipeline_mode = #tpu.pipeline_mode<synchronous>, transform_indices = @transform_3, window_bounds = array<i64: 256, 128>}, {pipeline_mode = #tpu.pipeline_mode<synchronous>, transform_indices = @transform_4, window_bounds = array<i64: 1, 128>}, {pipeline_mode = #tpu.pipeline_mode<synchronous>, transform_indices = @transform_5, window_bounds = array<i64: 1, 1>}, {transform_indices = @transform_6, window_bounds = array<i64: 1024, 64>}, {transform_indices = @transform_7, window_bounds = array<i64: 1024, 64>}]} {
    %get3A = arith.constant 0 : index
    %get3A_0 = arith.constant 0 : index
    %get3A_1 = vector.load %arg1[%get3A, %get3A_0] : memref<1024x128xf32, #tpu.memory_space<vmem>>, vector<1024x128xf32>
    %get3A_2 = arith.constant 0 : index
    %get3A_3 = arith.constant 0 : index
    %get3A_4 = vector.load %arg2[%get3A_2, %get3A_3] : memref<128x256xf32, #tpu.memory_space<vmem>>, vector<128x256xf32>
    %convert_element_type3A = arith.truncf %get3A_1 : vector<1024x128xf32> to vector<1024x128xbf16>
    %convert_element_type3A_5 = arith.truncf %get3A_4 : vector<128x256xf32> to vector<128x256xbf16>
    %dot_general3A = arith.constant dense<0.000000e+00> : vector<1024x256xf32>
    %dot_general3A_6 = tpu.matmul %convert_element_type3A, %convert_element_type3A_5, %dot_general3A {dimension_numbers = #tpu.dot_dimension_numbers<[1], [0], [0], [1], [0, 0, 1, 1], [], []>, transpose_lhs_hint = false} : vector<1024x128xbf16>, vector<128x256xbf16>, vector<1024x256xf32> -> vector<1024x256xf32>
    %get3A_7 = arith.constant 0 : index
    %get3A_8 = arith.constant 0 : index
    %get3A_9 = vector.load %arg3[%get3A_7, %get3A_8] : memref<1x256xf32, #tpu.memory_space<vmem>>, vector<1x256xf32>
    %add3A = vector.broadcast %get3A_9 : vector<1x256xf32> to vector<1024x256xf32>
    %add3A_10 = arith.addf %dot_general3A_6, %add3A : vector<1024x256xf32>
    %gt3A = arith.constant 0.000000e+00 : f32
    %gt3A_11 = vector.broadcast %gt3A : f32 to vector<1024x256xf32>
    %gt3A_12 = arith.cmpf ogt, %add3A_10, %gt3A_11 : vector<1024x256xf32>
    %mul3A = arith.constant 1.000000e-01 : f32
    %mul3A_13 = vector.broadcast %mul3A : f32 to vector<1024x256xf32>
    %mul3A_14 = arith.mulf %mul3A_13, %add3A_10 : vector<1024x256xf32>
    %select_n3A = arith.select %gt3A_12, %add3A_10, %mul3A_14 : vector<1024x256xi1>, vector<1024x256xf32>
    %get3A_15 = arith.constant 0 : index
    %get3A_16 = arith.constant 0 : index
    %get3A_17 = vector.load %arg4[%get3A_15, %get3A_16] : memref<256x128xf32, #tpu.memory_space<vmem>>, vector<256x128xf32>
    %convert_element_type3A_18 = arith.truncf %select_n3A : vector<1024x256xf32> to vector<1024x256xbf16>
    %convert_element_type3A_19 = arith.truncf %get3A_17 : vector<256x128xf32> to vector<256x128xbf16>
    %dot_general3A_20 = arith.constant dense<0.000000e+00> : vector<1024x128xf32>
    %dot_general3A_21 = tpu.matmul %convert_element_type3A_18, %convert_element_type3A_19, %dot_general3A_20 {dimension_numbers = #tpu.dot_dimension_numbers<[1], [0], [0], [1], [0, 0, 1, 1], [], []>, transpose_lhs_hint = false} : vector<1024x256xbf16>, vector<256x128xbf16>, vector<1024x128xf32> -> vector<1024x128xf32>
    %get3A_22 = arith.constant 0 : index
    %get3A_23 = arith.constant 0 : index
    %get3A_24 = vector.load %arg5[%get3A_22, %get3A_23] : memref<1x128xf32, #tpu.memory_space<vmem>>, vector<1x128xf32>
    %add3A_25 = vector.broadcast %get3A_24 : vector<1x128xf32> to vector<1024x128xf32>
    %add3A_26 = arith.addf %dot_general3A_21, %add3A_25 : vector<1024x128xf32>
    %get3A_27 = arith.constant 0 : index
    %get3A_28 = arith.constant 0 : index
    %get3A_29 = vector.load %arg6[%get3A_27, %get3A_28] : memref<1x1xf32, #tpu.memory_space<vmem>>, vector<1x1xf32>
    %get3A_30 = vector.extract %get3A_29[0, 0] : f32 from vector<1x1xf32>
    %mul3A_31 = vector.broadcast %get3A_30 : f32 to vector<1024x128xf32>
    %mul3A_32 = arith.mulf %add3A_26, %mul3A_31 : vector<1024x128xf32>
    %slice3A = vector.extract_strided_slice %mul3A_32 {offsets = [0, 0], sizes = [1024, 64], strides = [1, 1]} : vector<1024x128xf32> to vector<1024x64xf32>
    %swap3A = arith.constant 0 : index
    %swap3A_33 = arith.constant 0 : index
    %swap3A_34 = vector.load %arg7[%swap3A, %swap3A_33] : memref<1024x64xf32, #tpu.memory_space<vmem>>, vector<1024x64xf32>
    tpu.vector_store %arg7[%swap3A, %swap3A_33], %slice3A {strides = array<i32>} : memref<1024x64xf32, #tpu.memory_space<vmem>>, vector<1024x64xf32>,
    %slice3A_35 = vector.extract_strided_slice %mul3A_32 {offsets = [0, 64], sizes = [1024, 64], strides = [1, 1]} : vector<1024x128xf32> to vector<1024x64xf32>
    %swap3A_36 = arith.constant 0 : index
    %swap3A_37 = arith.constant 0 : index
    %swap3A_38 = vector.load %arg8[%swap3A_36, %swap3A_37] : memref<1024x64xf32, #tpu.memory_space<vmem>>, vector<1024x64xf32>
    tpu.vector_store %arg8[%swap3A_36, %swap3A_37], %slice3A_35 {strides = array<i32>} : memref<1024x64xf32, #tpu.memory_space<vmem>>, vector<1024x64xf32>,
    return
  }
  func.func @transform_0(%arg0: i32) -> (i32, i32) {
    %c0_i32 = arith.constant 0 : i32
    %c0_i32_0 = arith.constant 0 : i32
    return %arg0, %c0_i32 : i32, i32
  }
  func.func @transform_1(%arg0: i32) -> (i32, i32) {
    %c0_i32 = arith.constant 0 : i32
    %c0_i32_0 = arith.constant 0 : i32
    %c0_i32_1 = arith.constant 0 : i32
    return %c0_i32, %c0_i32_0 : i32, i32
  }
  func.func @transform_2(%arg0: i32) -> (i32, i32) {
    %c0_i32 = arith.constant 0 : i32
    %c0_i32_0 = arith.constant 0 : i32
    %c0_i32_1 = arith.constant 0 : i32
    return %c0_i32, %c0_i32_0 : i32, i32
  }
  func.func @transform_3(%arg0: i32) -> (i32, i32) {
    %c0_i32 = arith.constant 0 : i32
    %c0_i32_0 = arith.constant 0 : i32
    %c0_i32_1 = arith.constant 0 : i32
    return %c0_i32, %c0_i32_0 : i32, i32
  }
  func.func @transform_4(%arg0: i32) -> (i32, i32) {
    %c0_i32 = arith.constant 0 : i32
    %c0_i32_0 = arith.constant 0 : i32
    %c0_i32_1 = arith.constant 0 : i32
    return %c0_i32, %c0_i32_0 : i32, i32
  }
  func.func @transform_5(%arg0: i32) -> (i32, i32) {
    %c0_i32 = arith.constant 0 : i32
    %c0_i32_0 = arith.constant 0 : i32
    %c0_i32_1 = arith.constant 0 : i32
    return %c0_i32, %c0_i32_0 : i32, i32
  }
  func.func @transform_6(%arg0: i32) -> (i32, i32) {
    %c0_i32 = arith.constant 0 : i32
    %c0_i32_0 = arith.constant 0 : i32
    return %arg0, %c0_i32 : i32, i32
  }
  func.func @transform_7(%arg0: i32) -> (i32, i32) {
    %c0_i32 = arith.constant 0 : i32
    %c0_i32_0 = arith.constant 0 : i32
    return %arg0, %c0_i32 : i32, i32
  }
}

module attributes {stable_mosaic.version = 14 : i64} {
  func.func @_edge_mlp_kernel(%arg0: i32, %arg1: memref<8000x32xf32, #tpu.memory_space<vmem>>, %arg2: memref<32x256xf32, #tpu.memory_space<vmem>>, %arg3: memref<1x256xf32, #tpu.memory_space<vmem>>, %arg4: memref<256x128xf32, #tpu.memory_space<vmem>>, %arg5: memref<256x128xf32, #tpu.memory_space<vmem>>, %arg6: memref<1x128xf32, #tpu.memory_space<vmem>>, %arg7: memref<1x128xf32, #tpu.memory_space<vmem>>, %arg8: memref<8000x128xf32, #tpu.memory_space<vmem>>, %arg9: memref<8000x128xf32, #tpu.memory_space<vmem>>) attributes {dimension_semantics = [#tpu.dimension_semantics<arbitrary>], iteration_bounds = array<i64: 20>, scalar_prefetch = 0 : i64, scratch_operands = 0 : i64, tpu.core_type = #tpu.core_type<tc>, window_params = [{transform_indices = @transform_0, window_bounds = array<i64: 8000, 32>}, {pipeline_mode = #tpu.pipeline_mode<synchronous>, transform_indices = @transform_1, window_bounds = array<i64: 32, 256>}, {pipeline_mode = #tpu.pipeline_mode<synchronous>, transform_indices = @transform_2, window_bounds = array<i64: 1, 256>}, {pipeline_mode = #tpu.pipeline_mode<synchronous>, transform_indices = @transform_3, window_bounds = array<i64: 256, 128>}, {pipeline_mode = #tpu.pipeline_mode<synchronous>, transform_indices = @transform_4, window_bounds = array<i64: 256, 128>}, {pipeline_mode = #tpu.pipeline_mode<synchronous>, transform_indices = @transform_5, window_bounds = array<i64: 1, 128>}, {pipeline_mode = #tpu.pipeline_mode<synchronous>, transform_indices = @transform_6, window_bounds = array<i64: 1, 128>}, {transform_indices = @transform_7, window_bounds = array<i64: 8000, 128>}, {transform_indices = @transform_8, window_bounds = array<i64: 8000, 128>}]} {
    %get3A = arith.constant 0 : index
    %get3A_0 = arith.constant 0 : index
    %get3A_1 = vector.load %arg1[%get3A, %get3A_0] : memref<8000x32xf32, #tpu.memory_space<vmem>>, vector<8000x32xf32>
    %get3A_2 = arith.constant 0 : index
    %get3A_3 = arith.constant 0 : index
    %get3A_4 = vector.load %arg2[%get3A_2, %get3A_3] : memref<32x256xf32, #tpu.memory_space<vmem>>, vector<32x256xf32>
    %convert_element_type3A = arith.truncf %get3A_1 : vector<8000x32xf32> to vector<8000x32xbf16>
    %convert_element_type3A_5 = arith.truncf %get3A_4 : vector<32x256xf32> to vector<32x256xbf16>
    %dot_general3A = arith.constant dense<0.000000e+00> : vector<8000x256xf32>
    %dot_general3A_6 = tpu.matmul %convert_element_type3A, %convert_element_type3A_5, %dot_general3A {dimension_numbers = #tpu.dot_dimension_numbers<[1], [0], [0], [1], [0, 0, 1, 1], [], []>, transpose_lhs_hint = false} : vector<8000x32xbf16>, vector<32x256xbf16>, vector<8000x256xf32> -> vector<8000x256xf32>
    %get3A_7 = arith.constant 0 : index
    %get3A_8 = arith.constant 0 : index
    %get3A_9 = vector.load %arg3[%get3A_7, %get3A_8] : memref<1x256xf32, #tpu.memory_space<vmem>>, vector<1x256xf32>
    %add3A = vector.broadcast %get3A_9 : vector<1x256xf32> to vector<8000x256xf32>
    %add3A_10 = arith.addf %dot_general3A_6, %add3A : vector<8000x256xf32>
    %gt3A = arith.constant 0.000000e+00 : f32
    %gt3A_11 = vector.broadcast %gt3A : f32 to vector<8000x256xf32>
    %gt3A_12 = arith.cmpf ogt, %add3A_10, %gt3A_11 : vector<8000x256xf32>
    %mul3A = arith.constant 1.000000e-01 : f32
    %mul3A_13 = vector.broadcast %mul3A : f32 to vector<8000x256xf32>
    %mul3A_14 = arith.mulf %mul3A_13, %add3A_10 : vector<8000x256xf32>
    %select_n3A = arith.select %gt3A_12, %add3A_10, %mul3A_14 : vector<8000x256xi1>, vector<8000x256xf32>
    %get3A_15 = arith.constant 0 : index
    %get3A_16 = arith.constant 0 : index
    %get3A_17 = vector.load %arg4[%get3A_15, %get3A_16] : memref<256x128xf32, #tpu.memory_space<vmem>>, vector<256x128xf32>
    %convert_element_type3A_18 = arith.truncf %select_n3A : vector<8000x256xf32> to vector<8000x256xbf16>
    %convert_element_type3A_19 = arith.truncf %get3A_17 : vector<256x128xf32> to vector<256x128xbf16>
    %dot_general3A_20 = arith.constant dense<0.000000e+00> : vector<8000x128xf32>
    %dot_general3A_21 = tpu.matmul %convert_element_type3A_18, %convert_element_type3A_19, %dot_general3A_20 {dimension_numbers = #tpu.dot_dimension_numbers<[1], [0], [0], [1], [0, 0, 1, 1], [], []>, transpose_lhs_hint = false} : vector<8000x256xbf16>, vector<256x128xbf16>, vector<8000x128xf32> -> vector<8000x128xf32>
    %get3A_22 = arith.constant 0 : index
    %get3A_23 = arith.constant 0 : index
    %get3A_24 = vector.load %arg6[%get3A_22, %get3A_23] : memref<1x128xf32, #tpu.memory_space<vmem>>, vector<1x128xf32>
    %add3A_25 = vector.broadcast %get3A_24 : vector<1x128xf32> to vector<8000x128xf32>
    %add3A_26 = arith.addf %dot_general3A_21, %add3A_25 : vector<8000x128xf32>
    %swap3A = arith.constant 0 : index
    %swap3A_27 = arith.constant 0 : index
    %swap3A_28 = vector.load %arg8[%swap3A, %swap3A_27] : memref<8000x128xf32, #tpu.memory_space<vmem>>, vector<8000x128xf32>
    tpu.vector_store %arg8[%swap3A, %swap3A_27], %add3A_26 {strides = array<i32>} : memref<8000x128xf32, #tpu.memory_space<vmem>>, vector<8000x128xf32>,
    %get3A_29 = arith.constant 0 : index
    %get3A_30 = arith.constant 0 : index
    %get3A_31 = vector.load %arg5[%get3A_29, %get3A_30] : memref<256x128xf32, #tpu.memory_space<vmem>>, vector<256x128xf32>
    %convert_element_type3A_32 = arith.truncf %select_n3A : vector<8000x256xf32> to vector<8000x256xbf16>
    %convert_element_type3A_33 = arith.truncf %get3A_31 : vector<256x128xf32> to vector<256x128xbf16>
    %dot_general3A_34 = arith.constant dense<0.000000e+00> : vector<8000x128xf32>
    %dot_general3A_35 = tpu.matmul %convert_element_type3A_32, %convert_element_type3A_33, %dot_general3A_34 {dimension_numbers = #tpu.dot_dimension_numbers<[1], [0], [0], [1], [0, 0, 1, 1], [], []>, transpose_lhs_hint = false} : vector<8000x256xbf16>, vector<256x128xbf16>, vector<8000x128xf32> -> vector<8000x128xf32>
    %get3A_36 = arith.constant 0 : index
    %get3A_37 = arith.constant 0 : index
    %get3A_38 = vector.load %arg7[%get3A_36, %get3A_37] : memref<1x128xf32, #tpu.memory_space<vmem>>, vector<1x128xf32>
    %add3A_39 = vector.broadcast %get3A_38 : vector<1x128xf32> to vector<8000x128xf32>
    %add3A_40 = arith.addf %dot_general3A_35, %add3A_39 : vector<8000x128xf32>
    %swap3A_41 = arith.constant 0 : index
    %swap3A_42 = arith.constant 0 : index
    %swap3A_43 = vector.load %arg9[%swap3A_41, %swap3A_42] : memref<8000x128xf32, #tpu.memory_space<vmem>>, vector<8000x128xf32>
    tpu.vector_store %arg9[%swap3A_41, %swap3A_42], %add3A_40 {strides = array<i32>} : memref<8000x128xf32, #tpu.memory_space<vmem>>, vector<8000x128xf32>,
    return
  }
  func.func @transform_0(%arg0: i32) -> (i32, i32) {
    %c0_i32 = arith.constant 0 : i32
    %c0_i32_0 = arith.constant 0 : i32
    return %arg0, %c0_i32 : i32, i32
  }
  func.func @transform_1(%arg0: i32) -> (i32, i32) {
    %c0_i32 = arith.constant 0 : i32
    %c0_i32_0 = arith.constant 0 : i32
    %c0_i32_1 = arith.constant 0 : i32
    return %c0_i32, %c0_i32_0 : i32, i32
  }
  func.func @transform_2(%arg0: i32) -> (i32, i32) {
    %c0_i32 = arith.constant 0 : i32
    %c0_i32_0 = arith.constant 0 : i32
    %c0_i32_1 = arith.constant 0 : i32
    return %c0_i32, %c0_i32_0 : i32, i32
  }
  func.func @transform_3(%arg0: i32) -> (i32, i32) {
    %c0_i32 = arith.constant 0 : i32
    %c0_i32_0 = arith.constant 0 : i32
    %c0_i32_1 = arith.constant 0 : i32
    return %c0_i32, %c0_i32_0 : i32, i32
  }
  func.func @transform_4(%arg0: i32) -> (i32, i32) {
    %c0_i32 = arith.constant 0 : i32
    %c0_i32_0 = arith.constant 0 : i32
    %c0_i32_1 = arith.constant 0 : i32
    return %c0_i32, %c0_i32_0 : i32, i32
  }
  func.func @transform_5(%arg0: i32) -> (i32, i32) {
    %c0_i32 = arith.constant 0 : i32
    %c0_i32_0 = arith.constant 0 : i32
    %c0_i32_1 = arith.constant 0 : i32
    return %c0_i32, %c0_i32_0 : i32, i32
  }
  func.func @transform_6(%arg0: i32) -> (i32, i32) {
    %c0_i32 = arith.constant 0 : i32
    %c0_i32_0 = arith.constant 0 : i32
    %c0_i32_1 = arith.constant 0 : i32
    return %c0_i32, %c0_i32_0 : i32, i32
  }
  func.func @transform_7(%arg0: i32) -> (i32, i32) {
    %c0_i32 = arith.constant 0 : i32
    %c0_i32_0 = arith.constant 0 : i32
    return %arg0, %c0_i32 : i32, i32
  }
  func.func @transform_8(%arg0: i32) -> (i32, i32) {
    %c0_i32 = arith.constant 0 : i32
    %c0_i32_0 = arith.constant 0 : i32
    return %arg0, %c0_i32 : i32, i32
  }
}

module attributes {stable_mosaic.version = 14 : i64} {
  func.func @_ln_kernel(%arg0: i32, %arg1: memref<1024x128xf32, #tpu.memory_space<vmem>>, %arg2: memref<1024x64xf32, #tpu.memory_space<vmem>>, %arg3: memref<1024x64xf32, #tpu.memory_space<vmem>>, %arg4: memref<1x1xf32, #tpu.memory_space<vmem>>, %arg5: memref<1x128xf32, #tpu.memory_space<vmem>>, %arg6: memref<1x128xf32, #tpu.memory_space<vmem>>, %arg7: memref<1024x128xf32, #tpu.memory_space<vmem>>) attributes {dimension_semantics = [#tpu.dimension_semantics<arbitrary>], iteration_bounds = array<i64: 10>, scalar_prefetch = 0 : i64, scratch_operands = 0 : i64, tpu.core_type = #tpu.core_type<tc>, window_params = [{transform_indices = @transform_0, window_bounds = array<i64: 1024, 128>}, {transform_indices = @transform_1, window_bounds = array<i64: 1024, 64>}, {transform_indices = @transform_2, window_bounds = array<i64: 1024, 64>}, {pipeline_mode = #tpu.pipeline_mode<synchronous>, transform_indices = @transform_3, window_bounds = array<i64: 1, 1>}, {pipeline_mode = #tpu.pipeline_mode<synchronous>, transform_indices = @transform_4, window_bounds = array<i64: 1, 128>}, {pipeline_mode = #tpu.pipeline_mode<synchronous>, transform_indices = @transform_5, window_bounds = array<i64: 1, 128>}, {transform_indices = @transform_6, window_bounds = array<i64: 1024, 128>}]} {
    %get3A = arith.constant 0 : index
    %get3A_0 = arith.constant 0 : index
    %get3A_1 = vector.load %arg2[%get3A, %get3A_0] : memref<1024x64xf32, #tpu.memory_space<vmem>>, vector<1024x64xf32>
    %get3A_2 = arith.constant 0 : index
    %get3A_3 = arith.constant 0 : index
    %get3A_4 = vector.load %arg3[%get3A_2, %get3A_3] : memref<1024x64xf32, #tpu.memory_space<vmem>>, vector<1024x64xf32>
    %concatenate3A = tpu.concatenate %get3A_1, %get3A_4 in 1 : vector<1024x64xf32>, vector<1024x64xf32> -> vector<1024x128xf32>
    %get3A_5 = arith.constant 0 : index
    %get3A_6 = arith.constant 0 : index
    %get3A_7 = vector.load %arg1[%get3A_5, %get3A_6] : memref<1024x128xf32, #tpu.memory_space<vmem>>, vector<1024x128xf32>
    %get3A_8 = arith.constant 0 : index
    %get3A_9 = arith.constant 0 : index
    %get3A_10 = vector.load %arg4[%get3A_8, %get3A_9] : memref<1x1xf32, #tpu.memory_space<vmem>>, vector<1x1xf32>
    %get3A_11 = vector.extract %get3A_10[0, 0] : f32 from vector<1x1xf32>
    %mul3A = vector.broadcast %get3A_11 : f32 to vector<1024x128xf32>
    %mul3A_12 = arith.mulf %concatenate3A, %mul3A : vector<1024x128xf32>
    %add3A = arith.addf %get3A_7, %mul3A_12 : vector<1024x128xf32>
    %reduce_sum3A = arith.constant dense<0.000000e+00> : vector<1024xf32>
    %reduce_sum3A_13 = vector.multi_reduction <add>, %add3A, %reduce_sum3A [1] : vector<1024x128xf32> to vector<1024xf32>
    %broadcast_in_dim3A = vector.shape_cast %reduce_sum3A_13 : vector<1024xf32> to vector<1024x1xf32>
    %div3A = arith.constant 1.280000e+02 : f32
    %div3A_14 = vector.broadcast %div3A : f32 to vector<1024x1xf32>
    %div3A_15 = arith.divf %broadcast_in_dim3A, %div3A_14 : vector<1024x1xf32>
    %sub3A = vector.broadcast %div3A_15 : vector<1024x1xf32> to vector<1024x128xf32>
    %sub3A_16 = arith.subf %add3A, %sub3A : vector<1024x128xf32>
    %mul3A_17 = arith.mulf %sub3A_16, %sub3A_16 : vector<1024x128xf32>
    %reduce_sum3A_18 = arith.constant dense<0.000000e+00> : vector<1024xf32>
    %reduce_sum3A_19 = vector.multi_reduction <add>, %mul3A_17, %reduce_sum3A_18 [1] : vector<1024x128xf32> to vector<1024xf32>
    %broadcast_in_dim3A_20 = vector.shape_cast %reduce_sum3A_19 : vector<1024xf32> to vector<1024x1xf32>
    %div3A_21 = arith.constant 1.280000e+02 : f32
    %div3A_22 = vector.broadcast %div3A_21 : f32 to vector<1024x1xf32>
    %div3A_23 = arith.divf %broadcast_in_dim3A_20, %div3A_22 : vector<1024x1xf32>
    %add3A_24 = arith.constant 9.99999974E-6 : f32
    %add3A_25 = vector.broadcast %add3A_24 : f32 to vector<1024x1xf32>
    %add3A_26 = arith.addf %div3A_23, %add3A_25 : vector<1024x1xf32>
    %rsqrt3A = math.rsqrt %add3A_26 : vector<1024x1xf32>
    %mul3A_27 = vector.broadcast %rsqrt3A : vector<1024x1xf32> to vector<1024x128xf32>
    %mul3A_28 = arith.mulf %sub3A_16, %mul3A_27 : vector<1024x128xf32>
    %get3A_29 = arith.constant 0 : index
    %get3A_30 = arith.constant 0 : index
    %get3A_31 = vector.load %arg5[%get3A_29, %get3A_30] : memref<1x128xf32, #tpu.memory_space<vmem>>, vector<1x128xf32>
    %mul3A_32 = vector.broadcast %get3A_31 : vector<1x128xf32> to vector<1024x128xf32>
    %mul3A_33 = arith.mulf %mul3A_28, %mul3A_32 : vector<1024x128xf32>
    %get3A_34 = arith.constant 0 : index
    %get3A_35 = arith.constant 0 : index
    %get3A_36 = vector.load %arg6[%get3A_34, %get3A_35] : memref<1x128xf32, #tpu.memory_space<vmem>>, vector<1x128xf32>
    %add3A_37 = vector.broadcast %get3A_36 : vector<1x128xf32> to vector<1024x128xf32>
    %add3A_38 = arith.addf %mul3A_33, %add3A_37 : vector<1024x128xf32>
    %swap3A = arith.constant 0 : index
    %swap3A_39 = arith.constant 0 : index
    %swap3A_40 = vector.load %arg7[%swap3A, %swap3A_39] : memref<1024x128xf32, #tpu.memory_space<vmem>>, vector<1024x128xf32>
    tpu.vector_store %arg7[%swap3A, %swap3A_39], %add3A_38 {strides = array<i32>} : memref<1024x128xf32, #tpu.memory_space<vmem>>, vector<1024x128xf32>,
    return
  }
  func.func @transform_0(%arg0: i32) -> (i32, i32) {
    %c0_i32 = arith.constant 0 : i32
    %c0_i32_0 = arith.constant 0 : i32
    return %arg0, %c0_i32 : i32, i32
  }
  func.func @transform_1(%arg0: i32) -> (i32, i32) {
    %c0_i32 = arith.constant 0 : i32
    %c0_i32_0 = arith.constant 0 : i32
    return %arg0, %c0_i32 : i32, i32
  }
  func.func @transform_2(%arg0: i32) -> (i32, i32) {
    %c0_i32 = arith.constant 0 : i32
    %c0_i32_0 = arith.constant 0 : i32
    return %arg0, %c0_i32 : i32, i32
  }
  func.func @transform_3(%arg0: i32) -> (i32, i32) {
    %c0_i32 = arith.constant 0 : i32
    %c0_i32_0 = arith.constant 0 : i32
    %c0_i32_1 = arith.constant 0 : i32
    return %c0_i32, %c0_i32_0 : i32, i32
  }
  func.func @transform_4(%arg0: i32) -> (i32, i32) {
    %c0_i32 = arith.constant 0 : i32
    %c0_i32_0 = arith.constant 0 : i32
    %c0_i32_1 = arith.constant 0 : i32
    return %c0_i32, %c0_i32_0 : i32, i32
  }
  func.func @transform_5(%arg0: i32) -> (i32, i32) {
    %c0_i32 = arith.constant 0 : i32
    %c0_i32_0 = arith.constant 0 : i32
    %c0_i32_1 = arith.constant 0 : i32
    return %c0_i32, %c0_i32_0 : i32, i32
  }
  func.func @transform_6(%arg0: i32) -> (i32, i32) {
    %c0_i32 = arith.constant 0 : i32
    %c0_i32_0 = arith.constant 0 : i32
    return %arg0, %c0_i32 : i32, i32
  }
}

</mosaic_0001>

<sc_bundles>
// kernel: kernel.6.cloned.1.call-start
scs
__scs_entry_jumppad:
0x0: {  	(pc) =	sbr.rel $0x88, $3  }
0x1: {  	(tag) =	ssettag $0x0;
	lr =	simm.s32 $0x1  }
0x2: {  	[smem:$0x3F92] =	sst lr;
	_ =	strace $0xD0000000  }
0x3: {  	_ = 	snop  }
0x4: {  	_ = 	snop  }
0x5: {  	_ = 	snop  }
0x6: {  	_ = 	snop  }
0x7: {  	_ = 	snop  }
__scs_overlays_trampoline_lowered:
0x8: {  	[smem:$0x3FA1] =	sst s0  }
0x9: {  	[smem:$0x3FA2] =	sst s1  }
0xa: {  	[smem:$0x3FA3] =	sst s2  }
0xb: {  	[smem:$0x3FA4] =	sst s3  }
0xc: {  	[smem:$0x3FA5] =	sst s4  }
0xd: {  	[smem:$0x3FA6] =	sst s5  }
0xe: {  	[smem:$0x3FA7] =	sst s6  }
0xf: {  	[smem:$0x3FA8] =	sst s7  }
0x10: {  	[smem:$0x3FA9] =	sst s8  }
0x11: {  	[smem:$0x3FAA] =	sst s9;
	s0 =	simm.s32 @!p0 $0x0  }
0x12: {  	s1 =	sld [smem:$0x3F90];
	s0 =	simm.s32 @p0 $0x1  }
0x13: {  	[smem:$0x3FAB] =	sst s0;
	s0 =	simm.s32 @!p1 $0x0  }
0x14: {  	s2 =	sld [smem:$0x3F8F];
	s0 =	simm.s32 @p1 $0x1  }
0x15: {  	[smem:$0x3FAC] =	sst s0;
	s0 =	simm.s32 @!p2 $0x0  }
0x16: {  	s3 =	sld [smem:$0x3FDB];
	s0 =	simm.s32 @p2 $0x1  }
0x17: {  	s4 =	simm.s32 $0x1BF5;
	[smem:$0x3FAE] =	sst s0  }
0x18: {  	s0 =	sld [smem:$0x3F91];
	_ =	swait.ge [sflag:s4], $0x0  }
0x19: {  	s7 =	sld [smem:$0x3F92]  }
0x1a: {  	s8 =	sadd.s32 $0xFFFFE003, lr  }
0x1b: {  	s9 =	sadd.s32 $0xFFFFFEF7, lr;
	s5 =	simm.s32 $0xFFFFFFFF;
	p2 =	slt.u32 s8, $0xFFFFF086  }
0x1c: {  	p1 =	slt.u32 s9, $0xF7A;
	s5 =	simm.s32 @!p2 $0x0  }
0x1d: {  	s5 =	simm.s32 @p1 $0x1;
	p0 =	seq.s32 s7, s2  }
0x1e: {  	s7 =	smul.u32 @!p0 $0xF7A, s2;
	p2 =	seq.s32 @!p0 s5, $0x0  }
0x1f: {  	s9 =	smul.u32 $0xF7A, s1;
	s8 =	simm.s32 @!p0 $0x1BF5;
	p2 =	por !p2, p0  }
0x20: {  	[sflag:s8] =	ssyncset.s32 @!p0 $0xFFFFF086;
	s6 =	sadd.s32 @!p0 s3, s7;
	s7 =	simm.s32 @!p0 $0x108  }
0x21: {  	s3 =	sadd.s32 s3, s9;
	s6 =	sadd.s32 @!p0 $0x88, s6;
	s7 =	simm.s32 @p2 $0x1082  }
0x22: {  	[simem:s7], [sflag:s8] =	dma.local @!p0 [hbm:s6], $0xF7A  }
0x23: {  	s9 =	sor.u32 $0xD0000000, s2;
	s6 =	simm.s32 $0x108;
	_ =	swait.ge @!p0 [sflag:s8], $0x0  }
0x24: {  	s3 =	sadd.s32 $0x88, s3;
	s6 =	simm.s32 @!p1 $0x1082;
	[sflag:s4] =	ssyncset.s32 $0xFFFFF086  }
0x25: {  	[simem:s6], [sflag:s4] =	dma.local [hbm:s3], $0xF7A  }
0x26: {  	[smem:$0x3F92] =	sst s1;
	(tag) =	ssettag s2;
	_ =	strace s9  }
0x27: {  	s1 =	sld [smem:$0x3FA2]  }
0x28: {  	s2 =	sld [smem:$0x3FA3]  }
0x29: {  	s4 =	sld [smem:$0x3FA5]  }
0x2a: {  	p0 =	seq.s32 s5, $0x0;
	s5 =	sld [smem:$0x3FA6]  }
0x2b: {  	s6 =	sld [smem:$0x3FA7]  }
0x2c: {  	s7 =	sld [smem:$0x3FA8]  }
0x2d: {  	s3 =	simm.s32 $0x108;
	s8 =	sld [smem:$0x3FA9]  }
0x2e: {  	s3 =	simm.s32 @!p0 $0x1082;
	s9 =	sld [smem:$0x3FAA]  }
0x2f: {  	lr =	sadd.s32 s0, s3;
	s0 =	sld [smem:$0x3FA1]  }
0x30: {  	s3 =	sld [smem:$0x3FA4]  }
0x31: {  	[smem:$0x3FAD] =	sst s10  }
0x32: {  	s10 =	sld [smem:$0x3FAB];
	_ =	sdelay $0x3  }
0x33: {  	p0 =	seq.s32 s10, $0x1;
	s10 =	sld [smem:$0x3FAD];
	_ =	sdelay $0x3  }
0x34: {  	[smem:$0x3FAD] =	sst s10  }
0x35: {  	s10 =	sld [smem:$0x3FAC];
	_ =	sdelay $0x3  }
0x36: {  	p1 =	seq.s32 s10, $0x1;
	s10 =	sld [smem:$0x3FAD];
	_ =	sdelay $0x3  }
0x37: {  	[smem:$0x3FAD] =	sst s10  }
0x38: {  	s10 =	sld [smem:$0x3FAE]  }
0x39: {  	_ = 	snop;
	(pc) =	sbr.ind lr, $3  }
0x3a: {  	_ = 	snop  }
0x3b: {  	_ = 	snop  }
0x3c: {  	p2 =	seq.s32 s10, $0x1;
	s10 =	sld [smem:$0x3FAD]  }
0x3d: {  	_ =	shalt  }
0x3e: {  	_ =	shalt  }
0x3f: {  	_ =	shalt  }
0x40: {  	_ =	shalt  }
0x41: {  	_ =	shalt  }
0x42: {  	_ =	shalt  }
0x43: {  	_ =	shalt  }
0x44: {  	_ =	shalt  }
0x45: {  	_ =	shalt  }
0x46: {  	_ =	shalt  }
0x47: {  	_ =	shalt  }
0x48: {  	_ =	shalt  }
0x49: {  	_ =	shalt  }
0x4a: {  	_ =	shalt  }
0x4b: {  	_ =	shalt  }
0x4c: {  	_ =	shalt  }
0x4d: {  	_ =	shalt  }
0x4e: {  	_ =	shalt  }
0x4f: {  	_ =	shalt  }
0x50: {  	_ =	shalt  }
0x51: {  	_ =	shalt  }
0x52: {  	_ =	shalt  }
0x53: {  	_ =	shalt  }
0x54: {  	_ =	shalt  }
0x55: {  	_ =	shalt  }
0x56: {  	_ =	shalt  }
0x57: {  	_ =	shalt  }
0x58: {  	_ =	shalt  }
0x59: {  	_ =	shalt  }
0x5a: {  	_ =	shalt  }
0x5b: {  	_ =	shalt  }
0x5c: {  	_ =	shalt  }
0x5d: {  	_ =	shalt  }
0x5e: {  	_ =	shalt  }
0x5f: {  	_ =	shalt  }
0x60: {  	_ =	shalt  }
0x61: {  	_ =	shalt  }
0x62: {  	_ =	shalt  }
0x63: {  	_ =	shalt  }
0x64: {  	_ =	shalt  }
0x65: {  	_ =	shalt  }
0x66: {  	_ =	shalt  }
0x67: {  	_ =	shalt  }
0x68: {  	_ =	shalt  }
0x69: {  	_ =	shalt  }
0x6a: {  	_ =	shalt  }
0x6b: {  	_ =	shalt  }
0x6c: {  	_ =	shalt  }
0x6d: {  	_ =	shalt  }
0x6e: {  	_ =	shalt  }
0x6f: {  	_ =	shalt  }
0x70: {  	_ =	shalt  }
0x71: {  	_ =	shalt  }
0x72: {  	_ =	shalt  }
0x73: {  	_ =	shalt  }
0x74: {  	_ =	shalt  }
0x75: {  	_ =	shalt  }
0x76: {  	_ =	shalt  }
0x77: {  	_ =	shalt  }
0x78: {  	_ =	shalt  }
0x79: {  	_ =	shalt  }
0x7a: {  	_ =	shalt  }
0x7b: {  	_ =	shalt  }
0x7c: {  	_ =	shalt  }
0x7d: {  	_ =	shalt  }
0x7e: {  	_ =	shalt  }
0x7f: {  	_ =	shalt  }
0x80: {  	_ =	shalt  }
0x81: {  	_ =	shalt  }
0x82: {  	_ =	shalt  }
0x83: {  	_ =	shalt  }
0x84: {  	_ =	shalt  }
0x85: {  	_ =	shalt  }
0x86: {  	_ =	shalt  }
0x87: {  	_ =	shalt  }
.Lfunc_end0:
.L_simem_size_0:
called_computation_lowered:
.L_overlay_start_0:
0x88: {  	s2 =	sld [smem:$0x3FD9]  }
0x89: {  	s3 =	sld [smem:$0x3FFE];
	_ =	sdelay $0x1  }
0x8a: {  	s1 =	srdreg.scid  }
0x8b: {  	s0 =	sand.u32 $0x1, s1  }
0x8c: {  	s17 =	sshll.u32 s0, $0xA;
	s2 =	sadd.s32 s3, s2  }
0x8d: {  	s2 =	sadd.s32 s2, s17  }
0x8e: {  	[smem:$0x3FB9] =	sst s2  }
0x8f: {  	_ = 	snop  }
0x90: {  	s2 =	sld [smem:$0x3FC8]  }
0x91: {  	s18 =	sld [smem:$0x3FD0];
	(tm) =	ssettm $0x1  }
0x92: {  	s4 =	sld [smem:$0x3FFB];
	_ =	sdelay $0x3  }
0x93: {  	_ =	strace s4  }
0x94: {  	s4 =	sld [smem:$0x3FFC];
	_ =	sdelay $0x3  }
0x95: {  	_ =	strace s4  }
0x96: {  	s4 =	sld [smem:$0x3FFD];
	_ =	sdelay $0x3  }
0x97: {  	_ =	strace s4  }
0x98: {  	_ =	strace $0x8FFFFFFF  }
0x99: {  	s19 =	sld [smem:$0x3FDB];
	_ =	sdelay $0x1  }
0x9a: {  	s5 =	simm.s32 $_scs_section_size  }
0x9b: {  	s6 =	simm.s32 $_size__tile_overlayer_lowered;
	s7 =	simm.s32 $_tile_overlayer_lowered  }
0x9c: {  	s22 =	simm.s32 $0x1BFF;
	s21 =	sshll.u32 s7, $0x1;
	s4 =	sadd.s32 s5, s19  }
0x9d: {  	s8 =	simm.s32 $0x0;
	s20 =	sshll.u32 s6, $0x1;
	s6 =	sadd.s32 s21, s4  }
0x9e: {  	[timem:s8], [sflag:s22] =	dma.local [hbm:s6], s20  }
0x9f: {  	_ =	swait.ge [sflag:s22], s20  }
0xa0: {  	s5 =	ssub.s32 $0x0, s20;
	[sflag:s22] =	ssyncset.done $0x0  }
0xa1: {  	[sflag:s22] =	ssyncadd.s32 s5;
	_ =	sdelay $0x1  }
0xa2: {  	s23 =	simm.s32 $0x1B8B  }
0xa3: {  	_ =	swait.ge [sflag:s23], $0x1  }
0xa4: {  	[sflag:s23] =	ssyncset.done $0x0  }
0xa5: {  	s25 =	simm.s32 $0x1B8E;
	s24 =	sld [smem:$0x3FFE];
	[sflag:s23] =	ssyncadd.s32 $0xFFFFFFFF  }
0xa6: {  	s26 =	simm.s32 $execute0_lowered;
	[smem:$0x3FD2] =	sst s25  }
0xa7: {  	s6 =	sshll.u32 s26, $0x1;
	_ =	strace $0x80000046;
	[dreg:$0x1] =	wrdreg $0xFFFFFFFF  }
0xa8: {  	s28 =	simm.s32 $_size_execute0_lowered;
	s4 =	sadd.s32 s4, s6;
	[dreg:$0x0] =	wrdreg $0x0  }
0xa9: {  	s6 =	sshll.u32 s28, $0x1;
	[dreg:$0x2] =	wrdreg s4  }
0xaa: {  	[dreg:$0x3] =	wrdreg s6  }
0xab: {  	[dreg:$0x4] =	wrdreg $0xC0  }
0xac: {  	_ =	task [dreg:s8], $0x5FFFF  }
0xad: {  	[dreg:$0x1] =	wrdreg $0xFFFFFFFF  }
0xae: {  	[dreg:$0x0] =	wrdreg $0x60  }
0xaf: {  	[dreg:$0x2] =	wrdreg s18  }
0xb0: {  	[dreg:$0x3] =	wrdreg s24  }
0xb1: {  	[dreg:$0x4] =	wrdreg s2  }
0xb2: {  	[dreg:$0x5] =	wrdreg $0xA2000  }
0xb3: {  	[dreg:$0x6] =	wrdreg $0x9  }
0xb4: {  	_ =	task.clear_ibuf [dreg:s8], $0x7FFFF;
	_ =	strace $0x90000046  }
0xb5: {  	s29 =	simm.s32 $0x9;
	_ =	strace $0x80000048  }
0xb6: {  	_ =	swait.ge [sflag:s29], $0x1  }
0xb7: {  	[sflag:s29] =	ssyncadd.s32 $0xFFFFFFFF  }
0xb8: {  	_ =	strace $0x90000048  }
0xb9: {  	_ =	sfence  }
0xba: {  	s30 =	sld [smem:$0x0];
	_ =	sdelay $0x2  }
0xbb: {  	s31 =	sshll.u32 s1, $0xD;
	s1 =	sshrl.u32 s1, $0x2  }
0xbc: {  	s3 =	sand.u32 $0x4000, s31;
	s1 =	sadd.s32 s1, s30  }
0xbd: {  	s0 =	sor.u32 s3, s0;
	s1 =	sshll.u32 s1, $0x11  }
0xbe: {  	s0 =	sor.u32 s1, s0  }
0xbf: {  	s0 =	sadd.s32 $0x8F2B, s0  }
0xc0: {  	[sflag:s0] =	ssyncadd.remote.s32 $0x1  }
0xc1: {  	_ =	sfence.sel $0xFFFF  }
0xc2: {  	[dreg:$0x0] =	wrdreg $0xFFFFFFFF;
	(pc) =	sbr.abs _section_cstart, $3  }
0xc3: {  	[dreg:$0x1] =	wrdreg $0xFFFFFFFF  }
0xc4: {  	_ =	task.clear_ibuf [dreg:s8], $0x2FFFF;
	_ =	strace $0x9FFFFFFF  }
0xc5: {  	(tm) =	ssettm $0x7FFFFFFF  }
tec
execute0_lowered:
.L_overlay_start_1:
0x0: {  	(tag) =	ssettag $0x1  }
0x1: {  	s1 =	rddreg [dreg:$0x0]  }
0x2: {  	s0 =	rddreg [dreg:$0x1]  }
0x3: {  	s8 =	rddreg [dreg:$0x2]  }
0x4: {  	s2 =	rddreg [dreg:$0x3]  }
0x5: {  	s3 =	simm.s32 $0x0;
	s7 =	srdreg.scid;
	s4 =	stileid.u32  }
0x6: {  	[smem:$0x7FF] =	sst s3;
	s5 =	sadd.s32 $0x2BC00, s0;
	s6 =	sadd.s32 $0x3FC00, s0  }
0x7: {  	s9 =	sand.u32 $0x1, s7;
	s7 =	sadd.s32 $0x756C00, s0;
	s11 =	smul.u32 $0x28000, s4  }
0x8: {  	s12 =	sadd.s32 $0x2C4C00, s0;
	s16 =	sadd.s32 $0x2B0C00, s0;
	s19 =	sshll.u32 s4, $0x5  }
0x9: {  	s20 =	sshll.u32 s4, $0xA;
	s14 =	sadd.s32 $0x400, s8;
	s15 =	sadd.s32 $0x75EC00, s0  }
0xa: {  	s22 =	smul.u32 $0xA000, s4;
	_ =	strace $0x80000047;
	[dreg:$0x5] =	wrdreg s12  }
0xb: {  	s10 =	ssub.s32 $0x2, s9;
	[dreg:$0x6] =	wrdreg s16;
	s13 =	sadd.s32 s8, s19  }
0xc: {  	s21 =	sadd.s32 s7, s20;
	s16 =	sadd.s32 $0x600, s8;
	[dreg:$0x7] =	wrdreg s13  }
0xd: {  	p0 =	sne.s32 s9, $0x0;
	s13 =	sadd.s32 $0x200, s13;
	[dreg:$0x9] =	wrdreg s21  }
0xe: {  	s18 =	sshrl.u32 s11, $0x2;
	s11 =	sadd.s32 s6, s20;
	[dreg:$0x8] =	wrdreg s13  }
0xf: {  	s17 =	sshrl.u32 s10, $0x1;
	s8 =	sshrl.u32 s22, $0x3;
	[dreg:$0xa] =	wrdreg s11  }
0x10: {  	s24 =	sadd.s32 $0x8000, s22;
	s25 =	sadd.s32 $0x6000, s22;
	[dreg:$0x10] =	wrdreg s8  }
0x11: {  	s26 =	sadd.s32 $0x4000, s22;
	s9 =	sadd.s32 s22, s2;
	[dreg:$0xc] =	wrdreg s24  }
0x12: {  	s12 =	ssub.s32 s10, s17;
	s10 =	sadd.s32 s18, s2;
	[dreg:$0xd] =	wrdreg s25  }
0x13: {  	s18 =	sadd.s32 $0x47C00, s0;
	s0 =	sshrl.u32 s9, $0x3;
	[dreg:$0xe] =	wrdreg s26  }
0x14: {  	s17 =	sadd.s32 $0x2000, s22;
	[dreg:$0x11] =	wrdreg s0  }
0x15: {  	s28 =	simm.s32 $0x4;
	s23 =	smax.u32 s12, $0x1;
	[dreg:$0xf] =	wrdreg s17  }
0x16: {  	s29 =	simm.s32 $0x6;
	s19 =	sadd.s32 $0x2000, s10;
	[dreg:$0xb] =	wrdreg s23  }
0x17: {  	s30 =	simm.s32 $0x180;
	s20 =	sadd.s32 $0x4000, s10;
	[dreg:$0x12] =	wrdreg s19  }
0x18: {  	s31 =	simm.s32 $0x2200;
	s21 =	sadd.s32 $0x6000, s10;
	[dreg:$0x13] =	wrdreg s20  }
0x19: {  	s13 =	simm.s32 $0x8200;
	s22 =	sadd.s32 $0x8000, s10;
	[dreg:$0x14] =	wrdreg s21  }
0x1a: {  	s11 =	simm.s32 $0x5;
	[dreg:$0x15] =	wrdreg s22;
	s23 =	sshrl.u32 s24, $0x3  }
.Ltmp0:
0x1b: {  	s24 =	sshrl.u32 s25, $0x3;
	[dreg:$0x16] =	wrdreg s23;
	(pc) =	sbr.rel .LBB2_1-.Ltmp0, $4  }
0x1c: {  	s12 =	simm.s32 $0x1;
	s25 =	sshrl.u32 s26, $0x3;
	[dreg:$0x17] =	wrdreg s24  }
0x1d: {  	s0 =	simm.s32 $0x0;
	s26 =	sshrl.u32 s17, $0x3;
	[dreg:$0x18] =	wrdreg s25  }
0x1e: {  	s17 =	simm.s32 $0x7;
	s19 =	simm.s32 $0x80;
	[dreg:$0x19] =	wrdreg s26  }
0x1f: {  	v0 =	vimm.f32 $0.0e+00;
	s24 =	simm.s32 $0x200;
	s25 =	simm.s32 $0x4200;
	s26 =	simm.s32 $0x3  }
.LBB2_27:
0x20: {  	s8 =	rddreg [dreg:$0x6]  }
.LBB2_28:
0x21: {  	s9 =	sshll.u32 s4, $0x6;
	s20 =	rddreg [dreg:$0x10];
	[bflag:$0x0] =	sbarrier.arrive $0xFFFF  }
0x22: {  	s20 =	sadd.s32 s8, s20;
	s9 =	sor.u32 $0x1C07, s9;
	s21 =	rddreg [dreg:$0x11]  }
0x23: {  	[hbm:s20], [sflag:s9] =	dma.local [spmem:s21], $0x400  }
0x24: {  	_ =	swait.ge [sflag:s17], $0x400  }
0x25: {  	s22 =	rddreg [dreg:$0xf]  }
0x26: {  	[sflag:s17] =	ssyncset.done $0x0;
	s23 =	rddreg [dreg:$0x19];
	s20 =	sadd.s32 s22, s2  }
0x27: {  	s21 =	sadd.s32 s8, s23;
	[sflag:s17] =	ssyncadd.s32 $0xFFFFFC00;
	s20 =	sshrl.u32 s20, $0x3  }
0x28: {  	[hbm:s21], [sflag:s9] =	dma.local [spmem:s20], $0x400  }
0x29: {  	_ =	swait.ge [sflag:s17], $0x400  }
0x2a: {  	s22 =	rddreg [dreg:$0xe]  }
0x2b: {  	[sflag:s17] =	ssyncset.done $0x0;
	s23 =	rddreg [dreg:$0x18];
	s20 =	sadd.s32 s22, s2  }
0x2c: {  	s21 =	sadd.s32 s8, s23;
	[sflag:s17] =	ssyncadd.s32 $0xFFFFFC00;
	s20 =	sshrl.u32 s20, $0x3  }
0x2d: {  	[hbm:s21], [sflag:s9] =	dma.local [spmem:s20], $0x400  }
0x2e: {  	_ =	swait.ge [sflag:s17], $0x400  }
0x2f: {  	s22 =	rddreg [dreg:$0xd]  }
0x30: {  	[sflag:s17] =	ssyncset.done $0x0;
	s23 =	rddreg [dreg:$0x17];
	s20 =	sadd.s32 s22, s2  }
0x31: {  	s21 =	sadd.s32 s8, s23;
	[sflag:s17] =	ssyncadd.s32 $0xFFFFFC00;
	s20 =	sshrl.u32 s20, $0x3  }
0x32: {  	[hbm:s21], [sflag:s9] =	dma.local [spmem:s20], $0x400  }
0x33: {  	_ =	swait.ge [sflag:s17], $0x400  }
0x34: {  	s22 =	rddreg [dreg:$0xc]  }
0x35: {  	[sflag:s17] =	ssyncset.done $0x0;
	s23 =	rddreg [dreg:$0x16];
	s20 =	sadd.s32 s22, s2  }
0x36: {  	s22 =	sadd.s32 s8, s23;
	[sflag:s17] =	ssyncadd.s32 $0xFFFFFC00;
	s20 =	sshrl.u32 s20, $0x3  }
0x37: {  	[hbm:s22], [sflag:s9] =	dma.local [spmem:s20], $0x400  }
0x38: {  	_ =	swait.ge [sflag:s17], $0x400  }
0x39: {  	s0 =	sadd.s32 $0x1, s0;
	s23 =	rddreg [dreg:$0xb]  }
0x3a: {  	p1 =	sne.s32 s0, s23  }
.Ltmp1:
0x3b: {  	_ = 	snop;
	(pc) =	sbr.rel @!p1 .LBB2_29-.Ltmp1, $3  }
0x3c: {  	_ =	sdelay $0x1  }
0x3d: {  	[sflag:s17] =	ssyncset.done $0x0  }
0x3e: {  	[sflag:s17] =	ssyncadd.s32 $0xFFFFFC00  }
.LBB2_1:
0x3f: {  	s9 =	simm.s32 $0x100;
	s8 =	simm.s32 $0x0  }
.LBB2_2:
0x40: {  	p1 =	sne.s32 s9, $0x7F00;
	[tilespmem:s8+$0x8230] =	vst v0;
	s20 =	smov.u32 s9;
	s9 =	sadd.s32 $0x100, s9  }
.Ltmp2:
0x41: {  	[tilespmem:s8+$0x8220] =	vst v0;
	(pc) =	sbr.rel @p1 .LBB2_2-.Ltmp2, $3  }
0x42: {  	[tilespmem:s8+$0x8200] =	vst v0  }
0x43: {  	[tilespmem:s8+$0x8210] =	vst v0;
	_ =	sdelay $0x1  }
0x44: {  	s8 =	sshra.s32 s20, $0x2  }
0x45: {  	[tilespmem:s8+$0x8230] =	vst v0  }
0x46: {  	[tilespmem:s8+$0x8220] =	vst v0  }
0x47: {  	[tilespmem:s8+$0x8200] =	vst v0  }
0x48: {  	[tilespmem:s8+$0x8210] =	vst v0  }
0x49: {  	[spmem:s10] =	stream.linear.scatter [tilespmem:s13], [sflag:$0x7], $0x2000, $0x38;
	[tilespmem:$0x14200] =	vst v63  }
0x4a: {  	_ =	swait.ge [sflag:s17], $0x2000  }
0x4b: {  	[sflag:s17] =	ssyncset.done $0x0  }
0x4c: {  	s23 =	rddreg [dreg:$0x12];
	[sflag:s17] =	ssyncadd.s32 $0xFFFFE000  }
0x4d: {  	[spmem:s23] =	stream.linear.scatter [tilespmem:s13], [sflag:$0x7], $0x2000, $0x38;
	[tilespmem:$0x14200] =	vst v63  }
0x4e: {  	_ =	swait.ge [sflag:s17], $0x2000  }
0x4f: {  	[sflag:s17] =	ssyncset.done $0x0  }
0x50: {  	s9 =	rddreg [dreg:$0x13];
	[sflag:s17] =	ssyncadd.s32 $0xFFFFE000  }
0x51: {  	[spmem:s9] =	stream.linear.scatter [tilespmem:s13], [sflag:$0x7], $0x2000, $0x38;
	[tilespmem:$0x14200] =	vst v63  }
0x52: {  	_ =	swait.ge [sflag:s17], $0x2000  }
0x53: {  	[sflag:s17] =	ssyncset.done $0x0  }
0x54: {  	s20 =	rddreg [dreg:$0x14];
	[sflag:s17] =	ssyncadd.s32 $0xFFFFE000  }
0x55: {  	[spmem:s20] =	stream.linear.scatter [tilespmem:s13], [sflag:$0x7], $0x2000, $0x38;
	[tilespmem:$0x14200] =	vst v63  }
0x56: {  	_ =	swait.ge [sflag:s17], $0x2000  }
0x57: {  	[sflag:s17] =	ssyncset.done $0x0  }
0x58: {  	s21 =	rddreg [dreg:$0x15];
	[sflag:s17] =	ssyncadd.s32 $0xFFFFE000  }
0x59: {  	[spmem:s21] =	stream.linear.scatter [tilespmem:s13], [sflag:$0x7], $0x2000, $0x38;
	[tilespmem:$0x14200] =	vst v63  }
0x5a: {  	_ =	swait.ge [sflag:s17], $0x2000  }
0x5b: {  	[sflag:s17] =	ssyncset.done $0x0  }
0x5c: {  	[sflag:s17] =	ssyncadd.s32 $0xFFFFE000  }
0x5d: {  	[bflag:$0x0] =	sbarrier.arrive $0xFFFF  }
0x5e: {  	s22 =	rddreg [dreg:$0x7]  }
0x5f: {  	[tilespmem:s3], [sflag:$0x1] =	stream.linear.gather [hbm4b:s22+s3], $0x100, $0x38;
	[tilespmem:$0x14200] =	vst v63  }
.Ltmp3:
0x60: {  	s9 =	simm.s32 $0x100;
	s23 =	rddreg [dreg:$0x8];
	(pc) =	sbr.rel @p0 .LBB2_16-.Ltmp3, $4  }
0x61: {  	[tilespmem:s9], [sflag:$0x2] =	stream.linear.gather [hbm4b:s23+s3], $0x100, $0x38;
	[tilespmem:$0x14200] =	vst v63  }
0x62: {  	_ =	swait.ge [sflag:s12], $0x100  }
0x63: {  	[sflag:s12] =	ssyncset.done $0x0  }
0x64: {  	s8 =	simm.s32 $0x0;
	[sflag:s12] =	ssyncadd.s32 $0xFFFFFF00  }
.Ltmp4:
0x65: {  	(pc) =	sbr.rel .LBB2_5-.Ltmp4, $4  }
0x66: {  	_ = 	snop  }
0x67: {  	[tilespmem:s24], [sflag:$0x3] =	stream.indirect.gather [hbm4b:s1+s19], $0x40, s8, s19, $0xb8;
	[tilespmem:$0x14200] =	vst v63  }
0x68: {  	s9 =	rddreg [dreg:$0xa]  }
0x69: {  	[tilespmem:s25], [sflag:$0x5] =	stream.linear.gather [hbm4b:s9+s8], $0x2000, $0x38;
	[tilespmem:$0x14200] =	vst v63  }
.LBB2_14:
0x6a: {  	s8 =	sadd.s32 $0x1, s8  }
0x6b: {  	p1 =	seq.s32 s8, $0x4F  }
.Ltmp5:
0x6c: {  	_ = 	snop;
	(pc) =	sbr.rel @p1 .LBB2_15-.Ltmp5, $1  }
0x6d: {  	_ =	sdelay $0x3  }
.LBB2_5:
0x6e: {  	s9 =	sshll.u32 s8, $0x5  }
0x6f: {  	s9 =	sor.u32 s4, s9  }
0x70: {  	p1 =	sgt.u32 s9, $0x9C3  }
.Ltmp6:
0x71: {  	_ = 	snop;
	(pc) =	sbr.rel @p1 .LBB2_14-.Ltmp6, $1  }
0x72: {  	_ =	sdelay $0x3  }
0x73: {  	s20 =	sor.u32 $0x10, s9  }
0x74: {  	p1 =	sgt.u32 s20, $0x9C3  }
0x75: {  	s21 =	simm.s32 @!p1 $0x2  }
0x76: {  	_ =	swait.ge @!p1 [sflag:s21], $0x100  }
0x77: {  	s22 =	simm.s32 @!p1 $0x100;
	[sflag:s21] =	ssyncset.done @!p1 $0x0  }
0x78: {  	s23 =	simm.s32 @!p1 $0x2200;
	[sflag:s21] =	ssyncadd.s32 @!p1 $0xFFFFFF00;
	s21 =	simm.s32 @!p1 $0x80  }
0x79: {  	[tilespmem:s23], [sflag:$0x4] =	stream.indirect.gather @!p1 [hbm4b:s1+s21], $0x40, s22, s21, $0xb8;
	[tilespmem:$0x14200] =	vst v63  }
0x7a: {  	s21 =	sshll.u32 @!p1 s20, $0xA  }
0x7b: {  	s22 =	simm.s32 @!p1 $0x0;
	s23 =	simm.s32 @!p1 $0x6200;
	s21 =	sadd.s32 @!p1 s6, s21  }
0x7c: {  	[tilespmem:s23], [sflag:$0x6] =	stream.linear.gather @!p1 [hbm4b:s21+s22], $0x2000, $0x38;
	[tilespmem:$0x14200] =	vst v63  }
0x7d: {  	_ =	swait.ge [sflag:s26], $0x2000  }
0x7e: {  	[sflag:s26] =	ssyncset.done $0x0  }
0x7f: {  	[sflag:s26] =	ssyncadd.s32 $0xFFFFE000  }
0x80: {  	_ =	swait.ge [sflag:s11], $0x2000  }
0x81: {  	[sflag:s11] =	ssyncset.done $0x0  }
0x82: {  	s21 =	simm.s32 $0x0;
	[sflag:s11] =	ssyncadd.s32 $0xFFFFE000  }
0x83: {  	v8 =	vld [tilespmem:s21+$0x4200]  }
0x84: {  	v12 =	vld [tilespmem:s21+$0x4210]  }
0x85: {  	v6 =	vld [tilespmem:s21+$0x4220]  }
0x86: {  	v5 =	vld [tilespmem:s21+$0x4230]  }
0x87: {  	v4 =	vld [tilespmem:s21+$0x4240]  }
0x88: {  	v3 =	vld [tilespmem:s21+$0x4250]  }
0x89: {  	v2 =	vld [tilespmem:s21+$0x4260]  }
0x8a: {  	v1 =	vld [tilespmem:s21+$0x4270]  }
0x8b: {  	v13 =	vld [tilespmem:s21+$0x200]  }
0x8c: {  	v14 =	vld [tilespmem:s21+$0x210]  }
0x8d: {  	v11 =	vld [tilespmem:s21+$0x220]  }
0x8e: {  	v10 =	vld [tilespmem:s21+$0x230]  }
0x8f: {  	v9 =	vld [tilespmem:s21+$0x240]  }
0x90: {  	v7 =	vld [tilespmem:s21+$0x250];
	v13 =	vmul.f32 v8, v13  }
0x91: {  	s22 =	simm.s32 $0x200;
	v12 =	vmul.f32 v12, v14;
	v8 =	vld [tilespmem:s21+$0x260]  }
.LBB2_7:
0x92: {  	s23 =	sshra.s32 s22, $0x2;
	p1 =	sne.s32 s22, $0x7E00;
	[tilespmem:s21+$0x200] =	vst v13;
	v6 =	vmul.f32 v6, v11;
	v11 =	vld [tilespmem:s21+$0x270]  }
0x93: {  	v13 =	vld [tilespmem:s23+$0x4200];
	[tilespmem:s21+$0x210] =	vst v12;
	v5 =	vmul.f32 v5, v10  }
0x94: {  	v12 =	vld [tilespmem:s23+$0x4210];
	[tilespmem:s21+$0x220] =	vst v6;
	v4 =	vmul.f32 v4, v9  }
0x95: {  	v6 =	vld [tilespmem:s23+$0x4220];
	[tilespmem:s21+$0x230] =	vst v5;
	v3 =	vmul.f32 v3, v7  }
0x96: {  	v5 =	vld [tilespmem:s23+$0x4230];
	[tilespmem:s21+$0x240] =	vst v4;
	v2 =	vmul.f32 v2, v8  }
0x97: {  	v4 =	vld [tilespmem:s23+$0x4240];
	[tilespmem:s21+$0x250] =	vst v3;
	v1 =	vmul.f32 v1, v11  }
0x98: {  	v3 =	vld [tilespmem:s23+$0x4250];
	[tilespmem:s21+$0x260] =	vst v2  }
0x99: {  	v2 =	vld [tilespmem:s23+$0x4260];
	[tilespmem:s21+$0x270] =	vst v1;
	s21 =	smov.u32 s23  }
0x9a: {  	v1 =	vld [tilespmem:s21+$0x4270]  }
0x9b: {  	v7 =	vld [tilespmem:s21+$0x200]  }
0x9c: {  	v8 =	vld [tilespmem:s21+$0x210]  }
.Ltmp7:
0x9d: {  	v11 =	vld [tilespmem:s21+$0x220];
	(pc) =	sbr.rel @p1 .LBB2_7-.Ltmp7, $4  }
0x9e: {  	v10 =	vld [tilespmem:s21+$0x230]  }
0x9f: {  	v9 =	vld [tilespmem:s21+$0x240]  }
0xa0: {  	v13 =	vmul.f32 v13, v7;
	v7 =	vld [tilespmem:s21+$0x250]  }
0xa1: {  	s22 =	sadd.s32 $0x200, s22;
	v12 =	vmul.f32 v12, v8;
	v8 =	vld [tilespmem:s21+$0x260]  }
0xa2: {  	[tilespmem:s21+$0x200] =	vst v13;
	v6 =	vmul.f32 v6, v11;
	v63 =	vld [tilespmem:s21+$0x270]  }
0xa3: {  	[tilespmem:s21+$0x210] =	vst v12;
	v5 =	vmul.f32 v5, v10  }
0xa4: {  	[tilespmem:s21+$0x220] =	vst v6;
	v4 =	vmul.f32 v4, v9  }
0xa5: {  	[tilespmem:s21+$0x230] =	vst v5;
	v3 =	vmul.f32 v3, v7  }
0xa6: {  	[tilespmem:s21+$0x240] =	vst v4;
	v2 =	vmul.f32 v2, v8  }
0xa7: {  	[tilespmem:s21+$0x250] =	vst v3;
	v1 =	vmul.f32 v1, v63  }
0xa8: {  	p1 =	slt.u32 s9, $0x9A4;
	[tilespmem:s21+$0x260] =	vst v2  }
.Ltmp8:
0xa9: {  	[tilespmem:s21+$0x270] =	vst v1;
	(pc) =	sbr.rel @!p1 .LBB2_9-.Ltmp8, $4  }
0xaa: {  	[spmem:s2] =	stream.indirect.scatter.add.f32 [tilespmem:s24], [sflag:$0x7], $0x40, s19, s19, $0xb8;
	[tilespmem:$0x14200] =	vst v63  }
0xab: {  	_ =	swait.ge [sflag:s17], $0x2000  }
0xac: {  	[sflag:s17] =	ssyncset.done $0x0  }
0xad: {  	[sflag:s17] =	ssyncadd.s32 $0xFFFFE000  }
0xae: {  	s20 =	sshll.u32 s9, $0x5  }
0xaf: {  	s20 =	sadd.s32 s20, s14  }
0xb0: {  	[tilespmem:s3], [sflag:$0x1] =	stream.linear.gather [hbm4b:s20+s3], $0x100, $0x38;
	[tilespmem:$0x14200] =	vst v63  }
0xb1: {  	_ =	swait.ge [sflag:s12], $0x100  }
.Ltmp9:
0xb2: {  	[sflag:s12] =	ssyncset.done $0x0;
	(pc) =	sbr.rel .LBB2_11-.Ltmp9, $4  }
0xb3: {  	s23 =	sshll.u32 s9, $0xA;
	[sflag:s12] =	ssyncadd.s32 $0xFFFFFF00  }
0xb4: {  	[tilespmem:s24], [sflag:$0x3] =	stream.indirect.gather [hbm4b:s1+s19], $0x40, s3, s19, $0xb8;
	[tilespmem:$0x14200] =	vst v63  }
0xb5: {  	s20 =	sadd.s32 s23, s18  }
0xb6: {  	[tilespmem:s25], [sflag:$0x5] =	stream.linear.gather [hbm4b:s20+s3], $0x2000, $0x38;
	[tilespmem:$0x14200] =	vst v63  }
.LBB2_9:
0xb7: {  	p1 =	slt.u32 s20, $0x9C4  }
.Ltmp10:
0xb8: {  	_ = 	snop;
	(pc) =	sbr.rel @!p1 .LBB2_14-.Ltmp10, $1  }
0xb9: {  	_ =	sdelay $0x3  }
.LBB2_11:
0xba: {  	_ =	swait.ge [sflag:s28], $0x2000  }
0xbb: {  	[sflag:s28] =	ssyncset.done $0x0  }
0xbc: {  	[sflag:s28] =	ssyncadd.s32 $0xFFFFE000  }
0xbd: {  	_ =	swait.ge [sflag:s29], $0x2000  }
0xbe: {  	[sflag:s29] =	ssyncset.done $0x0  }
0xbf: {  	s20 =	simm.s32 $0x0;
	[sflag:s29] =	ssyncadd.s32 $0xFFFFE000  }
0xc0: {  	v8 =	vld [tilespmem:s20+$0x6200]  }
0xc1: {  	v12 =	vld [tilespmem:s20+$0x6210]  }
0xc2: {  	v6 =	vld [tilespmem:s20+$0x6220]  }
0xc3: {  	v5 =	vld [tilespmem:s20+$0x6230]  }
0xc4: {  	v4 =	vld [tilespmem:s20+$0x6240]  }
0xc5: {  	v3 =	vld [tilespmem:s20+$0x6250]  }
0xc6: {  	v2 =	vld [tilespmem:s20+$0x6260]  }
0xc7: {  	v1 =	vld [tilespmem:s20+$0x6270]  }
0xc8: {  	v13 =	vld [tilespmem:s20+$0x2200]  }
0xc9: {  	v14 =	vld [tilespmem:s20+$0x2210]  }
0xca: {  	v11 =	vld [tilespmem:s20+$0x2220]  }
0xcb: {  	v10 =	vld [tilespmem:s20+$0x2230]  }
0xcc: {  	v9 =	vld [tilespmem:s20+$0x2240]  }
0xcd: {  	v7 =	vld [tilespmem:s20+$0x2250];
	v13 =	vmul.f32 v8, v13  }
0xce: {  	s21 =	simm.s32 $0x200;
	v12 =	vmul.f32 v12, v14;
	v8 =	vld [tilespmem:s20+$0x2260]  }
.LBB2_12:
0xcf: {  	s22 =	sshra.s32 s21, $0x2;
	p1 =	sne.s32 s21, $0x7E00;
	[tilespmem:s20+$0x2200] =	vst v13;
	v6 =	vmul.f32 v6, v11;
	v11 =	vld [tilespmem:s20+$0x2270]  }
0xd0: {  	v13 =	vld [tilespmem:s22+$0x6200];
	[tilespmem:s20+$0x2210] =	vst v12;
	v5 =	vmul.f32 v5, v10  }
0xd1: {  	v12 =	vld [tilespmem:s22+$0x6210];
	[tilespmem:s20+$0x2220] =	vst v6;
	v4 =	vmul.f32 v4, v9  }
0xd2: {  	v6 =	vld [tilespmem:s22+$0x6220];
	[tilespmem:s20+$0x2230] =	vst v5;
	v3 =	vmul.f32 v3, v7  }
0xd3: {  	v5 =	vld [tilespmem:s22+$0x6230];
	[tilespmem:s20+$0x2240] =	vst v4;
	v2 =	vmul.f32 v2, v8  }
0xd4: {  	v4 =	vld [tilespmem:s22+$0x6240];
	[tilespmem:s20+$0x2250] =	vst v3;
	v1 =	vmul.f32 v1, v11  }
0xd5: {  	v3 =	vld [tilespmem:s22+$0x6250];
	[tilespmem:s20+$0x2260] =	vst v2  }
0xd6: {  	v2 =	vld [tilespmem:s22+$0x6260];
	[tilespmem:s20+$0x2270] =	vst v1;
	s20 =	smov.u32 s22  }
0xd7: {  	v1 =	vld [tilespmem:s20+$0x6270]  }
0xd8: {  	v7 =	vld [tilespmem:s20+$0x2200]  }
0xd9: {  	v8 =	vld [tilespmem:s20+$0x2210]  }
.Ltmp11:
0xda: {  	v11 =	vld [tilespmem:s20+$0x2220];
	(pc) =	sbr.rel @p1 .LBB2_12-.Ltmp11, $4  }
0xdb: {  	v10 =	vld [tilespmem:s20+$0x2230]  }
0xdc: {  	v9 =	vld [tilespmem:s20+$0x2240]  }
0xdd: {  	v13 =	vmul.f32 v13, v7;
	v7 =	vld [tilespmem:s20+$0x2250]  }
0xde: {  	s21 =	sadd.s32 $0x200, s21;
	v12 =	vmul.f32 v12, v8;
	v8 =	vld [tilespmem:s20+$0x2260]  }
0xdf: {  	[tilespmem:s20+$0x2200] =	vst v13;
	v6 =	vmul.f32 v6, v11;
	v63 =	vld [tilespmem:s20+$0x2270]  }
0xe0: {  	[tilespmem:s20+$0x2210] =	vst v12;
	v5 =	vmul.f32 v5, v10  }
0xe1: {  	[tilespmem:s20+$0x2220] =	vst v6;
	v4 =	vmul.f32 v4, v9  }
0xe2: {  	[tilespmem:s20+$0x2230] =	vst v5;
	v3 =	vmul.f32 v3, v7  }
0xe3: {  	[tilespmem:s20+$0x2240] =	vst v4;
	v2 =	vmul.f32 v2, v8  }
0xe4: {  	[tilespmem:s20+$0x2250] =	vst v3;
	v1 =	vmul.f32 v1, v63  }
0xe5: {  	[tilespmem:s20+$0x2260] =	vst v2  }
0xe6: {  	[tilespmem:s20+$0x2270] =	vst v1  }
0xe7: {  	[spmem:s2] =	stream.indirect.scatter.add.f32 [tilespmem:s31], [sflag:$0x7], $0x40, s30, s19, $0xb8;
	[tilespmem:$0x14200] =	vst v63  }
.Ltmp12:
0xe8: {  	_ = 	snop;
	(pc) =	sbr.rel .LBB2_14-.Ltmp12, $4  }
0xe9: {  	p1 =	sgt.u32 s9, $0x993;
	_ =	swait.ge [sflag:s17], $0x2000  }
0xea: {  	s9 =	sshll.u32 @!p1 s9, $0x5;
	s21 =	simm.s32 @!p1 $0x100;
	[sflag:s17] =	ssyncset.done $0x0  }
0xeb: {  	s9 =	sadd.s32 @!p1 s9, s16;
	s20 =	simm.s32 @!p1 $0x0;
	[sflag:s17] =	ssyncadd.s32 $0xFFFFE000  }
0xec: {  	[tilespmem:s21], [sflag:$0x2] =	stream.linear.gather @!p1 [hbm4b:s9+s20], $0x100, $0x38;
	[tilespmem:$0x14200] =	vst v63  }
.LBB2_16:
.Ltmp13:
0xed: {  	(pc) =	sbr.rel .LBB2_17-.Ltmp13, $4  }
0xee: {  	_ = 	snop  }
0xef: {  	[tilespmem:s24], [sflag:$0x3] =	stream.indirect.gather [hbm4b:s5+s19], $0x40, s8, s19, $0xb8;
	[tilespmem:$0x14200] =	vst v63  }
0xf0: {  	s9 =	rddreg [dreg:$0x9]  }
0xf1: {  	[tilespmem:s25], [sflag:$0x5] =	stream.linear.gather [hbm4b:s9+s8], $0x2000, $0x38;
	[tilespmem:$0x14200] =	vst v63  }
.LBB2_25:
0xf2: {  	[tilespmem:s20+$0x2200] =	vst v13;
	v6 =	vmul.f32 v6, v11;
	v63 =	vld [tilespmem:s20+$0x2270]  }
0xf3: {  	[tilespmem:s20+$0x2210] =	vst v12;
	v5 =	vmul.f32 v5, v10  }
0xf4: {  	v4 =	vmul.f32 v4, v9;
	[tilespmem:s20+$0x2220] =	vst v6  }
0xf5: {  	v3 =	vmul.f32 v3, v7;
	[tilespmem:s20+$0x2230] =	vst v5  }
0xf6: {  	v2 =	vmul.f32 v2, v8;
	[tilespmem:s20+$0x2240] =	vst v4  }
0xf7: {  	[tilespmem:s20+$0x2250] =	vst v3;
	v1 =	vmul.f32 v1, v63  }
0xf8: {  	[tilespmem:s20+$0x2260] =	vst v2  }
0xf9: {  	[tilespmem:s20+$0x2270] =	vst v1  }
0xfa: {  	[spmem:s2] =	stream.indirect.scatter.add.f32 [tilespmem:s31], [sflag:$0x7], $0x40, s30, s19, $0xb8;
	[tilespmem:$0x14200] =	vst v63  }
0xfb: {  	p1 =	sgt.u32 s9, $0x993;
	_ =	swait.ge [sflag:s17], $0x2000  }
0xfc: {  	s9 =	sshll.u32 @!p1 s9, $0x5;
	s21 =	simm.s32 @!p1 $0x100;
	[sflag:s17] =	ssyncset.done $0x0  }
0xfd: {  	s9 =	sadd.s32 @!p1 s9, s16;
	s20 =	simm.s32 @!p1 $0x0;
	[sflag:s17] =	ssyncadd.s32 $0xFFFFE000  }
0xfe: {  	[tilespmem:s21], [sflag:$0x2] =	stream.linear.gather @!p1 [hbm4b:s9+s20], $0x100, $0x38;
	[tilespmem:$0x14200] =	vst v63  }
.LBB2_26:
0xff: {  	s8 =	sadd.s32 $0x1, s8  }
0x100: {  	p1 =	sne.s32 s8, $0x4F  }
.Ltmp14:
0x101: {  	_ = 	snop;
	(pc) =	sbr.rel @!p1 .LBB2_27-.Ltmp14, $1  }
0x102: {  	_ =	sdelay $0x3  }
.LBB2_17:
0x103: {  	s9 =	sshll.u32 s8, $0x5  }
0x104: {  	s9 =	sor.u32 s4, s9  }
0x105: {  	p1 =	sgt.u32 s9, $0x9C3  }
.Ltmp15:
0x106: {  	_ = 	snop;
	(pc) =	sbr.rel @p1 .LBB2_26-.Ltmp15, $1  }
0x107: {  	_ =	sdelay $0x3  }
0x108: {  	s20 =	sor.u32 $0x10, s9  }
0x109: {  	p1 =	sgt.u32 s20, $0x9C3  }
0x10a: {  	s21 =	simm.s32 @!p1 $0x2  }
0x10b: {  	_ =	swait.ge @!p1 [sflag:s21], $0x100  }
0x10c: {  	s22 =	simm.s32 @!p1 $0x100;
	[sflag:s21] =	ssyncset.done @!p1 $0x0  }
0x10d: {  	s23 =	simm.s32 @!p1 $0x2200;
	[sflag:s21] =	ssyncadd.s32 @!p1 $0xFFFFFF00;
	s21 =	simm.s32 @!p1 $0x80  }
0x10e: {  	[tilespmem:s23], [sflag:$0x4] =	stream.indirect.gather @!p1 [hbm4b:s5+s21], $0x40, s22, s21, $0xb8;
	[tilespmem:$0x14200] =	vst v63  }
0x10f: {  	s21 =	sshll.u32 @!p1 s20, $0xA  }
0x110: {  	s22 =	simm.s32 @!p1 $0x0;
	s23 =	simm.s32 @!p1 $0x6200;
	s21 =	sadd.s32 @!p1 s7, s21  }
0x111: {  	[tilespmem:s23], [sflag:$0x6] =	stream.linear.gather @!p1 [hbm4b:s21+s22], $0x2000, $0x38;
	[tilespmem:$0x14200] =	vst v63  }
0x112: {  	_ =	swait.ge [sflag:s26], $0x2000  }
0x113: {  	[sflag:s26] =	ssyncset.done $0x0  }
0x114: {  	[sflag:s26] =	ssyncadd.s32 $0xFFFFE000  }
0x115: {  	_ =	swait.ge [sflag:s11], $0x2000  }
0x116: {  	[sflag:s11] =	ssyncset.done $0x0  }
0x117: {  	s21 =	simm.s32 $0x0;
	[sflag:s11] =	ssyncadd.s32 $0xFFFFE000  }
0x118: {  	v8 =	vld [tilespmem:s21+$0x4200]  }
0x119: {  	v12 =	vld [tilespmem:s21+$0x4210]  }
0x11a: {  	v6 =	vld [tilespmem:s21+$0x4220]  }
0x11b: {  	v5 =	vld [tilespmem:s21+$0x4230]  }
0x11c: {  	v4 =	vld [tilespmem:s21+$0x4240]  }
0x11d: {  	v3 =	vld [tilespmem:s21+$0x4250]  }
0x11e: {  	v2 =	vld [tilespmem:s21+$0x4260]  }
0x11f: {  	v1 =	vld [tilespmem:s21+$0x4270]  }
0x120: {  	v13 =	vld [tilespmem:s21+$0x200]  }
0x121: {  	v14 =	vld [tilespmem:s21+$0x210]  }
0x122: {  	v11 =	vld [tilespmem:s21+$0x220]  }
0x123: {  	v10 =	vld [tilespmem:s21+$0x230]  }
0x124: {  	v9 =	vld [tilespmem:s21+$0x240]  }
0x125: {  	v7 =	vld [tilespmem:s21+$0x250];
	v13 =	vmul.f32 v8, v13  }
0x126: {  	s22 =	simm.s32 $0x200;
	v12 =	vmul.f32 v12, v14;
	v8 =	vld [tilespmem:s21+$0x260]  }
.LBB2_19:
0x127: {  	s23 =	sshra.s32 s22, $0x2;
	p1 =	sne.s32 s22, $0x7E00;
	[tilespmem:s21+$0x200] =	vst v13;
	v6 =	vmul.f32 v6, v11;
	v11 =	vld [tilespmem:s21+$0x270]  }
0x128: {  	v13 =	vld [tilespmem:s23+$0x4200];
	[tilespmem:s21+$0x210] =	vst v12;
	v5 =	vmul.f32 v5, v10  }
0x129: {  	v12 =	vld [tilespmem:s23+$0x4210];
	[tilespmem:s21+$0x220] =	vst v6;
	v4 =	vmul.f32 v4, v9  }
0x12a: {  	v6 =	vld [tilespmem:s23+$0x4220];
	[tilespmem:s21+$0x230] =	vst v5;
	v3 =	vmul.f32 v3, v7  }
0x12b: {  	v5 =	vld [tilespmem:s23+$0x4230];
	[tilespmem:s21+$0x240] =	vst v4;
	v2 =	vmul.f32 v2, v8  }
0x12c: {  	v4 =	vld [tilespmem:s23+$0x4240];
	[tilespmem:s21+$0x250] =	vst v3;
	v1 =	vmul.f32 v1, v11  }
0x12d: {  	v3 =	vld [tilespmem:s23+$0x4250];
	[tilespmem:s21+$0x260] =	vst v2  }
0x12e: {  	v2 =	vld [tilespmem:s23+$0x4260];
	[tilespmem:s21+$0x270] =	vst v1;
	s21 =	smov.u32 s23  }
0x12f: {  	v1 =	vld [tilespmem:s21+$0x4270]  }
0x130: {  	v7 =	vld [tilespmem:s21+$0x200]  }
0x131: {  	v8 =	vld [tilespmem:s21+$0x210]  }
.Ltmp16:
0x132: {  	v11 =	vld [tilespmem:s21+$0x220];
	(pc) =	sbr.rel @p1 .LBB2_19-.Ltmp16, $4  }
0x133: {  	v10 =	vld [tilespmem:s21+$0x230]  }
0x134: {  	v9 =	vld [tilespmem:s21+$0x240]  }
0x135: {  	v13 =	vmul.f32 v13, v7;
	v7 =	vld [tilespmem:s21+$0x250]  }
0x136: {  	s22 =	sadd.s32 $0x200, s22;
	v12 =	vmul.f32 v12, v8;
	v8 =	vld [tilespmem:s21+$0x260]  }
0x137: {  	[tilespmem:s21+$0x200] =	vst v13;
	v6 =	vmul.f32 v6, v11;
	v63 =	vld [tilespmem:s21+$0x270]  }
0x138: {  	[tilespmem:s21+$0x210] =	vst v12;
	v5 =	vmul.f32 v5, v10  }
0x139: {  	[tilespmem:s21+$0x220] =	vst v6;
	v4 =	vmul.f32 v4, v9  }
0x13a: {  	[tilespmem:s21+$0x230] =	vst v5;
	v3 =	vmul.f32 v3, v7  }
0x13b: {  	[tilespmem:s21+$0x240] =	vst v4;
	v2 =	vmul.f32 v2, v8  }
0x13c: {  	[tilespmem:s21+$0x250] =	vst v3;
	v1 =	vmul.f32 v1, v63  }
0x13d: {  	p1 =	slt.u32 s9, $0x9A4;
	[tilespmem:s21+$0x260] =	vst v2  }
.Ltmp17:
0x13e: {  	[tilespmem:s21+$0x270] =	vst v1;
	(pc) =	sbr.rel @!p1 .LBB2_21-.Ltmp17, $4  }
0x13f: {  	[spmem:s2] =	stream.indirect.scatter.add.f32 [tilespmem:s24], [sflag:$0x7], $0x40, s19, s19, $0xb8;
	[tilespmem:$0x14200] =	vst v63  }
0x140: {  	_ =	swait.ge [sflag:s17], $0x2000  }
0x141: {  	[sflag:s17] =	ssyncset.done $0x0  }
0x142: {  	[sflag:s17] =	ssyncadd.s32 $0xFFFFE000  }
0x143: {  	s20 =	sshll.u32 s9, $0x5  }
0x144: {  	s20 =	sadd.s32 s20, s14  }
0x145: {  	[tilespmem:s3], [sflag:$0x1] =	stream.linear.gather [hbm4b:s20+s3], $0x100, $0x38;
	[tilespmem:$0x14200] =	vst v63  }
0x146: {  	_ =	swait.ge [sflag:s12], $0x100  }
.Ltmp18:
0x147: {  	[sflag:s12] =	ssyncset.done $0x0;
	(pc) =	sbr.rel .LBB2_23-.Ltmp18, $4  }
0x148: {  	s23 =	sshll.u32 s9, $0xA;
	[sflag:s12] =	ssyncadd.s32 $0xFFFFFF00  }
0x149: {  	[tilespmem:s24], [sflag:$0x3] =	stream.indirect.gather [hbm4b:s5+s19], $0x40, s3, s19, $0xb8;
	[tilespmem:$0x14200] =	vst v63  }
0x14a: {  	s20 =	sadd.s32 s23, s15  }
0x14b: {  	[tilespmem:s25], [sflag:$0x5] =	stream.linear.gather [hbm4b:s20+s3], $0x2000, $0x38;
	[tilespmem:$0x14200] =	vst v63  }
.LBB2_21:
0x14c: {  	p1 =	slt.u32 s20, $0x9C4  }
.Ltmp19:
0x14d: {  	_ = 	snop;
	(pc) =	sbr.rel @!p1 .LBB2_26-.Ltmp19, $1  }
0x14e: {  	_ =	sdelay $0x3  }
.LBB2_23:
0x14f: {  	_ =	swait.ge [sflag:s28], $0x2000  }
0x150: {  	[sflag:s28] =	ssyncset.done $0x0  }
0x151: {  	[sflag:s28] =	ssyncadd.s32 $0xFFFFE000  }
0x152: {  	_ =	swait.ge [sflag:s29], $0x2000  }
0x153: {  	[sflag:s29] =	ssyncset.done $0x0  }
0x154: {  	s20 =	simm.s32 $0x0;
	[sflag:s29] =	ssyncadd.s32 $0xFFFFE000  }
0x155: {  	v8 =	vld [tilespmem:s20+$0x6200]  }
0x156: {  	v12 =	vld [tilespmem:s20+$0x6210]  }
0x157: {  	v6 =	vld [tilespmem:s20+$0x6220]  }
0x158: {  	v5 =	vld [tilespmem:s20+$0x6230]  }
0x159: {  	v4 =	vld [tilespmem:s20+$0x6240]  }
0x15a: {  	v3 =	vld [tilespmem:s20+$0x6250]  }
0x15b: {  	v2 =	vld [tilespmem:s20+$0x6260]  }
0x15c: {  	v1 =	vld [tilespmem:s20+$0x6270]  }
0x15d: {  	v13 =	vld [tilespmem:s20+$0x2200]  }
0x15e: {  	v14 =	vld [tilespmem:s20+$0x2210]  }
0x15f: {  	v11 =	vld [tilespmem:s20+$0x2220]  }
0x160: {  	v10 =	vld [tilespmem:s20+$0x2230]  }
0x161: {  	v9 =	vld [tilespmem:s20+$0x2240]  }
0x162: {  	v7 =	vld [tilespmem:s20+$0x2250];
	v13 =	vmul.f32 v8, v13  }
0x163: {  	s21 =	simm.s32 $0x200;
	v12 =	vmul.f32 v12, v14;
	v8 =	vld [tilespmem:s20+$0x2260]  }
.LBB2_24:
0x164: {  	s22 =	sshra.s32 s21, $0x2;
	p1 =	sne.s32 s21, $0x7E00;
	[tilespmem:s20+$0x2200] =	vst v13;
	v6 =	vmul.f32 v6, v11;
	v11 =	vld [tilespmem:s20+$0x2270]  }
0x165: {  	v5 =	vmul.f32 v5, v10;
	v13 =	vld [tilespmem:s22+$0x6200];
	[tilespmem:s20+$0x2210] =	vst v12  }
0x166: {  	v4 =	vmul.f32 v4, v9;
	v12 =	vld [tilespmem:s22+$0x6210];
	[tilespmem:s20+$0x2220] =	vst v6  }
0x167: {  	v3 =	vmul.f32 v3, v7;
	v6 =	vld [tilespmem:s22+$0x6220];
	[tilespmem:s20+$0x2230] =	vst v5  }
0x168: {  	v2 =	vmul.f32 v2, v8;
	v5 =	vld [tilespmem:s22+$0x6230];
	[tilespmem:s20+$0x2240] =	vst v4  }
0x169: {  	v4 =	vld [tilespmem:s22+$0x6240];
	[tilespmem:s20+$0x2250] =	vst v3;
	v1 =	vmul.f32 v1, v11  }
0x16a: {  	v3 =	vld [tilespmem:s22+$0x6250];
	[tilespmem:s20+$0x2260] =	vst v2  }
0x16b: {  	v2 =	vld [tilespmem:s22+$0x6260];
	[tilespmem:s20+$0x2270] =	vst v1;
	s20 =	smov.u32 s22  }
0x16c: {  	v1 =	vld [tilespmem:s20+$0x6270]  }
0x16d: {  	v7 =	vld [tilespmem:s20+$0x2200]  }
0x16e: {  	v8 =	vld [tilespmem:s20+$0x2210]  }
.Ltmp20:
0x16f: {  	v11 =	vld [tilespmem:s20+$0x2220];
	(pc) =	sbr.rel @p1 .LBB2_24-.Ltmp20, $4  }
0x170: {  	v10 =	vld [tilespmem:s20+$0x2230]  }
0x171: {  	v9 =	vld [tilespmem:s20+$0x2240]  }
0x172: {  	v13 =	vmul.f32 v13, v7;
	v7 =	vld [tilespmem:s20+$0x2250]  }
0x173: {  	s21 =	sadd.s32 $0x200, s21;
	v12 =	vmul.f32 v12, v8;
	v8 =	vld [tilespmem:s20+$0x2260]  }
.Ltmp21:
0x174: {  	_ = 	snop;
	(pc) =	sbr.rel .LBB2_25-.Ltmp21, $1  }
0x175: {  	_ =	sdelay $0x3  }
.LBB2_15:
.Ltmp22:
0x176: {  	(pc) =	sbr.rel .LBB2_28-.Ltmp22, $2  }
0x177: {  	_ =	sdelay $0x2  }
0x178: {  	s8 =	rddreg [dreg:$0x5]  }
.LBB2_29:
0x179: {  	_ =	sfence.sel $0x180000  }
0x17a: {  	[bflag:$0x0] =	sbarrier.arrive $0xFFFF  }
0x17b: {  	_ =	strace $0x90000047  }
0x17c: {  	[bflag:$0x2] =	sbarrier.arrive $0xFFFF  }
0x17d: {  	p0 =	sne.s32 s4, $0x0;
	s0 =	rddreg [dreg:$0x4]  }
0x17e: {  	s0 =	sadd.s32 @!p0 $0x100000, s0  }
0x17f: {  	[sflag:s0] =	ssyncadd.tile.s32 @!p0 $0x1;
	_ =	shalt  }
.Lfunc_end2:
_tile_overlayer_lowered:
.L_overlay_start_2:
0x180: {  	(tag) =	ssettag $0x2  }
0x181: {  	s0 =	rddreg [dreg:$0x0];
	s2 =	stileid.u32  }
0x182: {  	s1 =	rddreg [dreg:$0x1];
	p0 =	sne.s32 s2, $0x0  }
0x183: {  	s3 =	rddreg [dreg:$0x2];
	[bflag:$0x3] =	sbarrier.arrive $0xFFFF;
	s2 =	simm.s32 @!p0 $0x1C07  }
0x184: {  	[timem:s3], [sflag:s2] =	dma.local @!p0 [hbm:s0], s1  }
0x185: {  	s0 =	simm.s32 @!p0 $0x7  }
0x186: {  	_ =	swait.ge @!p0 [sflag:s0], s1  }
0x187: {  	s1 =	ssub.s32 @!p0 $0x0, s1;
	[sflag:s0] =	ssyncset.done @!p0 $0x0  }
0x188: {  	[sflag:s0] =	ssyncadd.s32 @!p0 s1  }
0x189: {  	[bflag:$0x3] =	sbarrier.arrive $0xFFFF  }
0x18a: {  	_ =	shalt  }

</sc_bundles>
